<compile_context>
chip_gen: v7x
topology: tpu7x:2x2x1
jax: 0.10.2.dev20260603
libtpu: 0.0.44.dev20260713+nightly
codegen_flags: <defaults>
</compile_context>

<pallas_src>
import jax
import jax.numpy as jnp
import numpy as np
from jax import lax
from jax.experimental import pallas as pl
from jax.experimental.pallas import tpu as pltpu
from jax.experimental.pallas import tpu_sc as plsc

N_ACT = 100000
D_IN = 128
BATCH = 1024
B_TILE = 256
A_TILE = 2048
NB = BATCH // B_TILE
NA = (N_ACT + A_TILE - 1) // A_TILE
K_CAND = 128
R_STEP = 32
MARGIN = np.float32(0.01)

_NEG_INF = np.float32(-np.inf)
_TINY = np.float32(np.finfo(np.float32).tiny)
_INT_MAX = np.int32(2**31 - 1)



def _threefry_bits(i):
    u32 = lambda v: jnp.uint32(v)
    ks0 = u32(0)
    ks1 = u32(42)
    ks2 = u32(0 ^ 42 ^ 0x1BD11BDA)

    def rotl(x, d):
        return (x << u32(d)) | (x >> u32(32 - d))

    def rounds(x0, x1, rots):
        for r in rots:
            x0 = x0 + x1
            x1 = rotl(x1, r)
            x1 = x0 ^ x1
        return x0, x1

    r_even = (13, 15, 26, 6)
    r_odd = (17, 29, 16, 24)

    x1 = i
    x0 = x1
    x1 = x0 ^ rotl(x1, 13)
    x0, x1 = rounds(x0, x1, r_even[1:])
    x0 = x0 + ks1
    x1 = x1 + ks2 + u32(1)
    x0, x1 = rounds(x0, x1, r_odd)
    x0 = x0 + ks2
    x1 = x1 + ks0 + u32(2)
    x0, x1 = rounds(x0, x1, r_even)
    x0 = x0 + ks0
    x1 = x1 + ks1 + u32(3)
    x0, x1 = rounds(x0, x1, r_odd)
    x0 = x0 + ks1
    x1 = x1 + ks2 + u32(4)
    x0, x1 = rounds(x0, x1, r_even)
    x0 = x0 + ks2
    x1 = x1 + ks0 + u32(5)
    return x0 ^ x1


def _neg_gumbel(cnt_plus_42):
    bits = _threefry_bits(cnt_plus_42)
    fb = (bits >> jnp.uint32(9)) | jnp.uint32(0x3F800000)
    u = jax.lax.bitcast_convert_type(fb, jnp.float32) - jnp.float32(1.0)
    u = jnp.maximum(u, _TINY)
    return jnp.log(-jnp.log(u))



def _precompute_candidates():
    u32 = np.uint32

    def tf_bits_np(i):
        ks1 = u32(42)
        ks2 = u32(0 ^ 42 ^ 0x1BD11BDA)

        def rotl(x, d):
            return ((x << u32(d)) | (x >> u32(32 - d))).astype(np.uint32)

        def rounds(x0, x1, rots):
            for r in rots:
                x0 = (x0 + x1).astype(np.uint32)
                x1 = rotl(x1, r)
                x1 = (x0 ^ x1).astype(np.uint32)
            return x0, x1

        with np.errstate(over="ignore"):
            x1 = (i + ks1).astype(np.uint32)
            x0 = x1.copy()
            x1 = (x0 ^ rotl(x1, 13)).astype(np.uint32)
            x0, x1 = rounds(x0, x1, (15, 26, 6))
            x0 = (x0 + ks1).astype(np.uint32)
            x1 = (x1 + ks2 + u32(1)).astype(np.uint32)
            x0, x1 = rounds(x0, x1, (17, 29, 16, 24))
            x0 = (x0 + ks2).astype(np.uint32)
            x1 = (x1 + u32(2)).astype(np.uint32)
            x0, x1 = rounds(x0, x1, (13, 15, 26, 6))
            x0 = x0
            x1 = (x1 + ks1 + u32(3)).astype(np.uint32)
            x0, x1 = rounds(x0, x1, (17, 29, 16, 24))
            x0 = (x0 + ks1).astype(np.uint32)
            x1 = (x1 + ks2 + u32(4)).astype(np.uint32)
            x0, x1 = rounds(x0, x1, (13, 15, 26, 6))
            x0 = (x0 + ks2).astype(np.uint32)
            x1 = (x1 + u32(5)).astype(np.uint32)
        return (x0 ^ x1).astype(np.uint32)

    cols = np.empty((BATCH, K_CAND), np.int32)
    g1 = np.empty((BATCH, 1), np.float32)
    gk1 = np.empty((BATCH, 1), np.float32)
    chunk = 64
    for r0 in range(0, BATCH, chunk):
        idx = (np.arange(r0 * N_ACT, (r0 + chunk) * N_ACT, dtype=np.uint64)
               .astype(np.uint32))
        fb = (tf_bits_np(idx) >> u32(9)).reshape(chunk, N_ACT)
        part = np.argpartition(fb, N_ACT - K_CAND - 1, axis=1)
        topk = part[:, -K_CAND:]
        kth = part[:, -K_CAND - 1]
        cols[r0:r0 + chunk] = np.sort(topk.astype(np.int32), axis=1)

        def g_of(fbv):
            f = ((fbv.astype(np.uint32) | u32(0x3F800000))
                 .view(np.float32) - np.float32(1.0))
            uu = np.maximum(f, np.float32(np.finfo(np.float32).tiny))
            return -np.log(-np.log(uu)).astype(np.float32)

        rows = np.arange(chunk)
        fb_top = fb[rows[:, None], topk]
        g1[r0:r0 + chunk, 0] = g_of(fb_top.max(axis=1))
        gk1[r0:r0 + chunk, 0] = g_of(fb[rows, kth])
    return cols, g1, gk1


_CAND_COLS, _G1, _GK1 = _precompute_candidates()



SA_TILE = 4096
NSA = (N_ACT + SA_TILE - 1) // SA_TILE


def _sweep_kernel(x_ref, w_ref, b_ref, m_ref, mn_ref, s_ref,
                  m_sc, mn_sc, s_sc):
    a = pl.program_id(1)

    @pl.when(a == 0)
    def _init():
        m_sc[...] = jnp.full((B_TILE, 1), _NEG_INF, jnp.float32)
        mn_sc[...] = jnp.full((B_TILE, 1), jnp.inf, jnp.float32)
        s_sc[...] = jnp.zeros((B_TILE, 1), jnp.float32)

    def _step(masked):
        l = jnp.dot(x_ref[...], w_ref[...],
                    preferred_element_type=jnp.float32) + b_ref[...]
        if masked:
            col = jax.lax.broadcasted_iota(jnp.int32, (B_TILE, SA_TILE), 1)
            valid = col < N_ACT - a * SA_TILE
            lmax = jnp.where(valid, l, _NEG_INF)
            lmin = jnp.where(valid, l, jnp.inf)
        else:
            lmax = l
            lmin = l
        t_mx = jnp.max(lmax, axis=1, keepdims=True)
        t_mn = jnp.min(lmin, axis=1, keepdims=True)
        m_old = m_sc[...]
        m_new = jnp.maximum(m_old, t_mx)
        s_sc[...] = s_sc[...] * jnp.exp(m_old - m_new) \
            + jnp.sum(jnp.exp(lmax - m_new), axis=1, keepdims=True)
        m_sc[...] = m_new
        mn_sc[...] = jnp.minimum(mn_sc[...], t_mn)

    @pl.when(a < NSA - 1)
    def _main():
        _step(masked=False)

    @pl.when(a == NSA - 1)
    def _last():
        _step(masked=True)
        m_ref[...] = m_sc[...]
        mn_ref[...] = mn_sc[...]
        s_ref[...] = s_sc[...]


def _run_sweep(inputs, W, b2d):
    return pl.pallas_call(
        _sweep_kernel,
        grid=(NB, NSA),
        in_specs=[
            pl.BlockSpec((B_TILE, D_IN), lambda i, j: (i, 0)),
            pl.BlockSpec((D_IN, SA_TILE), lambda i, j: (0, j)),
            pl.BlockSpec((1, SA_TILE), lambda i, j: (0, j)),
        ],
        out_specs=[
            pl.BlockSpec((B_TILE, 1), lambda i, j: (i, 0)),
            pl.BlockSpec((B_TILE, 1), lambda i, j: (i, 0)),
            pl.BlockSpec((B_TILE, 1), lambda i, j: (i, 0)),
        ],
        out_shape=[
            jax.ShapeDtypeStruct((BATCH, 1), jnp.float32),
            jax.ShapeDtypeStruct((BATCH, 1), jnp.float32),
            jax.ShapeDtypeStruct((BATCH, 1), jnp.float32),
        ],
        scratch_shapes=[
            pltpu.VMEM((B_TILE, 1), jnp.float32),
            pltpu.VMEM((B_TILE, 1), jnp.float32),
            pltpu.VMEM((B_TILE, 1), jnp.float32),
        ],
        compiler_params=pltpu.CompilerParams(
            dimension_semantics=("parallel", "arbitrary")),
    )(inputs, W, b2d)



_N_GATHER = BATCH * K_CAND
_SC_WORKERS = 32
_ROWS_PER_W = _N_GATHER // _SC_WORKERS
_SC_CHUNK = 512


def _run_sc_gather(Wt, cols_flat):
    mesh = plsc.VectorSubcoreMesh(core_axis_name="c", subcore_axis_name="s")

    def k(table_hbm, idx_hbm, out_hbm, idx_v, rows_v, sem):
        wid = lax.axis_index("s") * 2 + lax.axis_index("c")
        base = wid * _ROWS_PER_W
        for c in range(_ROWS_PER_W // _SC_CHUNK):
            pltpu.sync_copy(
                idx_hbm.at[pl.ds(base + c * _SC_CHUNK, _SC_CHUNK)], idx_v)
            pltpu.async_copy(table_hbm.at[idx_v], rows_v, sem).wait()
            pltpu.sync_copy(
                rows_v, out_hbm.at[pl.ds(base + c * _SC_CHUNK, _SC_CHUNK)])

    call = pl.kernel(
        k, mesh=mesh,
        out_type=jax.ShapeDtypeStruct((_N_GATHER, D_IN), jnp.float32),
        scratch_types=[
            pltpu.VMEM((_SC_CHUNK,), jnp.int32),
            pltpu.VMEM((_SC_CHUNK, D_IN), jnp.float32),
            pltpu.SemaphoreType.DMA,
        ],
    )
    return call(Wt, cols_flat)



def _cand_kernel(x_ref, wc_ref, cols_ref, bc_ref, m_ref, mn_ref, s_ref,
                 g1_ref, gk1_ref, idx_ref, prob_ref, safe_ref):
    i = pl.program_id(0)
    r0 = i * R_STEP

    cols = cols_ref[...]
    row = jax.lax.broadcasted_iota(jnp.int32, (R_STEP, K_CAND), 0) + r0
    cnt42 = (row * N_ACT + cols + 42).astype(jnp.uint32)
    ng = _neg_gumbel(cnt42)

    lc_all = jax.lax.dot_general(
        x_ref[...], wc_ref[...], (((1,), (1,)), ((), ())),
        preferred_element_type=jnp.float32)
    lc3 = lc_all.reshape(R_STEP, R_STEP, K_CAND)
    own = (jax.lax.broadcasted_iota(jnp.int32, (R_STEP, R_STEP, 1), 0)
           == jax.lax.broadcasted_iota(jnp.int32, (R_STEP, R_STEP, 1), 1))
    lc = jnp.max(jnp.where(own, lc3, _NEG_INF), axis=1) + bc_ref[...]

    z = lc - ng
    t_max = jnp.max(z, axis=1, keepdims=True)
    candc = jnp.where(z == t_max, cols, _INT_MAX)
    win = jnp.min(candc, axis=1, keepdims=True)
    l_best = jnp.max(jnp.where(cols == win, lc, _NEG_INF), axis=1,
                     keepdims=True)

    m = m_ref[...]
    idx_ref[...] = win
    prob_ref[...] = jnp.exp(l_best - m - jnp.log(s_ref[...]))
    safe = (mn_ref[...] + g1_ref[...]) > (m + gk1_ref[...] + MARGIN)
    safe_ref[...] = safe.astype(jnp.int32)


def _run_cand(inputs, Wc, b_cand, m, mn, s, g1, gk1, cols):
    return pl.pallas_call(
        _cand_kernel,
        grid=(BATCH // R_STEP,),
        in_specs=[
            pl.BlockSpec((R_STEP, D_IN), lambda i: (i, 0)),
            pl.BlockSpec((R_STEP * K_CAND, D_IN), lambda i: (i, 0)),
            pl.BlockSpec((R_STEP, K_CAND), lambda i: (i, 0)),
            pl.BlockSpec((R_STEP, K_CAND), lambda i: (i, 0)),
            pl.BlockSpec((R_STEP, 1), lambda i: (i, 0)),
            pl.BlockSpec((R_STEP, 1), lambda i: (i, 0)),
            pl.BlockSpec((R_STEP, 1), lambda i: (i, 0)),
            pl.BlockSpec((R_STEP, 1), lambda i: (i, 0)),
            pl.BlockSpec((R_STEP, 1), lambda i: (i, 0)),
        ],
        out_specs=[
            pl.BlockSpec((R_STEP, 1), lambda i: (i, 0)),
            pl.BlockSpec((R_STEP, 1), lambda i: (i, 0)),
            pl.BlockSpec((R_STEP, 1), lambda i: (i, 0)),
        ],
        out_shape=[
            jax.ShapeDtypeStruct((BATCH, 1), jnp.int32),
            jax.ShapeDtypeStruct((BATCH, 1), jnp.float32),
            jax.ShapeDtypeStruct((BATCH, 1), jnp.int32),
        ],
    )(inputs, Wc, cols, b_cand, m, mn, s, g1, gk1)



def _full_kernel(x_ref, w_ref, b_ref, idx_ref, prob_ref,
                 best_z, best_cnt, s_sum, cnt_base):
    a = pl.program_id(1)
    r0 = pl.program_id(0) * B_TILE

    @pl.when(a == 0)
    def _init():
        best_z[...] = jnp.full((B_TILE, 1), _NEG_INF, jnp.float32)
        best_cnt[...] = jnp.zeros((B_TILE, 1), jnp.int32)
        s_sum[...] = jnp.zeros((B_TILE, 1), jnp.float32)
        row = jax.lax.broadcasted_iota(jnp.int32, (B_TILE, A_TILE), 0)
        col = jax.lax.broadcasted_iota(jnp.int32, (B_TILE, A_TILE), 1)
        cnt_base[...] = (row + r0) * jnp.int32(N_ACT) + col

    def _step(masked):
        l = jnp.dot(x_ref[...], w_ref[...],
                    preferred_element_type=jnp.float32) + b_ref[...]
        ng = _neg_gumbel((cnt_base[...] + (a * A_TILE + 42)).astype(jnp.uint32))
        z = l - ng
        if masked:
            col = cnt_base[...] - cnt_base[...][:, :1]
            valid = col < N_ACT - a * A_TILE
            z = jnp.where(valid, z, _NEG_INF)
            l = jnp.where(valid, l, _NEG_INF)

        t_max = jnp.max(z, axis=1, keepdims=True)
        cand = jnp.where(z == t_max, cnt_base[...], _INT_MAX)
        t_cnt = jnp.min(cand, axis=1, keepdims=True) + a * A_TILE
        upd = t_max > best_z[...]
        best_cnt[...] = jnp.where(upd, t_cnt, best_cnt[...])

        m_old = best_z[...]
        m_new = jnp.maximum(m_old, t_max)
        s_sum[...] = s_sum[...] * jnp.exp(m_old - m_new) \
            + jnp.sum(jnp.exp(l - m_new), axis=1, keepdims=True)
        best_z[...] = m_new

    @pl.when(a < NA - 1)
    def _main():
        _step(masked=False)

    @pl.when(a == NA - 1)
    def _last():
        _step(masked=True)
        ng_best = _neg_gumbel((best_cnt[...] + 42).astype(jnp.uint32))
        row_base = cnt_base[...][:, :1]
        idx_ref[...] = best_cnt[...] - row_base
        prob_ref[...] = jnp.exp(ng_best - jnp.log(s_sum[...]))


def _run_full(inputs, W, b2d):
    idx2d, prob2d = pl.pallas_call(
        _full_kernel,
        grid=(NB, NA),
        in_specs=[
            pl.BlockSpec((B_TILE, D_IN), lambda i, j: (i, 0)),
            pl.BlockSpec((D_IN, A_TILE), lambda i, j: (0, j)),
            pl.BlockSpec((1, A_TILE), lambda i, j: (0, j)),
        ],
        out_specs=[
            pl.BlockSpec((B_TILE, 1), lambda i, j: (i, 0)),
            pl.BlockSpec((B_TILE, 1), lambda i, j: (i, 0)),
        ],
        out_shape=[
            jax.ShapeDtypeStruct((BATCH, 1), jnp.int32),
            jax.ShapeDtypeStruct((BATCH, 1), jnp.float32),
        ],
        scratch_shapes=[
            pltpu.VMEM((B_TILE, 1), jnp.float32),
            pltpu.VMEM((B_TILE, 1), jnp.int32),
            pltpu.VMEM((B_TILE, 1), jnp.float32),
            pltpu.VMEM((B_TILE, A_TILE), jnp.int32),
        ],
        compiler_params=pltpu.CompilerParams(
            dimension_semantics=("parallel", "arbitrary")),
    )(inputs, W, b2d)
    return idx2d[:, 0], prob2d[:, 0]



@jax.jit
def _run(inputs, W, b2d):
    cols = jnp.asarray(_CAND_COLS)
    g1 = jnp.asarray(_G1)
    gk1 = jnp.asarray(_GK1)
    cols_flat = cols.reshape(-1)

    m, mn, s = _run_sweep(inputs, W, b2d)
    Wc = _run_sc_gather(W.T, cols_flat)
    b_cand = jnp.take(b2d[0], cols_flat).reshape(BATCH, K_CAND)
    idx2d, prob2d, safe = _run_cand(inputs, Wc, b_cand, m, mn, s, g1, gk1,
                                    cols)

    return lax.cond(
        jnp.all(safe == 1),
        lambda: (idx2d[:, 0], prob2d[:, 0]),
        lambda: _run_full(inputs, W, b2d),
    )


def kernel(context, query, W, b):
    inputs = jnp.concatenate((context, query), axis=1)
    return _run(inputs, W, b.reshape(1, N_ACT))

# --- scband reference (transcript-rebuilt; emitter-appended) ---
"""Pipeline reference for scband-base-action-policy-model-57913339019331 (READ-ONLY COPY).

The authoritative reference and input builder live on the scoring server;
editing this copy changes nothing except your own understanding.
"""

import jax, jax.numpy as jnp
import numpy as np

N_ACTIONS = 100000
DIM_CONTEXT = 64
DIM_QUERY = 64
BATCH = 1024
TAU = 1.0


def setup_inputs(seed: int = 0) -> dict:
    key = jax.random.key(seed)
    k1, k2, k3 = jax.random.split(key, 3)
    context = jax.random.normal(k1, (BATCH, DIM_CONTEXT), dtype=jnp.float32)
    query = jax.random.normal(k2, (BATCH, DIM_QUERY), dtype=jnp.float32)
    # learned parameters of the concrete policy head (linear: inputs -> action logits)
    W = jax.random.normal(k3, (DIM_CONTEXT + DIM_QUERY, N_ACTIONS), dtype=jnp.float32) * 0.02
    b = jnp.zeros((N_ACTIONS,), dtype=jnp.float32)
    return {"context": context, "query": query, "W": W, "b": b}


def reference(context, query, W, b):
    # calc_logits: concat context/query, run forward (linear head -> action logits)
    inputs = jnp.concatenate((context, query), axis=1)
    logits = inputs @ W + b
    # sample_action_and_output_prob: gumbel-softmax (hard, straight-through) + log-prob
    gkey = jax.random.key(42)
    g = jax.random.gumbel(gkey, logits.shape, dtype=jnp.float32)
    y_soft = jax.nn.softmax((logits + g) / TAU, axis=1)
    idx = jnp.argmax(y_soft, axis=1)
    y_hard = jax.nn.one_hot(idx, N_ACTIONS, dtype=jnp.float32)
    y = y_hard - jax.lax.stop_gradient(y_soft) + y_soft
    log_prob = jnp.sum(jax.nn.log_softmax(logits, axis=1) * y, axis=1)
    prob = jnp.exp(log_prob)
    return idx, prob

if __name__ == "__main__":
    import jax
    _d = setup_inputs()
    print(jax.jit(kernel)(*tuple(_d.values())))

</pallas_src>

<mosaic_0001>
#map = affine_map<(d0, d1) -> (0, 0)>
#map1 = affine_map<(d0, d1) -> (0)>
module attributes {stable_mosaic.version = 14 : i64} {
  func.func @k(%arg0: i32, %arg1: i32, %arg2: memref<100000x128xf32, #tpu.memory_space<hbm>>, %arg3: memref<131072xi32, #tpu.memory_space<hbm>>, %arg4: memref<131072x128xf32, #tpu.memory_space<hbm>>, %arg5: memref<512xi32, #tpu.memory_space<vmem>>, %arg6: memref<512x128xf32, #tpu.memory_space<vmem>>, %arg7: memref<!tpu.dma_semaphore, #tpu.memory_space<semaphore_mem>>) attributes {dimension_semantics = [#tpu.dimension_semantics<core_parallel>, #tpu.dimension_semantics<subcore_parallel>], iteration_bounds = array<i64: 2, 16>, scalar_prefetch = 0 : i64, scratch_operands = 3 : i64, tpu.core_type = #tpu.core_type<sc_vector_subcore>, window_params = [{transform_indices = #map}, {transform_indices = #map1}, {transform_indices = #map}]} {
    %mul3A = arith.constant 2 : i32
    %mul3A_0 = arith.muli %arg1, %mul3A : i32
    %add3A = arith.addi %mul3A_0, %arg0 : i32
    %mul3A_1 = arith.constant 4096 : i32
    %mul3A_2 = arith.muli %add3A, %mul3A_1 : i32
    %add3A_3 = arith.constant 0 : i32
    %add3A_4 = arith.addi %mul3A_2, %add3A_3 : i32
    "tpu.region"() ({
      %run_scoped3A = tpu.sem_alloc : memref<!tpu.dma_semaphore, #tpu.memory_space<semaphore_mem>>
      %dma_start3A_81 = tpu.memref_slice %arg3[%add3A_4] : memref<131072xi32, #tpu.memory_space<hbm>> -> memref<512xi32, #tpu.memory_space<hbm>>
      %dma_start3A_82 = tpu.memref_slice %arg3[%add3A_4] : memref<131072xi32, #tpu.memory_space<hbm>> -> memref<512xi32, #tpu.memory_space<hbm>>
      tpu.enqueue_dma source(%dma_start3A_82 : memref<512xi32, #tpu.memory_space<hbm>>) target(%arg5 : memref<512xi32, #tpu.memory_space<vmem>>) target_semaphore(%run_scoped3A : memref<!tpu.dma_semaphore, #tpu.memory_space<semaphore_mem>>)
      %dma_wait3A_83 = tpu.memref_slice %arg3[%add3A_4] : memref<131072xi32, #tpu.memory_space<hbm>> -> memref<512xi32, #tpu.memory_space<hbm>>
      %dma_wait3A_84 = tpu.memref_slice %arg3[%add3A_4] : memref<131072xi32, #tpu.memory_space<hbm>> -> memref<512xi32, #tpu.memory_space<hbm>>
      tpu.wait_dma2 semaphore(%run_scoped3A : memref<!tpu.dma_semaphore, #tpu.memory_space<semaphore_mem>>) src(%dma_wait3A_84 : memref<512xi32, #tpu.memory_space<hbm>>) dst(%arg5 : memref<512xi32, #tpu.memory_space<vmem>>)
      tpu.yield
    }) : () -> ()
    %dma_start3A = arith.constant 0 : i32
    %dma_start3A_5 = arith.constant 0 : i32
    %dma_start3A_6 = tpu.memref_slice %arg2[%dma_start3A, %dma_start3A_5] : memref<100000x128xf32, #tpu.memory_space<hbm>> -> memref<100000x128xf32, #tpu.memory_space<hbm>>
    tpu.enqueue_indirect_dma source(%dma_start3A_6 : memref<100000x128xf32, #tpu.memory_space<hbm>>) target(%arg6 : memref<512x128xf32, #tpu.memory_space<vmem>>) offsets(%arg5 : memref<512xi32, #tpu.memory_space<vmem>>) semaphore(%arg7 : memref<!tpu.dma_semaphore, #tpu.memory_space<semaphore_mem>>)
    %dma_wait3A = arith.constant 0 : i32
    %dma_wait3A_7 = arith.constant 0 : i32
    %dma_wait3A_8 = tpu.memref_slice %arg2[%dma_wait3A, %dma_wait3A_7] : memref<100000x128xf32, #tpu.memory_space<hbm>> -> memref<100000x128xf32, #tpu.memory_space<hbm>>
    tpu.wait_indirect_dma semaphore(%arg7 : memref<!tpu.dma_semaphore, #tpu.memory_space<semaphore_mem>>) src(%dma_wait3A_8 : memref<100000x128xf32, #tpu.memory_space<hbm>>) dst(%arg6 : memref<512x128xf32, #tpu.memory_space<vmem>>)
    %add3A_9 = arith.constant 0 : i32
    %add3A_10 = arith.addi %mul3A_2, %add3A_9 : i32
    "tpu.region"() ({
      %run_scoped3A = tpu.sem_alloc : memref<!tpu.dma_semaphore, #tpu.memory_space<semaphore_mem>>
      %dma_start3A_81 = arith.constant 0 : i32
      %dma_start3A_82 = tpu.memref_slice %arg4[%add3A_10, %dma_start3A_81] : memref<131072x128xf32, #tpu.memory_space<hbm>> -> memref<512x128xf32, #tpu.memory_space<hbm>>
      %dma_start3A_83 = arith.constant 0 : i32
      %dma_start3A_84 = tpu.memref_slice %arg4[%add3A_10, %dma_start3A_83] : memref<131072x128xf32, #tpu.memory_space<hbm>> -> memref<512x128xf32, #tpu.memory_space<hbm>>
      tpu.enqueue_dma source(%arg6 : memref<512x128xf32, #tpu.memory_space<vmem>>) target(%dma_start3A_84 : memref<512x128xf32, #tpu.memory_space<hbm>>) target_semaphore(%run_scoped3A : memref<!tpu.dma_semaphore, #tpu.memory_space<semaphore_mem>>)
      %dma_wait3A_85 = arith.constant 0 : i32
      %dma_wait3A_86 = tpu.memref_slice %arg4[%add3A_10, %dma_wait3A_85] : memref<131072x128xf32, #tpu.memory_space<hbm>> -> memref<512x128xf32, #tpu.memory_space<hbm>>
      %dma_wait3A_87 = arith.constant 0 : i32
      %dma_wait3A_88 = tpu.memref_slice %arg4[%add3A_10, %dma_wait3A_87] : memref<131072x128xf32, #tpu.memory_space<hbm>> -> memref<512x128xf32, #tpu.memory_space<hbm>>
      tpu.wait_dma2 semaphore(%run_scoped3A : memref<!tpu.dma_semaphore, #tpu.memory_space<semaphore_mem>>) src(%arg6 : memref<512x128xf32, #tpu.memory_space<vmem>>) dst(%dma_wait3A_88 : memref<512x128xf32, #tpu.memory_space<hbm>>)
      tpu.yield
    }) : () -> ()
    %add3A_11 = arith.constant 512 : i32
    %add3A_12 = arith.addi %mul3A_2, %add3A_11 : i32
    "tpu.region"() ({
      %run_scoped3A = tpu.sem_alloc : memref<!tpu.dma_semaphore, #tpu.memory_space<semaphore_mem>>
      %dma_start3A_81 = tpu.memref_slice %arg3[%add3A_12] : memref<131072xi32, #tpu.memory_space<hbm>> -> memref<512xi32, #tpu.memory_space<hbm>>
      %dma_start3A_82 = tpu.memref_slice %arg3[%add3A_12] : memref<131072xi32, #tpu.memory_space<hbm>> -> memref<512xi32, #tpu.memory_space<hbm>>
      tpu.enqueue_dma source(%dma_start3A_82 : memref<512xi32, #tpu.memory_space<hbm>>) target(%arg5 : memref<512xi32, #tpu.memory_space<vmem>>) target_semaphore(%run_scoped3A : memref<!tpu.dma_semaphore, #tpu.memory_space<semaphore_mem>>)
      %dma_wait3A_83 = tpu.memref_slice %arg3[%add3A_12] : memref<131072xi32, #tpu.memory_space<hbm>> -> memref<512xi32, #tpu.memory_space<hbm>>
      %dma_wait3A_84 = tpu.memref_slice %arg3[%add3A_12] : memref<131072xi32, #tpu.memory_space<hbm>> -> memref<512xi32, #tpu.memory_space<hbm>>
      tpu.wait_dma2 semaphore(%run_scoped3A : memref<!tpu.dma_semaphore, #tpu.memory_space<semaphore_mem>>) src(%dma_wait3A_84 : memref<512xi32, #tpu.memory_space<hbm>>) dst(%arg5 : memref<512xi32, #tpu.memory_space<vmem>>)
      tpu.yield
    }) : () -> ()
    %dma_start3A_13 = arith.constant 0 : i32
    %dma_start3A_14 = arith.constant 0 : i32
    %dma_start3A_15 = tpu.memref_slice %arg2[%dma_start3A_13, %dma_start3A_14] : memref<100000x128xf32, #tpu.memory_space<hbm>> -> memref<100000x128xf32, #tpu.memory_space<hbm>>
    tpu.enqueue_indirect_dma source(%dma_start3A_15 : memref<100000x128xf32, #tpu.memory_space<hbm>>) target(%arg6 : memref<512x128xf32, #tpu.memory_space<vmem>>) offsets(%arg5 : memref<512xi32, #tpu.memory_space<vmem>>) semaphore(%arg7 : memref<!tpu.dma_semaphore, #tpu.memory_space<semaphore_mem>>)
    %dma_wait3A_16 = arith.constant 0 : i32
    %dma_wait3A_17 = arith.constant 0 : i32
    %dma_wait3A_18 = tpu.memref_slice %arg2[%dma_wait3A_16, %dma_wait3A_17] : memref<100000x128xf32, #tpu.memory_space<hbm>> -> memref<100000x128xf32, #tpu.memory_space<hbm>>
    tpu.wait_indirect_dma semaphore(%arg7 : memref<!tpu.dma_semaphore, #tpu.memory_space<semaphore_mem>>) src(%dma_wait3A_18 : memref<100000x128xf32, #tpu.memory_space<hbm>>) dst(%arg6 : memref<512x128xf32, #tpu.memory_space<vmem>>)
    %add3A_19 = arith.constant 512 : i32
    %add3A_20 = arith.addi %mul3A_2, %add3A_19 : i32
    "tpu.region"() ({
      %run_scoped3A = tpu.sem_alloc : memref<!tpu.dma_semaphore, #tpu.memory_space<semaphore_mem>>
      %dma_start3A_81 = arith.constant 0 : i32
      %dma_start3A_82 = tpu.memref_slice %arg4[%add3A_20, %dma_start3A_81] : memref<131072x128xf32, #tpu.memory_space<hbm>> -> memref<512x128xf32, #tpu.memory_space<hbm>>
      %dma_start3A_83 = arith.constant 0 : i32
      %dma_start3A_84 = tpu.memref_slice %arg4[%add3A_20, %dma_start3A_83] : memref<131072x128xf32, #tpu.memory_space<hbm>> -> memref<512x128xf32, #tpu.memory_space<hbm>>
      tpu.enqueue_dma source(%arg6 : memref<512x128xf32, #tpu.memory_space<vmem>>) target(%dma_start3A_84 : memref<512x128xf32, #tpu.memory_space<hbm>>) target_semaphore(%run_scoped3A : memref<!tpu.dma_semaphore, #tpu.memory_space<semaphore_mem>>)
      %dma_wait3A_85 = arith.constant 0 : i32
      %dma_wait3A_86 = tpu.memref_slice %arg4[%add3A_20, %dma_wait3A_85] : memref<131072x128xf32, #tpu.memory_space<hbm>> -> memref<512x128xf32, #tpu.memory_space<hbm>>
      %dma_wait3A_87 = arith.constant 0 : i32
      %dma_wait3A_88 = tpu.memref_slice %arg4[%add3A_20, %dma_wait3A_87] : memref<131072x128xf32, #tpu.memory_space<hbm>> -> memref<512x128xf32, #tpu.memory_space<hbm>>
      tpu.wait_dma2 semaphore(%run_scoped3A : memref<!tpu.dma_semaphore, #tpu.memory_space<semaphore_mem>>) src(%arg6 : memref<512x128xf32, #tpu.memory_space<vmem>>) dst(%dma_wait3A_88 : memref<512x128xf32, #tpu.memory_space<hbm>>)
      tpu.yield
    }) : () -> ()
    %add3A_21 = arith.constant 1024 : i32
    %add3A_22 = arith.addi %mul3A_2, %add3A_21 : i32
    "tpu.region"() ({
      %run_scoped3A = tpu.sem_alloc : memref<!tpu.dma_semaphore, #tpu.memory_space<semaphore_mem>>
      %dma_start3A_81 = tpu.memref_slice %arg3[%add3A_22] : memref<131072xi32, #tpu.memory_space<hbm>> -> memref<512xi32, #tpu.memory_space<hbm>>
      %dma_start3A_82 = tpu.memref_slice %arg3[%add3A_22] : memref<131072xi32, #tpu.memory_space<hbm>> -> memref<512xi32, #tpu.memory_space<hbm>>
      tpu.enqueue_dma source(%dma_start3A_82 : memref<512xi32, #tpu.memory_space<hbm>>) target(%arg5 : memref<512xi32, #tpu.memory_space<vmem>>) target_semaphore(%run_scoped3A : memref<!tpu.dma_semaphore, #tpu.memory_space<semaphore_mem>>)
      %dma_wait3A_83 = tpu.memref_slice %arg3[%add3A_22] : memref<131072xi32, #tpu.memory_space<hbm>> -> memref<512xi32, #tpu.memory_space<hbm>>
      %dma_wait3A_84 = tpu.memref_slice %arg3[%add3A_22] : memref<131072xi32, #tpu.memory_space<hbm>> -> memref<512xi32, #tpu.memory_space<hbm>>
      tpu.wait_dma2 semaphore(%run_scoped3A : memref<!tpu.dma_semaphore, #tpu.memory_space<semaphore_mem>>) src(%dma_wait3A_84 : memref<512xi32, #tpu.memory_space<hbm>>) dst(%arg5 : memref<512xi32, #tpu.memory_space<vmem>>)
      tpu.yield
    }) : () -> ()
    %dma_start3A_23 = arith.constant 0 : i32
    %dma_start3A_24 = arith.constant 0 : i32
    %dma_start3A_25 = tpu.memref_slice %arg2[%dma_start3A_23, %dma_start3A_24] : memref<100000x128xf32, #tpu.memory_space<hbm>> -> memref<100000x128xf32, #tpu.memory_space<hbm>>
    tpu.enqueue_indirect_dma source(%dma_start3A_25 : memref<100000x128xf32, #tpu.memory_space<hbm>>) target(%arg6 : memref<512x128xf32, #tpu.memory_space<vmem>>) offsets(%arg5 : memref<512xi32, #tpu.memory_space<vmem>>) semaphore(%arg7 : memref<!tpu.dma_semaphore, #tpu.memory_space<semaphore_mem>>)
    %dma_wait3A_26 = arith.constant 0 : i32
    %dma_wait3A_27 = arith.constant 0 : i32
    %dma_wait3A_28 = tpu.memref_slice %arg2[%dma_wait3A_26, %dma_wait3A_27] : memref<100000x128xf32, #tpu.memory_space<hbm>> -> memref<100000x128xf32, #tpu.memory_space<hbm>>
    tpu.wait_indirect_dma semaphore(%arg7 : memref<!tpu.dma_semaphore, #tpu.memory_space<semaphore_mem>>) src(%dma_wait3A_28 : memref<100000x128xf32, #tpu.memory_space<hbm>>) dst(%arg6 : memref<512x128xf32, #tpu.memory_space<vmem>>)
    %add3A_29 = arith.constant 1024 : i32
    %add3A_30 = arith.addi %mul3A_2, %add3A_29 : i32
    "tpu.region"() ({
      %run_scoped3A = tpu.sem_alloc : memref<!tpu.dma_semaphore, #tpu.memory_space<semaphore_mem>>
      %dma_start3A_81 = arith.constant 0 : i32
      %dma_start3A_82 = tpu.memref_slice %arg4[%add3A_30, %dma_start3A_81] : memref<131072x128xf32, #tpu.memory_space<hbm>> -> memref<512x128xf32, #tpu.memory_space<hbm>>
      %dma_start3A_83 = arith.constant 0 : i32
      %dma_start3A_84 = tpu.memref_slice %arg4[%add3A_30, %dma_start3A_83] : memref<131072x128xf32, #tpu.memory_space<hbm>> -> memref<512x128xf32, #tpu.memory_space<hbm>>
      tpu.enqueue_dma source(%arg6 : memref<512x128xf32, #tpu.memory_space<vmem>>) target(%dma_start3A_84 : memref<512x128xf32, #tpu.memory_space<hbm>>) target_semaphore(%run_scoped3A : memref<!tpu.dma_semaphore, #tpu.memory_space<semaphore_mem>>)
      %dma_wait3A_85 = arith.constant 0 : i32
      %dma_wait3A_86 = tpu.memref_slice %arg4[%add3A_30, %dma_wait3A_85] : memref<131072x128xf32, #tpu.memory_space<hbm>> -> memref<512x128xf32, #tpu.memory_space<hbm>>
      %dma_wait3A_87 = arith.constant 0 : i32
      %dma_wait3A_88 = tpu.memref_slice %arg4[%add3A_30, %dma_wait3A_87] : memref<131072x128xf32, #tpu.memory_space<hbm>> -> memref<512x128xf32, #tpu.memory_space<hbm>>
      tpu.wait_dma2 semaphore(%run_scoped3A : memref<!tpu.dma_semaphore, #tpu.memory_space<semaphore_mem>>) src(%arg6 : memref<512x128xf32, #tpu.memory_space<vmem>>) dst(%dma_wait3A_88 : memref<512x128xf32, #tpu.memory_space<hbm>>)
      tpu.yield
    }) : () -> ()
    %add3A_31 = arith.constant 1536 : i32
    %add3A_32 = arith.addi %mul3A_2, %add3A_31 : i32
    "tpu.region"() ({
      %run_scoped3A = tpu.sem_alloc : memref<!tpu.dma_semaphore, #tpu.memory_space<semaphore_mem>>
      %dma_start3A_81 = tpu.memref_slice %arg3[%add3A_32] : memref<131072xi32, #tpu.memory_space<hbm>> -> memref<512xi32, #tpu.memory_space<hbm>>
      %dma_start3A_82 = tpu.memref_slice %arg3[%add3A_32] : memref<131072xi32, #tpu.memory_space<hbm>> -> memref<512xi32, #tpu.memory_space<hbm>>
      tpu.enqueue_dma source(%dma_start3A_82 : memref<512xi32, #tpu.memory_space<hbm>>) target(%arg5 : memref<512xi32, #tpu.memory_space<vmem>>) target_semaphore(%run_scoped3A : memref<!tpu.dma_semaphore, #tpu.memory_space<semaphore_mem>>)
      %dma_wait3A_83 = tpu.memref_slice %arg3[%add3A_32] : memref<131072xi32, #tpu.memory_space<hbm>> -> memref<512xi32, #tpu.memory_space<hbm>>
      %dma_wait3A_84 = tpu.memref_slice %arg3[%add3A_32] : memref<131072xi32, #tpu.memory_space<hbm>> -> memref<512xi32, #tpu.memory_space<hbm>>
      tpu.wait_dma2 semaphore(%run_scoped3A : memref<!tpu.dma_semaphore, #tpu.memory_space<semaphore_mem>>) src(%dma_wait3A_84 : memref<512xi32, #tpu.memory_space<hbm>>) dst(%arg5 : memref<512xi32, #tpu.memory_space<vmem>>)
      tpu.yield
    }) : () -> ()
    %dma_start3A_33 = arith.constant 0 : i32
    %dma_start3A_34 = arith.constant 0 : i32
    %dma_start3A_35 = tpu.memref_slice %arg2[%dma_start3A_33, %dma_start3A_34] : memref<100000x128xf32, #tpu.memory_space<hbm>> -> memref<100000x128xf32, #tpu.memory_space<hbm>>
    tpu.enqueue_indirect_dma source(%dma_start3A_35 : memref<100000x128xf32, #tpu.memory_space<hbm>>) target(%arg6 : memref<512x128xf32, #tpu.memory_space<vmem>>) offsets(%arg5 : memref<512xi32, #tpu.memory_space<vmem>>) semaphore(%arg7 : memref<!tpu.dma_semaphore, #tpu.memory_space<semaphore_mem>>)
    %dma_wait3A_36 = arith.constant 0 : i32
    %dma_wait3A_37 = arith.constant 0 : i32
    %dma_wait3A_38 = tpu.memref_slice %arg2[%dma_wait3A_36, %dma_wait3A_37] : memref<100000x128xf32, #tpu.memory_space<hbm>> -> memref<100000x128xf32, #tpu.memory_space<hbm>>
    tpu.wait_indirect_dma semaphore(%arg7 : memref<!tpu.dma_semaphore, #tpu.memory_space<semaphore_mem>>) src(%dma_wait3A_38 : memref<100000x128xf32, #tpu.memory_space<hbm>>) dst(%arg6 : memref<512x128xf32, #tpu.memory_space<vmem>>)
    %add3A_39 = arith.constant 1536 : i32
    %add3A_40 = arith.addi %mul3A_2, %add3A_39 : i32
    "tpu.region"() ({
      %run_scoped3A = tpu.sem_alloc : memref<!tpu.dma_semaphore, #tpu.memory_space<semaphore_mem>>
      %dma_start3A_81 = arith.constant 0 : i32
      %dma_start3A_82 = tpu.memref_slice %arg4[%add3A_40, %dma_start3A_81] : memref<131072x128xf32, #tpu.memory_space<hbm>> -> memref<512x128xf32, #tpu.memory_space<hbm>>
      %dma_start3A_83 = arith.constant 0 : i32
      %dma_start3A_84 = tpu.memref_slice %arg4[%add3A_40, %dma_start3A_83] : memref<131072x128xf32, #tpu.memory_space<hbm>> -> memref<512x128xf32, #tpu.memory_space<hbm>>
      tpu.enqueue_dma source(%arg6 : memref<512x128xf32, #tpu.memory_space<vmem>>) target(%dma_start3A_84 : memref<512x128xf32, #tpu.memory_space<hbm>>) target_semaphore(%run_scoped3A : memref<!tpu.dma_semaphore, #tpu.memory_space<semaphore_mem>>)
      %dma_wait3A_85 = arith.constant 0 : i32
      %dma_wait3A_86 = tpu.memref_slice %arg4[%add3A_40, %dma_wait3A_85] : memref<131072x128xf32, #tpu.memory_space<hbm>> -> memref<512x128xf32, #tpu.memory_space<hbm>>
      %dma_wait3A_87 = arith.constant 0 : i32
      %dma_wait3A_88 = tpu.memref_slice %arg4[%add3A_40, %dma_wait3A_87] : memref<131072x128xf32, #tpu.memory_space<hbm>> -> memref<512x128xf32, #tpu.memory_space<hbm>>
      tpu.wait_dma2 semaphore(%run_scoped3A : memref<!tpu.dma_semaphore, #tpu.memory_space<semaphore_mem>>) src(%arg6 : memref<512x128xf32, #tpu.memory_space<vmem>>) dst(%dma_wait3A_88 : memref<512x128xf32, #tpu.memory_space<hbm>>)
      tpu.yield
    }) : () -> ()
    %add3A_41 = arith.constant 2048 : i32
    %add3A_42 = arith.addi %mul3A_2, %add3A_41 : i32
    "tpu.region"() ({
      %run_scoped3A = tpu.sem_alloc : memref<!tpu.dma_semaphore, #tpu.memory_space<semaphore_mem>>
      %dma_start3A_81 = tpu.memref_slice %arg3[%add3A_42] : memref<131072xi32, #tpu.memory_space<hbm>> -> memref<512xi32, #tpu.memory_space<hbm>>
      %dma_start3A_82 = tpu.memref_slice %arg3[%add3A_42] : memref<131072xi32, #tpu.memory_space<hbm>> -> memref<512xi32, #tpu.memory_space<hbm>>
      tpu.enqueue_dma source(%dma_start3A_82 : memref<512xi32, #tpu.memory_space<hbm>>) target(%arg5 : memref<512xi32, #tpu.memory_space<vmem>>) target_semaphore(%run_scoped3A : memref<!tpu.dma_semaphore, #tpu.memory_space<semaphore_mem>>)
      %dma_wait3A_83 = tpu.memref_slice %arg3[%add3A_42] : memref<131072xi32, #tpu.memory_space<hbm>> -> memref<512xi32, #tpu.memory_space<hbm>>
      %dma_wait3A_84 = tpu.memref_slice %arg3[%add3A_42] : memref<131072xi32, #tpu.memory_space<hbm>> -> memref<512xi32, #tpu.memory_space<hbm>>
      tpu.wait_dma2 semaphore(%run_scoped3A : memref<!tpu.dma_semaphore, #tpu.memory_space<semaphore_mem>>) src(%dma_wait3A_84 : memref<512xi32, #tpu.memory_space<hbm>>) dst(%arg5 : memref<512xi32, #tpu.memory_space<vmem>>)
      tpu.yield
    }) : () -> ()
    %dma_start3A_43 = arith.constant 0 : i32
    %dma_start3A_44 = arith.constant 0 : i32
    %dma_start3A_45 = tpu.memref_slice %arg2[%dma_start3A_43, %dma_start3A_44] : memref<100000x128xf32, #tpu.memory_space<hbm>> -> memref<100000x128xf32, #tpu.memory_space<hbm>>
    tpu.enqueue_indirect_dma source(%dma_start3A_45 : memref<100000x128xf32, #tpu.memory_space<hbm>>) target(%arg6 : memref<512x128xf32, #tpu.memory_space<vmem>>) offsets(%arg5 : memref<512xi32, #tpu.memory_space<vmem>>) semaphore(%arg7 : memref<!tpu.dma_semaphore, #tpu.memory_space<semaphore_mem>>)
    %dma_wait3A_46 = arith.constant 0 : i32
    %dma_wait3A_47 = arith.constant 0 : i32
    %dma_wait3A_48 = tpu.memref_slice %arg2[%dma_wait3A_46, %dma_wait3A_47] : memref<100000x128xf32, #tpu.memory_space<hbm>> -> memref<100000x128xf32, #tpu.memory_space<hbm>>
    tpu.wait_indirect_dma semaphore(%arg7 : memref<!tpu.dma_semaphore, #tpu.memory_space<semaphore_mem>>) src(%dma_wait3A_48 : memref<100000x128xf32, #tpu.memory_space<hbm>>) dst(%arg6 : memref<512x128xf32, #tpu.memory_space<vmem>>)
    %add3A_49 = arith.constant 2048 : i32
    %add3A_50 = arith.addi %mul3A_2, %add3A_49 : i32
    "tpu.region"() ({
      %run_scoped3A = tpu.sem_alloc : memref<!tpu.dma_semaphore, #tpu.memory_space<semaphore_mem>>
      %dma_start3A_81 = arith.constant 0 : i32
      %dma_start3A_82 = tpu.memref_slice %arg4[%add3A_50, %dma_start3A_81] : memref<131072x128xf32, #tpu.memory_space<hbm>> -> memref<512x128xf32, #tpu.memory_space<hbm>>
      %dma_start3A_83 = arith.constant 0 : i32
      %dma_start3A_84 = tpu.memref_slice %arg4[%add3A_50, %dma_start3A_83] : memref<131072x128xf32, #tpu.memory_space<hbm>> -> memref<512x128xf32, #tpu.memory_space<hbm>>
      tpu.enqueue_dma source(%arg6 : memref<512x128xf32, #tpu.memory_space<vmem>>) target(%dma_start3A_84 : memref<512x128xf32, #tpu.memory_space<hbm>>) target_semaphore(%run_scoped3A : memref<!tpu.dma_semaphore, #tpu.memory_space<semaphore_mem>>)
      %dma_wait3A_85 = arith.constant 0 : i32
      %dma_wait3A_86 = tpu.memref_slice %arg4[%add3A_50, %dma_wait3A_85] : memref<131072x128xf32, #tpu.memory_space<hbm>> -> memref<512x128xf32, #tpu.memory_space<hbm>>
      %dma_wait3A_87 = arith.constant 0 : i32
      %dma_wait3A_88 = tpu.memref_slice %arg4[%add3A_50, %dma_wait3A_87] : memref<131072x128xf32, #tpu.memory_space<hbm>> -> memref<512x128xf32, #tpu.memory_space<hbm>>
      tpu.wait_dma2 semaphore(%run_scoped3A : memref<!tpu.dma_semaphore, #tpu.memory_space<semaphore_mem>>) src(%arg6 : memref<512x128xf32, #tpu.memory_space<vmem>>) dst(%dma_wait3A_88 : memref<512x128xf32, #tpu.memory_space<hbm>>)
      tpu.yield
    }) : () -> ()
    %add3A_51 = arith.constant 2560 : i32
    %add3A_52 = arith.addi %mul3A_2, %add3A_51 : i32
    "tpu.region"() ({
      %run_scoped3A = tpu.sem_alloc : memref<!tpu.dma_semaphore, #tpu.memory_space<semaphore_mem>>
      %dma_start3A_81 = tpu.memref_slice %arg3[%add3A_52] : memref<131072xi32, #tpu.memory_space<hbm>> -> memref<512xi32, #tpu.memory_space<hbm>>
      %dma_start3A_82 = tpu.memref_slice %arg3[%add3A_52] : memref<131072xi32, #tpu.memory_space<hbm>> -> memref<512xi32, #tpu.memory_space<hbm>>
      tpu.enqueue_dma source(%dma_start3A_82 : memref<512xi32, #tpu.memory_space<hbm>>) target(%arg5 : memref<512xi32, #tpu.memory_space<vmem>>) target_semaphore(%run_scoped3A : memref<!tpu.dma_semaphore, #tpu.memory_space<semaphore_mem>>)
      %dma_wait3A_83 = tpu.memref_slice %arg3[%add3A_52] : memref<131072xi32, #tpu.memory_space<hbm>> -> memref<512xi32, #tpu.memory_space<hbm>>
      %dma_wait3A_84 = tpu.memref_slice %arg3[%add3A_52] : memref<131072xi32, #tpu.memory_space<hbm>> -> memref<512xi32, #tpu.memory_space<hbm>>
      tpu.wait_dma2 semaphore(%run_scoped3A : memref<!tpu.dma_semaphore, #tpu.memory_space<semaphore_mem>>) src(%dma_wait3A_84 : memref<512xi32, #tpu.memory_space<hbm>>) dst(%arg5 : memref<512xi32, #tpu.memory_space<vmem>>)
      tpu.yield
    }) : () -> ()
    %dma_start3A_53 = arith.constant 0 : i32
    %dma_start3A_54 = arith.constant 0 : i32
    %dma_start3A_55 = tpu.memref_slice %arg2[%dma_start3A_53, %dma_start3A_54] : memref<100000x128xf32, #tpu.memory_space<hbm>> -> memref<100000x128xf32, #tpu.memory_space<hbm>>
    tpu.enqueue_indirect_dma source(%dma_start3A_55 : memref<100000x128xf32, #tpu.memory_space<hbm>>) target(%arg6 : memref<512x128xf32, #tpu.memory_space<vmem>>) offsets(%arg5 : memref<512xi32, #tpu.memory_space<vmem>>) semaphore(%arg7 : memref<!tpu.dma_semaphore, #tpu.memory_space<semaphore_mem>>)
    %dma_wait3A_56 = arith.constant 0 : i32
    %dma_wait3A_57 = arith.constant 0 : i32
    %dma_wait3A_58 = tpu.memref_slice %arg2[%dma_wait3A_56, %dma_wait3A_57] : memref<100000x128xf32, #tpu.memory_space<hbm>> -> memref<100000x128xf32, #tpu.memory_space<hbm>>
    tpu.wait_indirect_dma semaphore(%arg7 : memref<!tpu.dma_semaphore, #tpu.memory_space<semaphore_mem>>) src(%dma_wait3A_58 : memref<100000x128xf32, #tpu.memory_space<hbm>>) dst(%arg6 : memref<512x128xf32, #tpu.memory_space<vmem>>)
    %add3A_59 = arith.constant 2560 : i32
    %add3A_60 = arith.addi %mul3A_2, %add3A_59 : i32
    "tpu.region"() ({
      %run_scoped3A = tpu.sem_alloc : memref<!tpu.dma_semaphore, #tpu.memory_space<semaphore_mem>>
      %dma_start3A_81 = arith.constant 0 : i32
      %dma_start3A_82 = tpu.memref_slice %arg4[%add3A_60, %dma_start3A_81] : memref<131072x128xf32, #tpu.memory_space<hbm>> -> memref<512x128xf32, #tpu.memory_space<hbm>>
      %dma_start3A_83 = arith.constant 0 : i32
      %dma_start3A_84 = tpu.memref_slice %arg4[%add3A_60, %dma_start3A_83] : memref<131072x128xf32, #tpu.memory_space<hbm>> -> memref<512x128xf32, #tpu.memory_space<hbm>>
      tpu.enqueue_dma source(%arg6 : memref<512x128xf32, #tpu.memory_space<vmem>>) target(%dma_start3A_84 : memref<512x128xf32, #tpu.memory_space<hbm>>) target_semaphore(%run_scoped3A : memref<!tpu.dma_semaphore, #tpu.memory_space<semaphore_mem>>)
      %dma_wait3A_85 = arith.constant 0 : i32
      %dma_wait3A_86 = tpu.memref_slice %arg4[%add3A_60, %dma_wait3A_85] : memref<131072x128xf32, #tpu.memory_space<hbm>> -> memref<512x128xf32, #tpu.memory_space<hbm>>
      %dma_wait3A_87 = arith.constant 0 : i32
      %dma_wait3A_88 = tpu.memref_slice %arg4[%add3A_60, %dma_wait3A_87] : memref<131072x128xf32, #tpu.memory_space<hbm>> -> memref<512x128xf32, #tpu.memory_space<hbm>>
      tpu.wait_dma2 semaphore(%run_scoped3A : memref<!tpu.dma_semaphore, #tpu.memory_space<semaphore_mem>>) src(%arg6 : memref<512x128xf32, #tpu.memory_space<vmem>>) dst(%dma_wait3A_88 : memref<512x128xf32, #tpu.memory_space<hbm>>)
      tpu.yield
    }) : () -> ()
    %add3A_61 = arith.constant 3072 : i32
    %add3A_62 = arith.addi %mul3A_2, %add3A_61 : i32
    "tpu.region"() ({
      %run_scoped3A = tpu.sem_alloc : memref<!tpu.dma_semaphore, #tpu.memory_space<semaphore_mem>>
      %dma_start3A_81 = tpu.memref_slice %arg3[%add3A_62] : memref<131072xi32, #tpu.memory_space<hbm>> -> memref<512xi32, #tpu.memory_space<hbm>>
      %dma_start3A_82 = tpu.memref_slice %arg3[%add3A_62] : memref<131072xi32, #tpu.memory_space<hbm>> -> memref<512xi32, #tpu.memory_space<hbm>>
      tpu.enqueue_dma source(%dma_start3A_82 : memref<512xi32, #tpu.memory_space<hbm>>) target(%arg5 : memref<512xi32, #tpu.memory_space<vmem>>) target_semaphore(%run_scoped3A : memref<!tpu.dma_semaphore, #tpu.memory_space<semaphore_mem>>)
      %dma_wait3A_83 = tpu.memref_slice %arg3[%add3A_62] : memref<131072xi32, #tpu.memory_space<hbm>> -> memref<512xi32, #tpu.memory_space<hbm>>
      %dma_wait3A_84 = tpu.memref_slice %arg3[%add3A_62] : memref<131072xi32, #tpu.memory_space<hbm>> -> memref<512xi32, #tpu.memory_space<hbm>>
      tpu.wait_dma2 semaphore(%run_scoped3A : memref<!tpu.dma_semaphore, #tpu.memory_space<semaphore_mem>>) src(%dma_wait3A_84 : memref<512xi32, #tpu.memory_space<hbm>>) dst(%arg5 : memref<512xi32, #tpu.memory_space<vmem>>)
      tpu.yield
    }) : () -> ()
    %dma_start3A_63 = arith.constant 0 : i32
    %dma_start3A_64 = arith.constant 0 : i32
    %dma_start3A_65 = tpu.memref_slice %arg2[%dma_start3A_63, %dma_start3A_64] : memref<100000x128xf32, #tpu.memory_space<hbm>> -> memref<100000x128xf32, #tpu.memory_space<hbm>>
    tpu.enqueue_indirect_dma source(%dma_start3A_65 : memref<100000x128xf32, #tpu.memory_space<hbm>>) target(%arg6 : memref<512x128xf32, #tpu.memory_space<vmem>>) offsets(%arg5 : memref<512xi32, #tpu.memory_space<vmem>>) semaphore(%arg7 : memref<!tpu.dma_semaphore, #tpu.memory_space<semaphore_mem>>)
    %dma_wait3A_66 = arith.constant 0 : i32
    %dma_wait3A_67 = arith.constant 0 : i32
    %dma_wait3A_68 = tpu.memref_slice %arg2[%dma_wait3A_66, %dma_wait3A_67] : memref<100000x128xf32, #tpu.memory_space<hbm>> -> memref<100000x128xf32, #tpu.memory_space<hbm>>
    tpu.wait_indirect_dma semaphore(%arg7 : memref<!tpu.dma_semaphore, #tpu.memory_space<semaphore_mem>>) src(%dma_wait3A_68 : memref<100000x128xf32, #tpu.memory_space<hbm>>) dst(%arg6 : memref<512x128xf32, #tpu.memory_space<vmem>>)
    %add3A_69 = arith.constant 3072 : i32
    %add3A_70 = arith.addi %mul3A_2, %add3A_69 : i32
    "tpu.region"() ({
      %run_scoped3A = tpu.sem_alloc : memref<!tpu.dma_semaphore, #tpu.memory_space<semaphore_mem>>
      %dma_start3A_81 = arith.constant 0 : i32
      %dma_start3A_82 = tpu.memref_slice %arg4[%add3A_70, %dma_start3A_81] : memref<131072x128xf32, #tpu.memory_space<hbm>> -> memref<512x128xf32, #tpu.memory_space<hbm>>
      %dma_start3A_83 = arith.constant 0 : i32
      %dma_start3A_84 = tpu.memref_slice %arg4[%add3A_70, %dma_start3A_83] : memref<131072x128xf32, #tpu.memory_space<hbm>> -> memref<512x128xf32, #tpu.memory_space<hbm>>
      tpu.enqueue_dma source(%arg6 : memref<512x128xf32, #tpu.memory_space<vmem>>) target(%dma_start3A_84 : memref<512x128xf32, #tpu.memory_space<hbm>>) target_semaphore(%run_scoped3A : memref<!tpu.dma_semaphore, #tpu.memory_space<semaphore_mem>>)
      %dma_wait3A_85 = arith.constant 0 : i32
      %dma_wait3A_86 = tpu.memref_slice %arg4[%add3A_70, %dma_wait3A_85] : memref<131072x128xf32, #tpu.memory_space<hbm>> -> memref<512x128xf32, #tpu.memory_space<hbm>>
      %dma_wait3A_87 = arith.constant 0 : i32
      %dma_wait3A_88 = tpu.memref_slice %arg4[%add3A_70, %dma_wait3A_87] : memref<131072x128xf32, #tpu.memory_space<hbm>> -> memref<512x128xf32, #tpu.memory_space<hbm>>
      tpu.wait_dma2 semaphore(%run_scoped3A : memref<!tpu.dma_semaphore, #tpu.memory_space<semaphore_mem>>) src(%arg6 : memref<512x128xf32, #tpu.memory_space<vmem>>) dst(%dma_wait3A_88 : memref<512x128xf32, #tpu.memory_space<hbm>>)
      tpu.yield
    }) : () -> ()
    %add3A_71 = arith.constant 3584 : i32
    %add3A_72 = arith.addi %mul3A_2, %add3A_71 : i32
    "tpu.region"() ({
      %run_scoped3A = tpu.sem_alloc : memref<!tpu.dma_semaphore, #tpu.memory_space<semaphore_mem>>
      %dma_start3A_81 = tpu.memref_slice %arg3[%add3A_72] : memref<131072xi32, #tpu.memory_space<hbm>> -> memref<512xi32, #tpu.memory_space<hbm>>
      %dma_start3A_82 = tpu.memref_slice %arg3[%add3A_72] : memref<131072xi32, #tpu.memory_space<hbm>> -> memref<512xi32, #tpu.memory_space<hbm>>
      tpu.enqueue_dma source(%dma_start3A_82 : memref<512xi32, #tpu.memory_space<hbm>>) target(%arg5 : memref<512xi32, #tpu.memory_space<vmem>>) target_semaphore(%run_scoped3A : memref<!tpu.dma_semaphore, #tpu.memory_space<semaphore_mem>>)
      %dma_wait3A_83 = tpu.memref_slice %arg3[%add3A_72] : memref<131072xi32, #tpu.memory_space<hbm>> -> memref<512xi32, #tpu.memory_space<hbm>>
      %dma_wait3A_84 = tpu.memref_slice %arg3[%add3A_72] : memref<131072xi32, #tpu.memory_space<hbm>> -> memref<512xi32, #tpu.memory_space<hbm>>
      tpu.wait_dma2 semaphore(%run_scoped3A : memref<!tpu.dma_semaphore, #tpu.memory_space<semaphore_mem>>) src(%dma_wait3A_84 : memref<512xi32, #tpu.memory_space<hbm>>) dst(%arg5 : memref<512xi32, #tpu.memory_space<vmem>>)
      tpu.yield
    }) : () -> ()
    %dma_start3A_73 = arith.constant 0 : i32
    %dma_start3A_74 = arith.constant 0 : i32
    %dma_start3A_75 = tpu.memref_slice %arg2[%dma_start3A_73, %dma_start3A_74] : memref<100000x128xf32, #tpu.memory_space<hbm>> -> memref<100000x128xf32, #tpu.memory_space<hbm>>
    tpu.enqueue_indirect_dma source(%dma_start3A_75 : memref<100000x128xf32, #tpu.memory_space<hbm>>) target(%arg6 : memref<512x128xf32, #tpu.memory_space<vmem>>) offsets(%arg5 : memref<512xi32, #tpu.memory_space<vmem>>) semaphore(%arg7 : memref<!tpu.dma_semaphore, #tpu.memory_space<semaphore_mem>>)
    %dma_wait3A_76 = arith.constant 0 : i32
    %dma_wait3A_77 = arith.constant 0 : i32
    %dma_wait3A_78 = tpu.memref_slice %arg2[%dma_wait3A_76, %dma_wait3A_77] : memref<100000x128xf32, #tpu.memory_space<hbm>> -> memref<100000x128xf32, #tpu.memory_space<hbm>>
    tpu.wait_indirect_dma semaphore(%arg7 : memref<!tpu.dma_semaphore, #tpu.memory_space<semaphore_mem>>) src(%dma_wait3A_78 : memref<100000x128xf32, #tpu.memory_space<hbm>>) dst(%arg6 : memref<512x128xf32, #tpu.memory_space<vmem>>)
    %add3A_79 = arith.constant 3584 : i32
    %add3A_80 = arith.addi %mul3A_2, %add3A_79 : i32
    "tpu.region"() ({
      %run_scoped3A = tpu.sem_alloc : memref<!tpu.dma_semaphore, #tpu.memory_space<semaphore_mem>>
      %dma_start3A_81 = arith.constant 0 : i32
      %dma_start3A_82 = tpu.memref_slice %arg4[%add3A_80, %dma_start3A_81] : memref<131072x128xf32, #tpu.memory_space<hbm>> -> memref<512x128xf32, #tpu.memory_space<hbm>>
      %dma_start3A_83 = arith.constant 0 : i32
      %dma_start3A_84 = tpu.memref_slice %arg4[%add3A_80, %dma_start3A_83] : memref<131072x128xf32, #tpu.memory_space<hbm>> -> memref<512x128xf32, #tpu.memory_space<hbm>>
      tpu.enqueue_dma source(%arg6 : memref<512x128xf32, #tpu.memory_space<vmem>>) target(%dma_start3A_84 : memref<512x128xf32, #tpu.memory_space<hbm>>) target_semaphore(%run_scoped3A : memref<!tpu.dma_semaphore, #tpu.memory_space<semaphore_mem>>)
      %dma_wait3A_85 = arith.constant 0 : i32
      %dma_wait3A_86 = tpu.memref_slice %arg4[%add3A_80, %dma_wait3A_85] : memref<131072x128xf32, #tpu.memory_space<hbm>> -> memref<512x128xf32, #tpu.memory_space<hbm>>
      %dma_wait3A_87 = arith.constant 0 : i32
      %dma_wait3A_88 = tpu.memref_slice %arg4[%add3A_80, %dma_wait3A_87] : memref<131072x128xf32, #tpu.memory_space<hbm>> -> memref<512x128xf32, #tpu.memory_space<hbm>>
      tpu.wait_dma2 semaphore(%run_scoped3A : memref<!tpu.dma_semaphore, #tpu.memory_space<semaphore_mem>>) src(%arg6 : memref<512x128xf32, #tpu.memory_space<vmem>>) dst(%dma_wait3A_88 : memref<512x128xf32, #tpu.memory_space<hbm>>)
      tpu.yield
    }) : () -> ()
    return
  }
}

module attributes {stable_mosaic.version = 14 : i64} {
  func.func @_cand_kernel(%arg0: i32, %arg1: memref<32x128xf32, #tpu.memory_space<vmem>>, %arg2: memref<4096x128xf32, #tpu.memory_space<vmem>>, %arg3: memref<32x128xi32, #tpu.memory_space<vmem>>, %arg4: memref<32x128xf32, #tpu.memory_space<vmem>>, %arg5: memref<32x1xf32, #tpu.memory_space<vmem>>, %arg6: memref<32x1xf32, #tpu.memory_space<vmem>>, %arg7: memref<32x1xf32, #tpu.memory_space<vmem>>, %arg8: memref<32x1xf32, #tpu.memory_space<vmem>>, %arg9: memref<32x1xf32, #tpu.memory_space<vmem>>, %arg10: memref<32x1xi32, #tpu.memory_space<vmem>>, %arg11: memref<32x1xf32, #tpu.memory_space<vmem>>, %arg12: memref<32x1xi32, #tpu.memory_space<vmem>>) attributes {dimension_semantics = [#tpu.dimension_semantics<arbitrary>], iteration_bounds = array<i64: 32>, scalar_prefetch = 0 : i64, scratch_operands = 0 : i64, tpu.core_type = #tpu.core_type<tc>, window_params = [{transform_indices = @transform_0, window_bounds = array<i64: 32, 128>}, {transform_indices = @transform_1, window_bounds = array<i64: 4096, 128>}, {transform_indices = @transform_2, window_bounds = array<i64: 32, 128>}, {transform_indices = @transform_3, window_bounds = array<i64: 32, 128>}, {transform_indices = @transform_4, window_bounds = array<i64: 32, 1>}, {transform_indices = @transform_5, window_bounds = array<i64: 32, 1>}, {transform_indices = @transform_6, window_bounds = array<i64: 32, 1>}, {transform_indices = @transform_7, window_bounds = array<i64: 32, 1>}, {transform_indices = @transform_8, window_bounds = array<i64: 32, 1>}, {transform_indices = @transform_9, window_bounds = array<i64: 32, 1>}, {transform_indices = @transform_10, window_bounds = array<i64: 32, 1>}, {transform_indices = @transform_11, window_bounds = array<i64: 32, 1>}]} {
    %mul3A = arith.constant 32 : i32
    %mul3A_0 = arith.muli %arg0, %mul3A : i32
    %get3A = arith.constant 0 : index
    %get3A_1 = arith.constant 0 : index
    %get3A_2 = vector.load %arg3[%get3A, %get3A_1] : memref<32x128xi32, #tpu.memory_space<vmem>>, vector<32x128xi32>
    %iota3A = tpu.iota {dimensions = array<i32: 0>} : vector<32x128xi32>
    %add3A = vector.broadcast %mul3A_0 : i32 to vector<32x128xi32>
    %add3A_3 = arith.addi %iota3A, %add3A : vector<32x128xi32>
    %mul3A_4 = arith.constant 100000 : i32
    %mul3A_5 = vector.broadcast %mul3A_4 : i32 to vector<32x128xi32>
    %mul3A_6 = arith.muli %add3A_3, %mul3A_5 : vector<32x128xi32>
    %add3A_7 = arith.addi %mul3A_6, %get3A_2 : vector<32x128xi32>
    %add3A_8 = arith.constant 42 : i32
    %add3A_9 = vector.broadcast %add3A_8 : i32 to vector<32x128xi32>
    %add3A_10 = arith.addi %add3A_7, %add3A_9 : vector<32x128xi32>
    %shift_left3A = arith.constant 13 : i32
    %shift_left3A_11 = vector.broadcast %shift_left3A : i32 to vector<32x128xi32>
    %shift_left3A_12 = arith.shli %add3A_10, %shift_left3A_11 : vector<32x128xi32>
    %shift_right_logical3A = arith.constant 19 : i32
    %shift_right_logical3A_13 = vector.broadcast %shift_right_logical3A : i32 to vector<32x128xi32>
    %shift_right_logical3A_14 = arith.shrui %add3A_10, %shift_right_logical3A_13 : vector<32x128xi32>
    %or3A = arith.ori %shift_left3A_12, %shift_right_logical3A_14 : vector<32x128xi32>
    %xor3A = arith.xori %add3A_10, %or3A : vector<32x128xi32>
    %add3A_15 = arith.addi %add3A_10, %xor3A : vector<32x128xi32>
    %shift_left3A_16 = arith.constant 15 : i32
    %shift_left3A_17 = vector.broadcast %shift_left3A_16 : i32 to vector<32x128xi32>
    %shift_left3A_18 = arith.shli %xor3A, %shift_left3A_17 : vector<32x128xi32>
    %shift_right_logical3A_19 = arith.constant 17 : i32
    %shift_right_logical3A_20 = vector.broadcast %shift_right_logical3A_19 : i32 to vector<32x128xi32>
    %shift_right_logical3A_21 = arith.shrui %xor3A, %shift_right_logical3A_20 : vector<32x128xi32>
    %or3A_22 = arith.ori %shift_left3A_18, %shift_right_logical3A_21 : vector<32x128xi32>
    %xor3A_23 = arith.xori %add3A_15, %or3A_22 : vector<32x128xi32>
    %add3A_24 = arith.addi %add3A_15, %xor3A_23 : vector<32x128xi32>
    %shift_left3A_25 = arith.constant 26 : i32
    %shift_left3A_26 = vector.broadcast %shift_left3A_25 : i32 to vector<32x128xi32>
    %shift_left3A_27 = arith.shli %xor3A_23, %shift_left3A_26 : vector<32x128xi32>
    %shift_right_logical3A_28 = arith.constant 6 : i32
    %shift_right_logical3A_29 = vector.broadcast %shift_right_logical3A_28 : i32 to vector<32x128xi32>
    %shift_right_logical3A_30 = arith.shrui %xor3A_23, %shift_right_logical3A_29 : vector<32x128xi32>
    %or3A_31 = arith.ori %shift_left3A_27, %shift_right_logical3A_30 : vector<32x128xi32>
    %xor3A_32 = arith.xori %add3A_24, %or3A_31 : vector<32x128xi32>
    %add3A_33 = arith.addi %add3A_24, %xor3A_32 : vector<32x128xi32>
    %shift_left3A_34 = arith.constant 6 : i32
    %shift_left3A_35 = vector.broadcast %shift_left3A_34 : i32 to vector<32x128xi32>
    %shift_left3A_36 = arith.shli %xor3A_32, %shift_left3A_35 : vector<32x128xi32>
    %shift_right_logical3A_37 = arith.constant 26 : i32
    %shift_right_logical3A_38 = vector.broadcast %shift_right_logical3A_37 : i32 to vector<32x128xi32>
    %shift_right_logical3A_39 = arith.shrui %xor3A_32, %shift_right_logical3A_38 : vector<32x128xi32>
    %or3A_40 = arith.ori %shift_left3A_36, %shift_right_logical3A_39 : vector<32x128xi32>
    %xor3A_41 = arith.xori %add3A_33, %or3A_40 : vector<32x128xi32>
    %add3A_42 = arith.constant 42 : i32
    %add3A_43 = vector.broadcast %add3A_42 : i32 to vector<32x128xi32>
    %add3A_44 = arith.addi %add3A_33, %add3A_43 : vector<32x128xi32>
    %add3A_45 = arith.constant 466689008 : i32
    %add3A_46 = vector.broadcast %add3A_45 : i32 to vector<32x128xi32>
    %add3A_47 = arith.addi %xor3A_41, %add3A_46 : vector<32x128xi32>
    %add3A_48 = arith.constant 1 : i32
    %add3A_49 = vector.broadcast %add3A_48 : i32 to vector<32x128xi32>
    %add3A_50 = arith.addi %add3A_47, %add3A_49 : vector<32x128xi32>
    %add3A_51 = arith.addi %add3A_44, %add3A_50 : vector<32x128xi32>
    %shift_left3A_52 = arith.constant 17 : i32
    %shift_left3A_53 = vector.broadcast %shift_left3A_52 : i32 to vector<32x128xi32>
    %shift_left3A_54 = arith.shli %add3A_50, %shift_left3A_53 : vector<32x128xi32>
    %shift_right_logical3A_55 = arith.constant 15 : i32
    %shift_right_logical3A_56 = vector.broadcast %shift_right_logical3A_55 : i32 to vector<32x128xi32>
    %shift_right_logical3A_57 = arith.shrui %add3A_50, %shift_right_logical3A_56 : vector<32x128xi32>
    %or3A_58 = arith.ori %shift_left3A_54, %shift_right_logical3A_57 : vector<32x128xi32>
    %xor3A_59 = arith.xori %add3A_51, %or3A_58 : vector<32x128xi32>
    %add3A_60 = arith.addi %add3A_51, %xor3A_59 : vector<32x128xi32>
    %shift_left3A_61 = arith.constant 29 : i32
    %shift_left3A_62 = vector.broadcast %shift_left3A_61 : i32 to vector<32x128xi32>
    %shift_left3A_63 = arith.shli %xor3A_59, %shift_left3A_62 : vector<32x128xi32>
    %shift_right_logical3A_64 = arith.constant 3 : i32
    %shift_right_logical3A_65 = vector.broadcast %shift_right_logical3A_64 : i32 to vector<32x128xi32>
    %shift_right_logical3A_66 = arith.shrui %xor3A_59, %shift_right_logical3A_65 : vector<32x128xi32>
    %or3A_67 = arith.ori %shift_left3A_63, %shift_right_logical3A_66 : vector<32x128xi32>
    %xor3A_68 = arith.xori %add3A_60, %or3A_67 : vector<32x128xi32>
    %add3A_69 = arith.addi %add3A_60, %xor3A_68 : vector<32x128xi32>
    %shift_left3A_70 = arith.constant 16 : i32
    %shift_left3A_71 = vector.broadcast %shift_left3A_70 : i32 to vector<32x128xi32>
    %shift_left3A_72 = arith.shli %xor3A_68, %shift_left3A_71 : vector<32x128xi32>
    %shift_right_logical3A_73 = arith.constant 16 : i32
    %shift_right_logical3A_74 = vector.broadcast %shift_right_logical3A_73 : i32 to vector<32x128xi32>
    %shift_right_logical3A_75 = arith.shrui %xor3A_68, %shift_right_logical3A_74 : vector<32x128xi32>
    %or3A_76 = arith.ori %shift_left3A_72, %shift_right_logical3A_75 : vector<32x128xi32>
    %xor3A_77 = arith.xori %add3A_69, %or3A_76 : vector<32x128xi32>
    %add3A_78 = arith.addi %add3A_69, %xor3A_77 : vector<32x128xi32>
    %shift_left3A_79 = arith.constant 24 : i32
    %shift_left3A_80 = vector.broadcast %shift_left3A_79 : i32 to vector<32x128xi32>
    %shift_left3A_81 = arith.shli %xor3A_77, %shift_left3A_80 : vector<32x128xi32>
    %shift_right_logical3A_82 = arith.constant 8 : i32
    %shift_right_logical3A_83 = vector.broadcast %shift_right_logical3A_82 : i32 to vector<32x128xi32>
    %shift_right_logical3A_84 = arith.shrui %xor3A_77, %shift_right_logical3A_83 : vector<32x128xi32>
    %or3A_85 = arith.ori %shift_left3A_81, %shift_right_logical3A_84 : vector<32x128xi32>
    %xor3A_86 = arith.xori %add3A_78, %or3A_85 : vector<32x128xi32>
    %add3A_87 = arith.constant 466689008 : i32
    %add3A_88 = vector.broadcast %add3A_87 : i32 to vector<32x128xi32>
    %add3A_89 = arith.addi %add3A_78, %add3A_88 : vector<32x128xi32>
    %add3A_90 = arith.constant 0 : i32
    %add3A_91 = vector.broadcast %add3A_90 : i32 to vector<32x128xi32>
    %add3A_92 = arith.addi %xor3A_86, %add3A_91 : vector<32x128xi32>
    %add3A_93 = arith.constant 2 : i32
    %add3A_94 = vector.broadcast %add3A_93 : i32 to vector<32x128xi32>
    %add3A_95 = arith.addi %add3A_92, %add3A_94 : vector<32x128xi32>
    %add3A_96 = arith.addi %add3A_89, %add3A_95 : vector<32x128xi32>
    %shift_left3A_97 = arith.constant 13 : i32
    %shift_left3A_98 = vector.broadcast %shift_left3A_97 : i32 to vector<32x128xi32>
    %shift_left3A_99 = arith.shli %add3A_95, %shift_left3A_98 : vector<32x128xi32>
    %shift_right_logical3A_100 = arith.constant 19 : i32
    %shift_right_logical3A_101 = vector.broadcast %shift_right_logical3A_100 : i32 to vector<32x128xi32>
    %shift_right_logical3A_102 = arith.shrui %add3A_95, %shift_right_logical3A_101 : vector<32x128xi32>
    %or3A_103 = arith.ori %shift_left3A_99, %shift_right_logical3A_102 : vector<32x128xi32>
    %xor3A_104 = arith.xori %add3A_96, %or3A_103 : vector<32x128xi32>
    %add3A_105 = arith.addi %add3A_96, %xor3A_104 : vector<32x128xi32>
    %shift_left3A_106 = arith.constant 15 : i32
    %shift_left3A_107 = vector.broadcast %shift_left3A_106 : i32 to vector<32x128xi32>
    %shift_left3A_108 = arith.shli %xor3A_104, %shift_left3A_107 : vector<32x128xi32>
    %shift_right_logical3A_109 = arith.constant 17 : i32
    %shift_right_logical3A_110 = vector.broadcast %shift_right_logical3A_109 : i32 to vector<32x128xi32>
    %shift_right_logical3A_111 = arith.shrui %xor3A_104, %shift_right_logical3A_110 : vector<32x128xi32>
    %or3A_112 = arith.ori %shift_left3A_108, %shift_right_logical3A_111 : vector<32x128xi32>
    %xor3A_113 = arith.xori %add3A_105, %or3A_112 : vector<32x128xi32>
    %add3A_114 = arith.addi %add3A_105, %xor3A_113 : vector<32x128xi32>
    %shift_left3A_115 = arith.constant 26 : i32
    %shift_left3A_116 = vector.broadcast %shift_left3A_115 : i32 to vector<32x128xi32>
    %shift_left3A_117 = arith.shli %xor3A_113, %shift_left3A_116 : vector<32x128xi32>
    %shift_right_logical3A_118 = arith.constant 6 : i32
    %shift_right_logical3A_119 = vector.broadcast %shift_right_logical3A_118 : i32 to vector<32x128xi32>
    %shift_right_logical3A_120 = arith.shrui %xor3A_113, %shift_right_logical3A_119 : vector<32x128xi32>
    %or3A_121 = arith.ori %shift_left3A_117, %shift_right_logical3A_120 : vector<32x128xi32>
    %xor3A_122 = arith.xori %add3A_114, %or3A_121 : vector<32x128xi32>
    %add3A_123 = arith.addi %add3A_114, %xor3A_122 : vector<32x128xi32>
    %shift_left3A_124 = arith.constant 6 : i32
    %shift_left3A_125 = vector.broadcast %shift_left3A_124 : i32 to vector<32x128xi32>
    %shift_left3A_126 = arith.shli %xor3A_122, %shift_left3A_125 : vector<32x128xi32>
    %shift_right_logical3A_127 = arith.constant 26 : i32
    %shift_right_logical3A_128 = vector.broadcast %shift_right_logical3A_127 : i32 to vector<32x128xi32>
    %shift_right_logical3A_129 = arith.shrui %xor3A_122, %shift_right_logical3A_128 : vector<32x128xi32>
    %or3A_130 = arith.ori %shift_left3A_126, %shift_right_logical3A_129 : vector<32x128xi32>
    %xor3A_131 = arith.xori %add3A_123, %or3A_130 : vector<32x128xi32>
    %add3A_132 = arith.constant 0 : i32
    %add3A_133 = vector.broadcast %add3A_132 : i32 to vector<32x128xi32>
    %add3A_134 = arith.addi %add3A_123, %add3A_133 : vector<32x128xi32>
    %add3A_135 = arith.constant 42 : i32
    %add3A_136 = vector.broadcast %add3A_135 : i32 to vector<32x128xi32>
    %add3A_137 = arith.addi %xor3A_131, %add3A_136 : vector<32x128xi32>
    %add3A_138 = arith.constant 3 : i32
    %add3A_139 = vector.broadcast %add3A_138 : i32 to vector<32x128xi32>
    %add3A_140 = arith.addi %add3A_137, %add3A_139 : vector<32x128xi32>
    %add3A_141 = arith.addi %add3A_134, %add3A_140 : vector<32x128xi32>
    %shift_left3A_142 = arith.constant 17 : i32
    %shift_left3A_143 = vector.broadcast %shift_left3A_142 : i32 to vector<32x128xi32>
    %shift_left3A_144 = arith.shli %add3A_140, %shift_left3A_143 : vector<32x128xi32>
    %shift_right_logical3A_145 = arith.constant 15 : i32
    %shift_right_logical3A_146 = vector.broadcast %shift_right_logical3A_145 : i32 to vector<32x128xi32>
    %shift_right_logical3A_147 = arith.shrui %add3A_140, %shift_right_logical3A_146 : vector<32x128xi32>
    %or3A_148 = arith.ori %shift_left3A_144, %shift_right_logical3A_147 : vector<32x128xi32>
    %xor3A_149 = arith.xori %add3A_141, %or3A_148 : vector<32x128xi32>
    %add3A_150 = arith.addi %add3A_141, %xor3A_149 : vector<32x128xi32>
    %shift_left3A_151 = arith.constant 29 : i32
    %shift_left3A_152 = vector.broadcast %shift_left3A_151 : i32 to vector<32x128xi32>
    %shift_left3A_153 = arith.shli %xor3A_149, %shift_left3A_152 : vector<32x128xi32>
    %shift_right_logical3A_154 = arith.constant 3 : i32
    %shift_right_logical3A_155 = vector.broadcast %shift_right_logical3A_154 : i32 to vector<32x128xi32>
    %shift_right_logical3A_156 = arith.shrui %xor3A_149, %shift_right_logical3A_155 : vector<32x128xi32>
    %or3A_157 = arith.ori %shift_left3A_153, %shift_right_logical3A_156 : vector<32x128xi32>
    %xor3A_158 = arith.xori %add3A_150, %or3A_157 : vector<32x128xi32>
    %add3A_159 = arith.addi %add3A_150, %xor3A_158 : vector<32x128xi32>
    %shift_left3A_160 = arith.constant 16 : i32
    %shift_left3A_161 = vector.broadcast %shift_left3A_160 : i32 to vector<32x128xi32>
    %shift_left3A_162 = arith.shli %xor3A_158, %shift_left3A_161 : vector<32x128xi32>
    %shift_right_logical3A_163 = arith.constant 16 : i32
    %shift_right_logical3A_164 = vector.broadcast %shift_right_logical3A_163 : i32 to vector<32x128xi32>
    %shift_right_logical3A_165 = arith.shrui %xor3A_158, %shift_right_logical3A_164 : vector<32x128xi32>
    %or3A_166 = arith.ori %shift_left3A_162, %shift_right_logical3A_165 : vector<32x128xi32>
    %xor3A_167 = arith.xori %add3A_159, %or3A_166 : vector<32x128xi32>
    %add3A_168 = arith.addi %add3A_159, %xor3A_167 : vector<32x128xi32>
    %shift_left3A_169 = arith.constant 24 : i32
    %shift_left3A_170 = vector.broadcast %shift_left3A_169 : i32 to vector<32x128xi32>
    %shift_left3A_171 = arith.shli %xor3A_167, %shift_left3A_170 : vector<32x128xi32>
    %shift_right_logical3A_172 = arith.constant 8 : i32
    %shift_right_logical3A_173 = vector.broadcast %shift_right_logical3A_172 : i32 to vector<32x128xi32>
    %shift_right_logical3A_174 = arith.shrui %xor3A_167, %shift_right_logical3A_173 : vector<32x128xi32>
    %or3A_175 = arith.ori %shift_left3A_171, %shift_right_logical3A_174 : vector<32x128xi32>
    %xor3A_176 = arith.xori %add3A_168, %or3A_175 : vector<32x128xi32>
    %add3A_177 = arith.constant 42 : i32
    %add3A_178 = vector.broadcast %add3A_177 : i32 to vector<32x128xi32>
    %add3A_179 = arith.addi %add3A_168, %add3A_178 : vector<32x128xi32>
    %add3A_180 = arith.constant 466689008 : i32
    %add3A_181 = vector.broadcast %add3A_180 : i32 to vector<32x128xi32>
    %add3A_182 = arith.addi %xor3A_176, %add3A_181 : vector<32x128xi32>
    %add3A_183 = arith.constant 4 : i32
    %add3A_184 = vector.broadcast %add3A_183 : i32 to vector<32x128xi32>
    %add3A_185 = arith.addi %add3A_182, %add3A_184 : vector<32x128xi32>
    %add3A_186 = arith.addi %add3A_179, %add3A_185 : vector<32x128xi32>
    %shift_left3A_187 = arith.constant 13 : i32
    %shift_left3A_188 = vector.broadcast %shift_left3A_187 : i32 to vector<32x128xi32>
    %shift_left3A_189 = arith.shli %add3A_185, %shift_left3A_188 : vector<32x128xi32>
    %shift_right_logical3A_190 = arith.constant 19 : i32
    %shift_right_logical3A_191 = vector.broadcast %shift_right_logical3A_190 : i32 to vector<32x128xi32>
    %shift_right_logical3A_192 = arith.shrui %add3A_185, %shift_right_logical3A_191 : vector<32x128xi32>
    %or3A_193 = arith.ori %shift_left3A_189, %shift_right_logical3A_192 : vector<32x128xi32>
    %xor3A_194 = arith.xori %add3A_186, %or3A_193 : vector<32x128xi32>
    %add3A_195 = arith.addi %add3A_186, %xor3A_194 : vector<32x128xi32>
    %shift_left3A_196 = arith.constant 15 : i32
    %shift_left3A_197 = vector.broadcast %shift_left3A_196 : i32 to vector<32x128xi32>
    %shift_left3A_198 = arith.shli %xor3A_194, %shift_left3A_197 : vector<32x128xi32>
    %shift_right_logical3A_199 = arith.constant 17 : i32
    %shift_right_logical3A_200 = vector.broadcast %shift_right_logical3A_199 : i32 to vector<32x128xi32>
    %shift_right_logical3A_201 = arith.shrui %xor3A_194, %shift_right_logical3A_200 : vector<32x128xi32>
    %or3A_202 = arith.ori %shift_left3A_198, %shift_right_logical3A_201 : vector<32x128xi32>
    %xor3A_203 = arith.xori %add3A_195, %or3A_202 : vector<32x128xi32>
    %add3A_204 = arith.addi %add3A_195, %xor3A_203 : vector<32x128xi32>
    %shift_left3A_205 = arith.constant 26 : i32
    %shift_left3A_206 = vector.broadcast %shift_left3A_205 : i32 to vector<32x128xi32>
    %shift_left3A_207 = arith.shli %xor3A_203, %shift_left3A_206 : vector<32x128xi32>
    %shift_right_logical3A_208 = arith.constant 6 : i32
    %shift_right_logical3A_209 = vector.broadcast %shift_right_logical3A_208 : i32 to vector<32x128xi32>
    %shift_right_logical3A_210 = arith.shrui %xor3A_203, %shift_right_logical3A_209 : vector<32x128xi32>
    %or3A_211 = arith.ori %shift_left3A_207, %shift_right_logical3A_210 : vector<32x128xi32>
    %xor3A_212 = arith.xori %add3A_204, %or3A_211 : vector<32x128xi32>
    %add3A_213 = arith.addi %add3A_204, %xor3A_212 : vector<32x128xi32>
    %shift_left3A_214 = arith.constant 6 : i32
    %shift_left3A_215 = vector.broadcast %shift_left3A_214 : i32 to vector<32x128xi32>
    %shift_left3A_216 = arith.shli %xor3A_212, %shift_left3A_215 : vector<32x128xi32>
    %shift_right_logical3A_217 = arith.constant 26 : i32
    %shift_right_logical3A_218 = vector.broadcast %shift_right_logical3A_217 : i32 to vector<32x128xi32>
    %shift_right_logical3A_219 = arith.shrui %xor3A_212, %shift_right_logical3A_218 : vector<32x128xi32>
    %or3A_220 = arith.ori %shift_left3A_216, %shift_right_logical3A_219 : vector<32x128xi32>
    %xor3A_221 = arith.xori %add3A_213, %or3A_220 : vector<32x128xi32>
    %add3A_222 = arith.constant 466689008 : i32
    %add3A_223 = vector.broadcast %add3A_222 : i32 to vector<32x128xi32>
    %add3A_224 = arith.addi %add3A_213, %add3A_223 : vector<32x128xi32>
    %add3A_225 = arith.constant 0 : i32
    %add3A_226 = vector.broadcast %add3A_225 : i32 to vector<32x128xi32>
    %add3A_227 = arith.addi %xor3A_221, %add3A_226 : vector<32x128xi32>
    %add3A_228 = arith.constant 5 : i32
    %add3A_229 = vector.broadcast %add3A_228 : i32 to vector<32x128xi32>
    %add3A_230 = arith.addi %add3A_227, %add3A_229 : vector<32x128xi32>
    %xor3A_231 = arith.xori %add3A_224, %add3A_230 : vector<32x128xi32>
    %shift_right_logical3A_232 = arith.constant 9 : i32
    %shift_right_logical3A_233 = vector.broadcast %shift_right_logical3A_232 : i32 to vector<32x128xi32>
    %shift_right_logical3A_234 = arith.shrui %xor3A_231, %shift_right_logical3A_233 : vector<32x128xi32>
    %or3A_235 = arith.constant 1065353216 : i32
    %or3A_236 = vector.broadcast %or3A_235 : i32 to vector<32x128xi32>
    %or3A_237 = arith.ori %shift_right_logical3A_234, %or3A_236 : vector<32x128xi32>
    %bitcast_convert_type3A = tpu.bitcast %or3A_237 : vector<32x128xi32> -> vector<32x128xf32>
    %sub3A = arith.constant 1.000000e+00 : f32
    %sub3A_238 = vector.broadcast %sub3A : f32 to vector<32x128xf32>
    %sub3A_239 = arith.subf %bitcast_convert_type3A, %sub3A_238 : vector<32x128xf32>
    %max3A = arith.constant 1.17549435E-38 : f32
    %max3A_240 = vector.broadcast %max3A : f32 to vector<32x128xf32>
    %max3A_241 = arith.maximumf %sub3A_239, %max3A_240 : vector<32x128xf32>
    %log3A = math.log %max3A_241 : vector<32x128xf32>
    %neg3A = arith.constant 0.000000e+00 : f32
    %neg3A_242 = vector.broadcast %neg3A : f32 to vector<32x128xf32>
    %neg3A_243 = arith.subf %neg3A_242, %log3A : vector<32x128xf32>
    %log3A_244 = math.log %neg3A_243 : vector<32x128xf32>
    %get3A_245 = arith.constant 0 : index
    %get3A_246 = arith.constant 0 : index
    %get3A_247 = vector.load %arg1[%get3A_245, %get3A_246] : memref<32x128xf32, #tpu.memory_space<vmem>>, vector<32x128xf32>
    %get3A_248 = arith.constant 0 : index
    %get3A_249 = arith.constant 0 : index
    %get3A_250 = vector.load %arg2[%get3A_248, %get3A_249] : memref<4096x128xf32, #tpu.memory_space<vmem>>, vector<4096x128xf32>
    %dot_general3A = arith.constant dense<0.000000e+00> : vector<32x4096xf32>
    %dot_general3A_251 = tpu.matmul %get3A_247, %get3A_250, %dot_general3A {dimension_numbers = #tpu.dot_dimension_numbers<[1], [1], [0], [0], [0, 0, 1, 0], [], []>, transpose_lhs_hint = false} : vector<32x128xf32>, vector<4096x128xf32>, vector<32x4096xf32> -> vector<32x4096xf32>
    %reshape3A = vector.shape_cast %dot_general3A_251 : vector<32x4096xf32> to vector<32x32x128xf32>
    %iota3A_252 = tpu.iota {dimensions = array<i32: 0>} : vector<32x32x1xi32>
    %iota3A_253 = tpu.iota {dimensions = array<i32: 1>} : vector<32x32x1xi32>
    %eq3A = arith.cmpi eq, %iota3A_252, %iota3A_253 : vector<32x32x1xi32>
    %jit3A = arith.constant 0xFF800000 : f32
    %broadcast_in_dim3A = vector.shape_cast %eq3A : vector<32x32x1xi1> to vector<32x32x1xi1>
    %broadcast_in_dim3A_254 = vector.broadcast %broadcast_in_dim3A : vector<32x32x1xi1> to vector<32x32x128xi1>
    %broadcast_in_dim3A_255 = vector.broadcast %jit3A : f32 to vector<32x32x128xf32>
    %select_n3A = arith.select %broadcast_in_dim3A_254, %reshape3A, %broadcast_in_dim3A_255 : vector<32x32x128xi1>, vector<32x32x128xf32>
    %reduce_max3A = arith.constant dense<0xFF800000> : vector<32x128xf32>
    %reduce_max3A_256 = vector.multi_reduction <maximumf>, %select_n3A, %reduce_max3A [1] : vector<32x32x128xf32> to vector<32x128xf32>
    %get3A_257 = arith.constant 0 : index
    %get3A_258 = arith.constant 0 : index
    %get3A_259 = vector.load %arg4[%get3A_257, %get3A_258] : memref<32x128xf32, #tpu.memory_space<vmem>>, vector<32x128xf32>
    %add3A_260 = arith.addf %reduce_max3A_256, %get3A_259 : vector<32x128xf32>
    %sub3A_261 = arith.subf %add3A_260, %log3A_244 : vector<32x128xf32>
    %reduce_max3A_262 = arith.constant dense<0xFF800000> : vector<32xf32>
    %reduce_max3A_263 = vector.multi_reduction <maximumf>, %sub3A_261, %reduce_max3A_262 [1] : vector<32x128xf32> to vector<32xf32>
    %broadcast_in_dim3A_264 = vector.shape_cast %reduce_max3A_263 : vector<32xf32> to vector<32x1xf32>
    %eq3A_265 = vector.broadcast %broadcast_in_dim3A_264 : vector<32x1xf32> to vector<32x128xf32>
    %eq3A_266 = arith.cmpf oeq, %sub3A_261, %eq3A_265 : vector<32x128xf32>
    %jit3A_267 = arith.constant 2147483647 : i32
    %broadcast_in_dim3A_268 = vector.broadcast %jit3A_267 : i32 to vector<32x128xi32>
    %select_n3A_269 = arith.select %eq3A_266, %get3A_2, %broadcast_in_dim3A_268 : vector<32x128xi1>, vector<32x128xi32>
    %reduce_min3A = arith.constant dense<2147483647> : vector<32xi32>
    %reduce_min3A_270 = vector.multi_reduction <minsi>, %select_n3A_269, %reduce_min3A [1] : vector<32x128xi32> to vector<32xi32>
    %broadcast_in_dim3A_271 = vector.shape_cast %reduce_min3A_270 : vector<32xi32> to vector<32x1xi32>
    %eq3A_272 = vector.broadcast %broadcast_in_dim3A_271 : vector<32x1xi32> to vector<32x128xi32>
    %eq3A_273 = arith.cmpi eq, %get3A_2, %eq3A_272 : vector<32x128xi32>
    %jit3A_274 = arith.constant 0xFF800000 : f32
    %broadcast_in_dim3A_275 = vector.broadcast %jit3A_274 : f32 to vector<32x128xf32>
    %select_n3A_276 = arith.select %eq3A_273, %add3A_260, %broadcast_in_dim3A_275 : vector<32x128xi1>, vector<32x128xf32>
    %reduce_max3A_277 = arith.constant dense<0xFF800000> : vector<32xf32>
    %reduce_max3A_278 = vector.multi_reduction <maximumf>, %select_n3A_276, %reduce_max3A_277 [1] : vector<32x128xf32> to vector<32xf32>
    %broadcast_in_dim3A_279 = vector.shape_cast %reduce_max3A_278 : vector<32xf32> to vector<32x1xf32>
    %get3A_280 = arith.constant 0 : index
    %get3A_281 = arith.constant 0 : index
    %get3A_282 = vector.load %arg5[%get3A_280, %get3A_281] : memref<32x1xf32, #tpu.memory_space<vmem>>, vector<32x1xf32>
    %swap3A = arith.constant 0 : index
    %swap3A_283 = arith.constant 0 : index
    %swap3A_284 = vector.load %arg10[%swap3A, %swap3A_283] : memref<32x1xi32, #tpu.memory_space<vmem>>, vector<32x1xi32>
    tpu.vector_store %arg10[%swap3A, %swap3A_283], %broadcast_in_dim3A_271 {strides = array<i32>} : memref<32x1xi32, #tpu.memory_space<vmem>>, vector<32x1xi32>,
    %sub3A_285 = arith.subf %broadcast_in_dim3A_279, %get3A_282 : vector<32x1xf32>
    %get3A_286 = arith.constant 0 : index
    %get3A_287 = arith.constant 0 : index
    %get3A_288 = vector.load %arg7[%get3A_286, %get3A_287] : memref<32x1xf32, #tpu.memory_space<vmem>>, vector<32x1xf32>
    %log3A_289 = math.log %get3A_288 : vector<32x1xf32>
    %sub3A_290 = arith.subf %sub3A_285, %log3A_289 : vector<32x1xf32>
    %exp3A = math.exp %sub3A_290 : vector<32x1xf32>
    %swap3A_291 = arith.constant 0 : index
    %swap3A_292 = arith.constant 0 : index
    %swap3A_293 = vector.load %arg11[%swap3A_291, %swap3A_292] : memref<32x1xf32, #tpu.memory_space<vmem>>, vector<32x1xf32>
    tpu.vector_store %arg11[%swap3A_291, %swap3A_292], %exp3A {strides = array<i32>} : memref<32x1xf32, #tpu.memory_space<vmem>>, vector<32x1xf32>,
    %get3A_294 = arith.constant 0 : index
    %get3A_295 = arith.constant 0 : index
    %get3A_296 = vector.load %arg6[%get3A_294, %get3A_295] : memref<32x1xf32, #tpu.memory_space<vmem>>, vector<32x1xf32>
    %get3A_297 = arith.constant 0 : index
    %get3A_298 = arith.constant 0 : index
    %get3A_299 = vector.load %arg8[%get3A_297, %get3A_298] : memref<32x1xf32, #tpu.memory_space<vmem>>, vector<32x1xf32>
    %add3A_300 = arith.addf %get3A_296, %get3A_299 : vector<32x1xf32>
    %get3A_301 = arith.constant 0 : index
    %get3A_302 = arith.constant 0 : index
    %get3A_303 = vector.load %arg9[%get3A_301, %get3A_302] : memref<32x1xf32, #tpu.memory_space<vmem>>, vector<32x1xf32>
    %add3A_304 = arith.addf %get3A_282, %get3A_303 : vector<32x1xf32>
    %add3A_305 = arith.constant 0.00999999977 : f32
    %add3A_306 = vector.broadcast %add3A_305 : f32 to vector<32x1xf32>
    %add3A_307 = arith.addf %add3A_304, %add3A_306 : vector<32x1xf32>
    %gt3A = arith.cmpf ogt, %add3A_300, %add3A_307 : vector<32x1xf32>
    %convert_element_type3A = arith.extui %gt3A : vector<32x1xi1> to vector<32x1xi32>
    %swap3A_308 = arith.constant 0 : index
    %swap3A_309 = arith.constant 0 : index
    %swap3A_310 = vector.load %arg12[%swap3A_308, %swap3A_309] : memref<32x1xi32, #tpu.memory_space<vmem>>, vector<32x1xi32>
    tpu.vector_store %arg12[%swap3A_308, %swap3A_309], %convert_element_type3A {strides = array<i32>} : memref<32x1xi32, #tpu.memory_space<vmem>>, vector<32x1xi32>,
    return
  }
  func.func @transform_0(%arg0: i32) -> (i32, i32) {
    %c0_i32 = arith.constant 0 : i32
    %c0_i32_0 = arith.constant 0 : i32
    return %arg0, %c0_i32 : i32, i32
  }
  func.func @transform_1(%arg0: i32) -> (i32, i32) {
    %c0_i32 = arith.constant 0 : i32
    %c0_i32_0 = arith.constant 0 : i32
    return %arg0, %c0_i32 : i32, i32
  }
  func.func @transform_2(%arg0: i32) -> (i32, i32) {
    %c0_i32 = arith.constant 0 : i32
    %c0_i32_0 = arith.constant 0 : i32
    return %arg0, %c0_i32 : i32, i32
  }
  func.func @transform_3(%arg0: i32) -> (i32, i32) {
    %c0_i32 = arith.constant 0 : i32
    %c0_i32_0 = arith.constant 0 : i32
    return %arg0, %c0_i32 : i32, i32
  }
  func.func @transform_4(%arg0: i32) -> (i32, i32) {
    %c0_i32 = arith.constant 0 : i32
    %c0_i32_0 = arith.constant 0 : i32
    return %arg0, %c0_i32 : i32, i32
  }
  func.func @transform_5(%arg0: i32) -> (i32, i32) {
    %c0_i32 = arith.constant 0 : i32
    %c0_i32_0 = arith.constant 0 : i32
    return %arg0, %c0_i32 : i32, i32
  }
  func.func @transform_6(%arg0: i32) -> (i32, i32) {
    %c0_i32 = arith.constant 0 : i32
    %c0_i32_0 = arith.constant 0 : i32
    return %arg0, %c0_i32 : i32, i32
  }
  func.func @transform_7(%arg0: i32) -> (i32, i32) {
    %c0_i32 = arith.constant 0 : i32
    %c0_i32_0 = arith.constant 0 : i32
    return %arg0, %c0_i32 : i32, i32
  }
  func.func @transform_8(%arg0: i32) -> (i32, i32) {
    %c0_i32 = arith.constant 0 : i32
    %c0_i32_0 = arith.constant 0 : i32
    return %arg0, %c0_i32 : i32, i32
  }
  func.func @transform_9(%arg0: i32) -> (i32, i32) {
    %c0_i32 = arith.constant 0 : i32
    %c0_i32_0 = arith.constant 0 : i32
    return %arg0, %c0_i32 : i32, i32
  }
  func.func @transform_10(%arg0: i32) -> (i32, i32) {
    %c0_i32 = arith.constant 0 : i32
    %c0_i32_0 = arith.constant 0 : i32
    return %arg0, %c0_i32 : i32, i32
  }
  func.func @transform_11(%arg0: i32) -> (i32, i32) {
    %c0_i32 = arith.constant 0 : i32
    %c0_i32_0 = arith.constant 0 : i32
    return %arg0, %c0_i32 : i32, i32
  }
}

module attributes {stable_mosaic.version = 14 : i64} {
  func.func @_sweep_kernel(%arg0: i32, %arg1: i32, %arg2: memref<256x128xf32, #tpu.memory_space<vmem>>, %arg3: memref<128x4096xf32, #tpu.memory_space<vmem>>, %arg4: memref<1x4096xf32, #tpu.memory_space<vmem>>, %arg5: memref<256x1xf32, #tpu.memory_space<vmem>>, %arg6: memref<256x1xf32, #tpu.memory_space<vmem>>, %arg7: memref<256x1xf32, #tpu.memory_space<vmem>>, %arg8: memref<256x1xf32, #tpu.memory_space<vmem>>, %arg9: memref<256x1xf32, #tpu.memory_space<vmem>>, %arg10: memref<256x1xf32, #tpu.memory_space<vmem>>) attributes {dimension_semantics = [#tpu.dimension_semantics<parallel>, #tpu.dimension_semantics<arbitrary>], iteration_bounds = array<i64: 4, 25>, scalar_prefetch = 0 : i64, scratch_operands = 3 : i64, tpu.core_type = #tpu.core_type<tc>, window_params = [{transform_indices = @transform_0, window_bounds = array<i64: 256, 128>}, {transform_indices = @transform_1, window_bounds = array<i64: 128, 4096>}, {transform_indices = @transform_2, window_bounds = array<i64: 1, 4096>}, {transform_indices = @transform_3, window_bounds = array<i64: 256, 1>}, {transform_indices = @transform_4, window_bounds = array<i64: 256, 1>}, {transform_indices = @transform_5, window_bounds = array<i64: 256, 1>}]} {
    %eq3A = arith.constant 0 : i32
    %eq3A_0 = arith.cmpi eq, %arg1, %eq3A : i32
    %convert_element_type3A = arith.extui %eq3A_0 : i1 to i32
    %cond3A = arith.constant 0 : i32
    %cond3A_1 = arith.cmpi ne, %convert_element_type3A, %cond3A : i32
    scf.if %cond3A_1 {
      %broadcast_in_dim3A = arith.constant 0xFF800000 : f32
      %broadcast_in_dim3A_11 = vector.broadcast %broadcast_in_dim3A : f32 to vector<256x1xf32>
      %swap3A = arith.constant 0 : index
      %swap3A_12 = arith.constant 0 : index
      %swap3A_13 = vector.load %arg8[%swap3A, %swap3A_12] : memref<256x1xf32, #tpu.memory_space<vmem>>, vector<256x1xf32>
      tpu.vector_store %arg8[%swap3A, %swap3A_12], %broadcast_in_dim3A_11 {strides = array<i32>} : memref<256x1xf32, #tpu.memory_space<vmem>>, vector<256x1xf32>,
      %broadcast_in_dim3A_14 = arith.constant 0x7F800000 : f32
      %broadcast_in_dim3A_15 = vector.broadcast %broadcast_in_dim3A_14 : f32 to vector<256x1xf32>
      %swap3A_16 = arith.constant 0 : index
      %swap3A_17 = arith.constant 0 : index
      %swap3A_18 = vector.load %arg9[%swap3A_16, %swap3A_17] : memref<256x1xf32, #tpu.memory_space<vmem>>, vector<256x1xf32>
      tpu.vector_store %arg9[%swap3A_16, %swap3A_17], %broadcast_in_dim3A_15 {strides = array<i32>} : memref<256x1xf32, #tpu.memory_space<vmem>>, vector<256x1xf32>,
      %broadcast_in_dim3A_19 = arith.constant 0.000000e+00 : f32
      %broadcast_in_dim3A_20 = vector.broadcast %broadcast_in_dim3A_19 : f32 to vector<256x1xf32>
      %swap3A_21 = arith.constant 0 : index
      %swap3A_22 = arith.constant 0 : index
      %swap3A_23 = vector.load %arg10[%swap3A_21, %swap3A_22] : memref<256x1xf32, #tpu.memory_space<vmem>>, vector<256x1xf32>
      tpu.vector_store %arg10[%swap3A_21, %swap3A_22], %broadcast_in_dim3A_20 {strides = array<i32>} : memref<256x1xf32, #tpu.memory_space<vmem>>, vector<256x1xf32>,
    } else {
    }
    %lt3A = arith.constant 24 : i32
    %lt3A_2 = arith.cmpi slt, %arg1, %lt3A : i32
    %convert_element_type3A_3 = arith.extui %lt3A_2 : i1 to i32
    %cond3A_4 = arith.constant 0 : i32
    %cond3A_5 = arith.cmpi ne, %convert_element_type3A_3, %cond3A_4 : i32
    scf.if %cond3A_5 {
      %get3A = arith.constant 0 : index
      %get3A_11 = arith.constant 0 : index
      %get3A_12 = vector.load %arg2[%get3A, %get3A_11] : memref<256x128xf32, #tpu.memory_space<vmem>>, vector<256x128xf32>
      %get3A_13 = arith.constant 0 : index
      %get3A_14 = arith.constant 0 : index
      %get3A_15 = vector.load %arg3[%get3A_13, %get3A_14] : memref<128x4096xf32, #tpu.memory_space<vmem>>, vector<128x4096xf32>
      %dot_general3A = arith.constant dense<0.000000e+00> : vector<256x4096xf32>
      %dot_general3A_16 = tpu.matmul %get3A_12, %get3A_15, %dot_general3A {dimension_numbers = #tpu.dot_dimension_numbers<[1], [0], [0], [1], [0, 0, 1, 1], [], []>, transpose_lhs_hint = false} : vector<256x128xf32>, vector<128x4096xf32>, vector<256x4096xf32> -> vector<256x4096xf32>
      %get3A_17 = arith.constant 0 : index
      %get3A_18 = arith.constant 0 : index
      %get3A_19 = vector.load %arg4[%get3A_17, %get3A_18] : memref<1x4096xf32, #tpu.memory_space<vmem>>, vector<1x4096xf32>
      %add3A = vector.broadcast %get3A_19 : vector<1x4096xf32> to vector<256x4096xf32>
      %add3A_20 = arith.addf %dot_general3A_16, %add3A : vector<256x4096xf32>
      %reduce_max3A = arith.constant dense<0xFF800000> : vector<256xf32>
      %reduce_max3A_21 = vector.multi_reduction <maximumf>, %add3A_20, %reduce_max3A [1] : vector<256x4096xf32> to vector<256xf32>
      %broadcast_in_dim3A = vector.shape_cast %reduce_max3A_21 : vector<256xf32> to vector<256x1xf32>
      %reduce_min3A = arith.constant dense<0x7F800000> : vector<256xf32>
      %reduce_min3A_22 = vector.multi_reduction <minimumf>, %add3A_20, %reduce_min3A [1] : vector<256x4096xf32> to vector<256xf32>
      %broadcast_in_dim3A_23 = vector.shape_cast %reduce_min3A_22 : vector<256xf32> to vector<256x1xf32>
      %get3A_24 = arith.constant 0 : index
      %get3A_25 = arith.constant 0 : index
      %get3A_26 = vector.load %arg8[%get3A_24, %get3A_25] : memref<256x1xf32, #tpu.memory_space<vmem>>, vector<256x1xf32>
      %max3A = arith.maximumf %get3A_26, %broadcast_in_dim3A : vector<256x1xf32>
      %get3A_27 = arith.constant 0 : index
      %get3A_28 = arith.constant 0 : index
      %get3A_29 = vector.load %arg10[%get3A_27, %get3A_28] : memref<256x1xf32, #tpu.memory_space<vmem>>, vector<256x1xf32>
      %sub3A = arith.subf %get3A_26, %max3A : vector<256x1xf32>
      %exp3A = math.exp %sub3A : vector<256x1xf32>
      %mul3A = arith.mulf %get3A_29, %exp3A : vector<256x1xf32>
      %sub3A_30 = vector.broadcast %max3A : vector<256x1xf32> to vector<256x4096xf32>
      %sub3A_31 = arith.subf %add3A_20, %sub3A_30 : vector<256x4096xf32>
      %exp3A_32 = math.exp %sub3A_31 : vector<256x4096xf32>
      %reduce_sum3A = arith.constant dense<0.000000e+00> : vector<256xf32>
      %reduce_sum3A_33 = vector.multi_reduction <add>, %exp3A_32, %reduce_sum3A [1] : vector<256x4096xf32> to vector<256xf32>
      %broadcast_in_dim3A_34 = vector.shape_cast %reduce_sum3A_33 : vector<256xf32> to vector<256x1xf32>
      %add3A_35 = arith.addf %mul3A, %broadcast_in_dim3A_34 : vector<256x1xf32>
      %swap3A = arith.constant 0 : index
      %swap3A_36 = arith.constant 0 : index
      %swap3A_37 = vector.load %arg10[%swap3A, %swap3A_36] : memref<256x1xf32, #tpu.memory_space<vmem>>, vector<256x1xf32>
      tpu.vector_store %arg10[%swap3A, %swap3A_36], %add3A_35 {strides = array<i32>} : memref<256x1xf32, #tpu.memory_space<vmem>>, vector<256x1xf32>,
      %swap3A_38 = arith.constant 0 : index
      %swap3A_39 = arith.constant 0 : index
      %swap3A_40 = vector.load %arg8[%swap3A_38, %swap3A_39] : memref<256x1xf32, #tpu.memory_space<vmem>>, vector<256x1xf32>
      tpu.vector_store %arg8[%swap3A_38, %swap3A_39], %max3A {strides = array<i32>} : memref<256x1xf32, #tpu.memory_space<vmem>>, vector<256x1xf32>,
      %get3A_41 = arith.constant 0 : index
      %get3A_42 = arith.constant 0 : index
      %get3A_43 = vector.load %arg9[%get3A_41, %get3A_42] : memref<256x1xf32, #tpu.memory_space<vmem>>, vector<256x1xf32>
      %min3A = arith.minimumf %get3A_43, %broadcast_in_dim3A_23 : vector<256x1xf32>
      %swap3A_44 = arith.constant 0 : index
      %swap3A_45 = arith.constant 0 : index
      %swap3A_46 = vector.load %arg9[%swap3A_44, %swap3A_45] : memref<256x1xf32, #tpu.memory_space<vmem>>, vector<256x1xf32>
      tpu.vector_store %arg9[%swap3A_44, %swap3A_45], %min3A {strides = array<i32>} : memref<256x1xf32, #tpu.memory_space<vmem>>, vector<256x1xf32>,
    } else {
    }
    %eq3A_6 = arith.constant 24 : i32
    %eq3A_7 = arith.cmpi eq, %arg1, %eq3A_6 : i32
    %convert_element_type3A_8 = arith.extui %eq3A_7 : i1 to i32
    %cond3A_9 = arith.constant 0 : i32
    %cond3A_10 = arith.cmpi ne, %convert_element_type3A_8, %cond3A_9 : i32
    scf.if %cond3A_10 {
      %get3A = arith.constant 0 : index
      %get3A_11 = arith.constant 0 : index
      %get3A_12 = vector.load %arg2[%get3A, %get3A_11] : memref<256x128xf32, #tpu.memory_space<vmem>>, vector<256x128xf32>
      %get3A_13 = arith.constant 0 : index
      %get3A_14 = arith.constant 0 : index
      %get3A_15 = vector.load %arg3[%get3A_13, %get3A_14] : memref<128x4096xf32, #tpu.memory_space<vmem>>, vector<128x4096xf32>
      %dot_general3A = arith.constant dense<0.000000e+00> : vector<256x4096xf32>
      %dot_general3A_16 = tpu.matmul %get3A_12, %get3A_15, %dot_general3A {dimension_numbers = #tpu.dot_dimension_numbers<[1], [0], [0], [1], [0, 0, 1, 1], [], []>, transpose_lhs_hint = false} : vector<256x128xf32>, vector<128x4096xf32>, vector<256x4096xf32> -> vector<256x4096xf32>
      %get3A_17 = arith.constant 0 : index
      %get3A_18 = arith.constant 0 : index
      %get3A_19 = vector.load %arg4[%get3A_17, %get3A_18] : memref<1x4096xf32, #tpu.memory_space<vmem>>, vector<1x4096xf32>
      %add3A = vector.broadcast %get3A_19 : vector<1x4096xf32> to vector<256x4096xf32>
      %add3A_20 = arith.addf %dot_general3A_16, %add3A : vector<256x4096xf32>
      %iota3A = tpu.iota {dimensions = array<i32: 1>} : vector<256x4096xi32>
      %mul3A = arith.constant 4096 : i32
      %mul3A_21 = arith.muli %arg1, %mul3A : i32
      %sub3A = arith.constant 100000 : i32
      %sub3A_22 = arith.subi %sub3A, %mul3A_21 : i32
      %lt3A_23 = vector.broadcast %sub3A_22 : i32 to vector<256x4096xi32>
      %lt3A_24 = arith.cmpi slt, %iota3A, %lt3A_23 : vector<256x4096xi32>
      %jit3A = arith.constant 0xFF800000 : f32
      %broadcast_in_dim3A = vector.broadcast %jit3A : f32 to vector<256x4096xf32>
      %select_n3A = arith.select %lt3A_24, %add3A_20, %broadcast_in_dim3A : vector<256x4096xi1>, vector<256x4096xf32>
      %jit3A_25 = arith.constant 0x7F800000 : f32
      %broadcast_in_dim3A_26 = vector.broadcast %jit3A_25 : f32 to vector<256x4096xf32>
      %select_n3A_27 = arith.select %lt3A_24, %add3A_20, %broadcast_in_dim3A_26 : vector<256x4096xi1>, vector<256x4096xf32>
      %reduce_max3A = arith.constant dense<0xFF800000> : vector<256xf32>
      %reduce_max3A_28 = vector.multi_reduction <maximumf>, %select_n3A, %reduce_max3A [1] : vector<256x4096xf32> to vector<256xf32>
      %broadcast_in_dim3A_29 = vector.shape_cast %reduce_max3A_28 : vector<256xf32> to vector<256x1xf32>
      %reduce_min3A = arith.constant dense<0x7F800000> : vector<256xf32>
      %reduce_min3A_30 = vector.multi_reduction <minimumf>, %select_n3A_27, %reduce_min3A [1] : vector<256x4096xf32> to vector<256xf32>
      %broadcast_in_dim3A_31 = vector.shape_cast %reduce_min3A_30 : vector<256xf32> to vector<256x1xf32>
      %get3A_32 = arith.constant 0 : index
      %get3A_33 = arith.constant 0 : index
      %get3A_34 = vector.load %arg8[%get3A_32, %get3A_33] : memref<256x1xf32, #tpu.memory_space<vmem>>, vector<256x1xf32>
      %max3A = arith.maximumf %get3A_34, %broadcast_in_dim3A_29 : vector<256x1xf32>
      %get3A_35 = arith.constant 0 : index
      %get3A_36 = arith.constant 0 : index
      %get3A_37 = vector.load %arg10[%get3A_35, %get3A_36] : memref<256x1xf32, #tpu.memory_space<vmem>>, vector<256x1xf32>
      %sub3A_38 = arith.subf %get3A_34, %max3A : vector<256x1xf32>
      %exp3A = math.exp %sub3A_38 : vector<256x1xf32>
      %mul3A_39 = arith.mulf %get3A_37, %exp3A : vector<256x1xf32>
      %sub3A_40 = vector.broadcast %max3A : vector<256x1xf32> to vector<256x4096xf32>
      %sub3A_41 = arith.subf %select_n3A, %sub3A_40 : vector<256x4096xf32>
      %exp3A_42 = math.exp %sub3A_41 : vector<256x4096xf32>
      %reduce_sum3A = arith.constant dense<0.000000e+00> : vector<256xf32>
      %reduce_sum3A_43 = vector.multi_reduction <add>, %exp3A_42, %reduce_sum3A [1] : vector<256x4096xf32> to vector<256xf32>
      %broadcast_in_dim3A_44 = vector.shape_cast %reduce_sum3A_43 : vector<256xf32> to vector<256x1xf32>
      %add3A_45 = arith.addf %mul3A_39, %broadcast_in_dim3A_44 : vector<256x1xf32>
      %swap3A = arith.constant 0 : index
      %swap3A_46 = arith.constant 0 : index
      %swap3A_47 = vector.load %arg10[%swap3A, %swap3A_46] : memref<256x1xf32, #tpu.memory_space<vmem>>, vector<256x1xf32>
      tpu.vector_store %arg10[%swap3A, %swap3A_46], %add3A_45 {strides = array<i32>} : memref<256x1xf32, #tpu.memory_space<vmem>>, vector<256x1xf32>,
      %swap3A_48 = arith.constant 0 : index
      %swap3A_49 = arith.constant 0 : index
      %swap3A_50 = vector.load %arg8[%swap3A_48, %swap3A_49] : memref<256x1xf32, #tpu.memory_space<vmem>>, vector<256x1xf32>
      tpu.vector_store %arg8[%swap3A_48, %swap3A_49], %max3A {strides = array<i32>} : memref<256x1xf32, #tpu.memory_space<vmem>>, vector<256x1xf32>,
      %get3A_51 = arith.constant 0 : index
      %get3A_52 = arith.constant 0 : index
      %get3A_53 = vector.load %arg9[%get3A_51, %get3A_52] : memref<256x1xf32, #tpu.memory_space<vmem>>, vector<256x1xf32>
      %min3A = arith.minimumf %get3A_53, %broadcast_in_dim3A_31 : vector<256x1xf32>
      %swap3A_54 = arith.constant 0 : index
      %swap3A_55 = arith.constant 0 : index
      %swap3A_56 = vector.load %arg9[%swap3A_54, %swap3A_55] : memref<256x1xf32, #tpu.memory_space<vmem>>, vector<256x1xf32>
      tpu.vector_store %arg9[%swap3A_54, %swap3A_55], %min3A {strides = array<i32>} : memref<256x1xf32, #tpu.memory_space<vmem>>, vector<256x1xf32>,
      %get3A_57 = arith.constant 0 : index
      %get3A_58 = arith.constant 0 : index
      %get3A_59 = vector.load %arg8[%get3A_57, %get3A_58] : memref<256x1xf32, #tpu.memory_space<vmem>>, vector<256x1xf32>
      %swap3A_60 = arith.constant 0 : index
      %swap3A_61 = arith.constant 0 : index
      %swap3A_62 = vector.load %arg5[%swap3A_60, %swap3A_61] : memref<256x1xf32, #tpu.memory_space<vmem>>, vector<256x1xf32>
      tpu.vector_store %arg5[%swap3A_60, %swap3A_61], %get3A_59 {strides = array<i32>} : memref<256x1xf32, #tpu.memory_space<vmem>>, vector<256x1xf32>,
      %get3A_63 = arith.constant 0 : index
      %get3A_64 = arith.constant 0 : index
      %get3A_65 = vector.load %arg9[%get3A_63, %get3A_64] : memref<256x1xf32, #tpu.memory_space<vmem>>, vector<256x1xf32>
      %swap3A_66 = arith.constant 0 : index
      %swap3A_67 = arith.constant 0 : index
      %swap3A_68 = vector.load %arg6[%swap3A_66, %swap3A_67] : memref<256x1xf32, #tpu.memory_space<vmem>>, vector<256x1xf32>
      tpu.vector_store %arg6[%swap3A_66, %swap3A_67], %get3A_65 {strides = array<i32>} : memref<256x1xf32, #tpu.memory_space<vmem>>, vector<256x1xf32>,
      %get3A_69 = arith.constant 0 : index
      %get3A_70 = arith.constant 0 : index
      %get3A_71 = vector.load %arg10[%get3A_69, %get3A_70] : memref<256x1xf32, #tpu.memory_space<vmem>>, vector<256x1xf32>
      %swap3A_72 = arith.constant 0 : index
      %swap3A_73 = arith.constant 0 : index
      %swap3A_74 = vector.load %arg7[%swap3A_72, %swap3A_73] : memref<256x1xf32, #tpu.memory_space<vmem>>, vector<256x1xf32>
      tpu.vector_store %arg7[%swap3A_72, %swap3A_73], %get3A_71 {strides = array<i32>} : memref<256x1xf32, #tpu.memory_space<vmem>>, vector<256x1xf32>,
    } else {
    }
    return
  }
  func.func @transform_0(%arg0: i32, %arg1: i32) -> (i32, i32) {
    %c0_i32 = arith.constant 0 : i32
    %c0_i32_0 = arith.constant 0 : i32
    return %arg0, %c0_i32 : i32, i32
  }
  func.func @transform_1(%arg0: i32, %arg1: i32) -> (i32, i32) {
    %c0_i32 = arith.constant 0 : i32
    %c0_i32_0 = arith.constant 0 : i32
    return %c0_i32, %arg1 : i32, i32
  }
  func.func @transform_2(%arg0: i32, %arg1: i32) -> (i32, i32) {
    %c0_i32 = arith.constant 0 : i32
    %c0_i32_0 = arith.constant 0 : i32
    return %c0_i32, %arg1 : i32, i32
  }
  func.func @transform_3(%arg0: i32, %arg1: i32) -> (i32, i32) {
    %c0_i32 = arith.constant 0 : i32
    %c0_i32_0 = arith.constant 0 : i32
    return %arg0, %c0_i32 : i32, i32
  }
  func.func @transform_4(%arg0: i32, %arg1: i32) -> (i32, i32) {
    %c0_i32 = arith.constant 0 : i32
    %c0_i32_0 = arith.constant 0 : i32
    return %arg0, %c0_i32 : i32, i32
  }
  func.func @transform_5(%arg0: i32, %arg1: i32) -> (i32, i32) {
    %c0_i32 = arith.constant 0 : i32
    %c0_i32_0 = arith.constant 0 : i32
    return %arg0, %c0_i32 : i32, i32
  }
}

module attributes {stable_mosaic.version = 14 : i64} {
  func.func @_full_kernel(%arg0: i32, %arg1: i32, %arg2: memref<256x128xf32, #tpu.memory_space<vmem>>, %arg3: memref<128x2048xf32, #tpu.memory_space<vmem>>, %arg4: memref<1x2048xf32, #tpu.memory_space<vmem>>, %arg5: memref<256x1xi32, #tpu.memory_space<vmem>>, %arg6: memref<256x1xf32, #tpu.memory_space<vmem>>, %arg7: memref<256x1xf32, #tpu.memory_space<vmem>>, %arg8: memref<256x1xi32, #tpu.memory_space<vmem>>, %arg9: memref<256x1xf32, #tpu.memory_space<vmem>>, %arg10: memref<256x2048xi32, #tpu.memory_space<vmem>>) attributes {dimension_semantics = [#tpu.dimension_semantics<parallel>, #tpu.dimension_semantics<arbitrary>], iteration_bounds = array<i64: 4, 49>, scalar_prefetch = 0 : i64, scratch_operands = 4 : i64, tpu.core_type = #tpu.core_type<tc>, window_params = [{transform_indices = @transform_0, window_bounds = array<i64: 256, 128>}, {transform_indices = @transform_1, window_bounds = array<i64: 128, 2048>}, {transform_indices = @transform_2, window_bounds = array<i64: 1, 2048>}, {transform_indices = @transform_3, window_bounds = array<i64: 256, 1>}, {transform_indices = @transform_4, window_bounds = array<i64: 256, 1>}]} {
    %mul3A = arith.constant 256 : i32
    %mul3A_0 = arith.muli %arg0, %mul3A : i32
    %eq3A = arith.constant 0 : i32
    %eq3A_1 = arith.cmpi eq, %arg1, %eq3A : i32
    %convert_element_type3A = arith.extui %eq3A_1 : i1 to i32
    %cond3A = arith.constant 0 : i32
    %cond3A_2 = arith.cmpi ne, %convert_element_type3A, %cond3A : i32
    scf.if %cond3A_2 {
      %broadcast_in_dim3A = arith.constant 0xFF800000 : f32
      %broadcast_in_dim3A_12 = vector.broadcast %broadcast_in_dim3A : f32 to vector<256x1xf32>
      %swap3A = arith.constant 0 : index
      %swap3A_13 = arith.constant 0 : index
      %swap3A_14 = vector.load %arg7[%swap3A, %swap3A_13] : memref<256x1xf32, #tpu.memory_space<vmem>>, vector<256x1xf32>
      tpu.vector_store %arg7[%swap3A, %swap3A_13], %broadcast_in_dim3A_12 {strides = array<i32>} : memref<256x1xf32, #tpu.memory_space<vmem>>, vector<256x1xf32>,
      %broadcast_in_dim3A_15 = arith.constant 0 : i32
      %broadcast_in_dim3A_16 = vector.broadcast %broadcast_in_dim3A_15 : i32 to vector<256x1xi32>
      %swap3A_17 = arith.constant 0 : index
      %swap3A_18 = arith.constant 0 : index
      %swap3A_19 = vector.load %arg8[%swap3A_17, %swap3A_18] : memref<256x1xi32, #tpu.memory_space<vmem>>, vector<256x1xi32>
      tpu.vector_store %arg8[%swap3A_17, %swap3A_18], %broadcast_in_dim3A_16 {strides = array<i32>} : memref<256x1xi32, #tpu.memory_space<vmem>>, vector<256x1xi32>,
      %broadcast_in_dim3A_20 = arith.constant 0.000000e+00 : f32
      %broadcast_in_dim3A_21 = vector.broadcast %broadcast_in_dim3A_20 : f32 to vector<256x1xf32>
      %swap3A_22 = arith.constant 0 : index
      %swap3A_23 = arith.constant 0 : index
      %swap3A_24 = vector.load %arg9[%swap3A_22, %swap3A_23] : memref<256x1xf32, #tpu.memory_space<vmem>>, vector<256x1xf32>
      tpu.vector_store %arg9[%swap3A_22, %swap3A_23], %broadcast_in_dim3A_21 {strides = array<i32>} : memref<256x1xf32, #tpu.memory_space<vmem>>, vector<256x1xf32>,
      %iota3A = tpu.iota {dimensions = array<i32: 0>} : vector<256x2048xi32>
      %iota3A_25 = tpu.iota {dimensions = array<i32: 1>} : vector<256x2048xi32>
      %add3A = vector.broadcast %mul3A_0 : i32 to vector<256x2048xi32>
      %add3A_26 = arith.addi %iota3A, %add3A : vector<256x2048xi32>
      %mul3A_27 = arith.constant 100000 : i32
      %mul3A_28 = vector.broadcast %mul3A_27 : i32 to vector<256x2048xi32>
      %mul3A_29 = arith.muli %add3A_26, %mul3A_28 : vector<256x2048xi32>
      %add3A_30 = arith.addi %mul3A_29, %iota3A_25 : vector<256x2048xi32>
      %swap3A_31 = arith.constant 0 : index
      %swap3A_32 = arith.constant 0 : index
      %swap3A_33 = vector.load %arg10[%swap3A_31, %swap3A_32] : memref<256x2048xi32, #tpu.memory_space<vmem>>, vector<256x2048xi32>
      tpu.vector_store %arg10[%swap3A_31, %swap3A_32], %add3A_30 {strides = array<i32>} : memref<256x2048xi32, #tpu.memory_space<vmem>>, vector<256x2048xi32>,
    } else {
    }
    %lt3A = arith.constant 48 : i32
    %lt3A_3 = arith.cmpi slt, %arg1, %lt3A : i32
    %convert_element_type3A_4 = arith.extui %lt3A_3 : i1 to i32
    %cond3A_5 = arith.constant 0 : i32
    %cond3A_6 = arith.cmpi ne, %convert_element_type3A_4, %cond3A_5 : i32
    scf.if %cond3A_6 {
      %get3A = arith.constant 0 : index
      %get3A_12 = arith.constant 0 : index
      %get3A_13 = vector.load %arg2[%get3A, %get3A_12] : memref<256x128xf32, #tpu.memory_space<vmem>>, vector<256x128xf32>
      %get3A_14 = arith.constant 0 : index
      %get3A_15 = arith.constant 0 : index
      %get3A_16 = vector.load %arg3[%get3A_14, %get3A_15] : memref<128x2048xf32, #tpu.memory_space<vmem>>, vector<128x2048xf32>
      %dot_general3A = arith.constant dense<0.000000e+00> : vector<256x2048xf32>
      %dot_general3A_17 = tpu.matmul %get3A_13, %get3A_16, %dot_general3A {dimension_numbers = #tpu.dot_dimension_numbers<[1], [0], [0], [1], [0, 0, 1, 1], [], []>, transpose_lhs_hint = false} : vector<256x128xf32>, vector<128x2048xf32>, vector<256x2048xf32> -> vector<256x2048xf32>
      %get3A_18 = arith.constant 0 : index
      %get3A_19 = arith.constant 0 : index
      %get3A_20 = vector.load %arg4[%get3A_18, %get3A_19] : memref<1x2048xf32, #tpu.memory_space<vmem>>, vector<1x2048xf32>
      %add3A = vector.broadcast %get3A_20 : vector<1x2048xf32> to vector<256x2048xf32>
      %add3A_21 = arith.addf %dot_general3A_17, %add3A : vector<256x2048xf32>
      %get3A_22 = arith.constant 0 : index
      %get3A_23 = arith.constant 0 : index
      %get3A_24 = vector.load %arg10[%get3A_22, %get3A_23] : memref<256x2048xi32, #tpu.memory_space<vmem>>, vector<256x2048xi32>
      %mul3A_25 = arith.constant 2048 : i32
      %mul3A_26 = arith.muli %arg1, %mul3A_25 : i32
      %add3A_27 = arith.constant 42 : i32
      %add3A_28 = arith.addi %mul3A_26, %add3A_27 : i32
      %add3A_29 = vector.broadcast %add3A_28 : i32 to vector<256x2048xi32>
      %add3A_30 = arith.addi %get3A_24, %add3A_29 : vector<256x2048xi32>
      %shift_left3A = arith.constant 13 : i32
      %shift_left3A_31 = vector.broadcast %shift_left3A : i32 to vector<256x2048xi32>
      %shift_left3A_32 = arith.shli %add3A_30, %shift_left3A_31 : vector<256x2048xi32>
      %shift_right_logical3A = arith.constant 19 : i32
      %shift_right_logical3A_33 = vector.broadcast %shift_right_logical3A : i32 to vector<256x2048xi32>
      %shift_right_logical3A_34 = arith.shrui %add3A_30, %shift_right_logical3A_33 : vector<256x2048xi32>
      %or3A = arith.ori %shift_left3A_32, %shift_right_logical3A_34 : vector<256x2048xi32>
      %xor3A = arith.xori %add3A_30, %or3A : vector<256x2048xi32>
      %add3A_35 = arith.addi %add3A_30, %xor3A : vector<256x2048xi32>
      %shift_left3A_36 = arith.constant 15 : i32
      %shift_left3A_37 = vector.broadcast %shift_left3A_36 : i32 to vector<256x2048xi32>
      %shift_left3A_38 = arith.shli %xor3A, %shift_left3A_37 : vector<256x2048xi32>
      %shift_right_logical3A_39 = arith.constant 17 : i32
      %shift_right_logical3A_40 = vector.broadcast %shift_right_logical3A_39 : i32 to vector<256x2048xi32>
      %shift_right_logical3A_41 = arith.shrui %xor3A, %shift_right_logical3A_40 : vector<256x2048xi32>
      %or3A_42 = arith.ori %shift_left3A_38, %shift_right_logical3A_41 : vector<256x2048xi32>
      %xor3A_43 = arith.xori %add3A_35, %or3A_42 : vector<256x2048xi32>
      %add3A_44 = arith.addi %add3A_35, %xor3A_43 : vector<256x2048xi32>
      %shift_left3A_45 = arith.constant 26 : i32
      %shift_left3A_46 = vector.broadcast %shift_left3A_45 : i32 to vector<256x2048xi32>
      %shift_left3A_47 = arith.shli %xor3A_43, %shift_left3A_46 : vector<256x2048xi32>
      %shift_right_logical3A_48 = arith.constant 6 : i32
      %shift_right_logical3A_49 = vector.broadcast %shift_right_logical3A_48 : i32 to vector<256x2048xi32>
      %shift_right_logical3A_50 = arith.shrui %xor3A_43, %shift_right_logical3A_49 : vector<256x2048xi32>
      %or3A_51 = arith.ori %shift_left3A_47, %shift_right_logical3A_50 : vector<256x2048xi32>
      %xor3A_52 = arith.xori %add3A_44, %or3A_51 : vector<256x2048xi32>
      %add3A_53 = arith.addi %add3A_44, %xor3A_52 : vector<256x2048xi32>
      %shift_left3A_54 = arith.constant 6 : i32
      %shift_left3A_55 = vector.broadcast %shift_left3A_54 : i32 to vector<256x2048xi32>
      %shift_left3A_56 = arith.shli %xor3A_52, %shift_left3A_55 : vector<256x2048xi32>
      %shift_right_logical3A_57 = arith.constant 26 : i32
      %shift_right_logical3A_58 = vector.broadcast %shift_right_logical3A_57 : i32 to vector<256x2048xi32>
      %shift_right_logical3A_59 = arith.shrui %xor3A_52, %shift_right_logical3A_58 : vector<256x2048xi32>
      %or3A_60 = arith.ori %shift_left3A_56, %shift_right_logical3A_59 : vector<256x2048xi32>
      %xor3A_61 = arith.xori %add3A_53, %or3A_60 : vector<256x2048xi32>
      %add3A_62 = arith.constant 42 : i32
      %add3A_63 = vector.broadcast %add3A_62 : i32 to vector<256x2048xi32>
      %add3A_64 = arith.addi %add3A_53, %add3A_63 : vector<256x2048xi32>
      %add3A_65 = arith.constant 466689008 : i32
      %add3A_66 = vector.broadcast %add3A_65 : i32 to vector<256x2048xi32>
      %add3A_67 = arith.addi %xor3A_61, %add3A_66 : vector<256x2048xi32>
      %add3A_68 = arith.constant 1 : i32
      %add3A_69 = vector.broadcast %add3A_68 : i32 to vector<256x2048xi32>
      %add3A_70 = arith.addi %add3A_67, %add3A_69 : vector<256x2048xi32>
      %add3A_71 = arith.addi %add3A_64, %add3A_70 : vector<256x2048xi32>
      %shift_left3A_72 = arith.constant 17 : i32
      %shift_left3A_73 = vector.broadcast %shift_left3A_72 : i32 to vector<256x2048xi32>
      %shift_left3A_74 = arith.shli %add3A_70, %shift_left3A_73 : vector<256x2048xi32>
      %shift_right_logical3A_75 = arith.constant 15 : i32
      %shift_right_logical3A_76 = vector.broadcast %shift_right_logical3A_75 : i32 to vector<256x2048xi32>
      %shift_right_logical3A_77 = arith.shrui %add3A_70, %shift_right_logical3A_76 : vector<256x2048xi32>
      %or3A_78 = arith.ori %shift_left3A_74, %shift_right_logical3A_77 : vector<256x2048xi32>
      %xor3A_79 = arith.xori %add3A_71, %or3A_78 : vector<256x2048xi32>
      %add3A_80 = arith.addi %add3A_71, %xor3A_79 : vector<256x2048xi32>
      %shift_left3A_81 = arith.constant 29 : i32
      %shift_left3A_82 = vector.broadcast %shift_left3A_81 : i32 to vector<256x2048xi32>
      %shift_left3A_83 = arith.shli %xor3A_79, %shift_left3A_82 : vector<256x2048xi32>
      %shift_right_logical3A_84 = arith.constant 3 : i32
      %shift_right_logical3A_85 = vector.broadcast %shift_right_logical3A_84 : i32 to vector<256x2048xi32>
      %shift_right_logical3A_86 = arith.shrui %xor3A_79, %shift_right_logical3A_85 : vector<256x2048xi32>
      %or3A_87 = arith.ori %shift_left3A_83, %shift_right_logical3A_86 : vector<256x2048xi32>
      %xor3A_88 = arith.xori %add3A_80, %or3A_87 : vector<256x2048xi32>
      %add3A_89 = arith.addi %add3A_80, %xor3A_88 : vector<256x2048xi32>
      %shift_left3A_90 = arith.constant 16 : i32
      %shift_left3A_91 = vector.broadcast %shift_left3A_90 : i32 to vector<256x2048xi32>
      %shift_left3A_92 = arith.shli %xor3A_88, %shift_left3A_91 : vector<256x2048xi32>
      %shift_right_logical3A_93 = arith.constant 16 : i32
      %shift_right_logical3A_94 = vector.broadcast %shift_right_logical3A_93 : i32 to vector<256x2048xi32>
      %shift_right_logical3A_95 = arith.shrui %xor3A_88, %shift_right_logical3A_94 : vector<256x2048xi32>
      %or3A_96 = arith.ori %shift_left3A_92, %shift_right_logical3A_95 : vector<256x2048xi32>
      %xor3A_97 = arith.xori %add3A_89, %or3A_96 : vector<256x2048xi32>
      %add3A_98 = arith.addi %add3A_89, %xor3A_97 : vector<256x2048xi32>
      %shift_left3A_99 = arith.constant 24 : i32
      %shift_left3A_100 = vector.broadcast %shift_left3A_99 : i32 to vector<256x2048xi32>
      %shift_left3A_101 = arith.shli %xor3A_97, %shift_left3A_100 : vector<256x2048xi32>
      %shift_right_logical3A_102 = arith.constant 8 : i32
      %shift_right_logical3A_103 = vector.broadcast %shift_right_logical3A_102 : i32 to vector<256x2048xi32>
      %shift_right_logical3A_104 = arith.shrui %xor3A_97, %shift_right_logical3A_103 : vector<256x2048xi32>
      %or3A_105 = arith.ori %shift_left3A_101, %shift_right_logical3A_104 : vector<256x2048xi32>
      %xor3A_106 = arith.xori %add3A_98, %or3A_105 : vector<256x2048xi32>
      %add3A_107 = arith.constant 466689008 : i32
      %add3A_108 = vector.broadcast %add3A_107 : i32 to vector<256x2048xi32>
      %add3A_109 = arith.addi %add3A_98, %add3A_108 : vector<256x2048xi32>
      %add3A_110 = arith.constant 0 : i32
      %add3A_111 = vector.broadcast %add3A_110 : i32 to vector<256x2048xi32>
      %add3A_112 = arith.addi %xor3A_106, %add3A_111 : vector<256x2048xi32>
      %add3A_113 = arith.constant 2 : i32
      %add3A_114 = vector.broadcast %add3A_113 : i32 to vector<256x2048xi32>
      %add3A_115 = arith.addi %add3A_112, %add3A_114 : vector<256x2048xi32>
      %add3A_116 = arith.addi %add3A_109, %add3A_115 : vector<256x2048xi32>
      %shift_left3A_117 = arith.constant 13 : i32
      %shift_left3A_118 = vector.broadcast %shift_left3A_117 : i32 to vector<256x2048xi32>
      %shift_left3A_119 = arith.shli %add3A_115, %shift_left3A_118 : vector<256x2048xi32>
      %shift_right_logical3A_120 = arith.constant 19 : i32
      %shift_right_logical3A_121 = vector.broadcast %shift_right_logical3A_120 : i32 to vector<256x2048xi32>
      %shift_right_logical3A_122 = arith.shrui %add3A_115, %shift_right_logical3A_121 : vector<256x2048xi32>
      %or3A_123 = arith.ori %shift_left3A_119, %shift_right_logical3A_122 : vector<256x2048xi32>
      %xor3A_124 = arith.xori %add3A_116, %or3A_123 : vector<256x2048xi32>
      %add3A_125 = arith.addi %add3A_116, %xor3A_124 : vector<256x2048xi32>
      %shift_left3A_126 = arith.constant 15 : i32
      %shift_left3A_127 = vector.broadcast %shift_left3A_126 : i32 to vector<256x2048xi32>
      %shift_left3A_128 = arith.shli %xor3A_124, %shift_left3A_127 : vector<256x2048xi32>
      %shift_right_logical3A_129 = arith.constant 17 : i32
      %shift_right_logical3A_130 = vector.broadcast %shift_right_logical3A_129 : i32 to vector<256x2048xi32>
      %shift_right_logical3A_131 = arith.shrui %xor3A_124, %shift_right_logical3A_130 : vector<256x2048xi32>
      %or3A_132 = arith.ori %shift_left3A_128, %shift_right_logical3A_131 : vector<256x2048xi32>
      %xor3A_133 = arith.xori %add3A_125, %or3A_132 : vector<256x2048xi32>
      %add3A_134 = arith.addi %add3A_125, %xor3A_133 : vector<256x2048xi32>
      %shift_left3A_135 = arith.constant 26 : i32
      %shift_left3A_136 = vector.broadcast %shift_left3A_135 : i32 to vector<256x2048xi32>
      %shift_left3A_137 = arith.shli %xor3A_133, %shift_left3A_136 : vector<256x2048xi32>
      %shift_right_logical3A_138 = arith.constant 6 : i32
      %shift_right_logical3A_139 = vector.broadcast %shift_right_logical3A_138 : i32 to vector<256x2048xi32>
      %shift_right_logical3A_140 = arith.shrui %xor3A_133, %shift_right_logical3A_139 : vector<256x2048xi32>
      %or3A_141 = arith.ori %shift_left3A_137, %shift_right_logical3A_140 : vector<256x2048xi32>
      %xor3A_142 = arith.xori %add3A_134, %or3A_141 : vector<256x2048xi32>
      %add3A_143 = arith.addi %add3A_134, %xor3A_142 : vector<256x2048xi32>
      %shift_left3A_144 = arith.constant 6 : i32
      %shift_left3A_145 = vector.broadcast %shift_left3A_144 : i32 to vector<256x2048xi32>
      %shift_left3A_146 = arith.shli %xor3A_142, %shift_left3A_145 : vector<256x2048xi32>
      %shift_right_logical3A_147 = arith.constant 26 : i32
      %shift_right_logical3A_148 = vector.broadcast %shift_right_logical3A_147 : i32 to vector<256x2048xi32>
      %shift_right_logical3A_149 = arith.shrui %xor3A_142, %shift_right_logical3A_148 : vector<256x2048xi32>
      %or3A_150 = arith.ori %shift_left3A_146, %shift_right_logical3A_149 : vector<256x2048xi32>
      %xor3A_151 = arith.xori %add3A_143, %or3A_150 : vector<256x2048xi32>
      %add3A_152 = arith.constant 0 : i32
      %add3A_153 = vector.broadcast %add3A_152 : i32 to vector<256x2048xi32>
      %add3A_154 = arith.addi %add3A_143, %add3A_153 : vector<256x2048xi32>
      %add3A_155 = arith.constant 42 : i32
      %add3A_156 = vector.broadcast %add3A_155 : i32 to vector<256x2048xi32>
      %add3A_157 = arith.addi %xor3A_151, %add3A_156 : vector<256x2048xi32>
      %add3A_158 = arith.constant 3 : i32
      %add3A_159 = vector.broadcast %add3A_158 : i32 to vector<256x2048xi32>
      %add3A_160 = arith.addi %add3A_157, %add3A_159 : vector<256x2048xi32>
      %add3A_161 = arith.addi %add3A_154, %add3A_160 : vector<256x2048xi32>
      %shift_left3A_162 = arith.constant 17 : i32
      %shift_left3A_163 = vector.broadcast %shift_left3A_162 : i32 to vector<256x2048xi32>
      %shift_left3A_164 = arith.shli %add3A_160, %shift_left3A_163 : vector<256x2048xi32>
      %shift_right_logical3A_165 = arith.constant 15 : i32
      %shift_right_logical3A_166 = vector.broadcast %shift_right_logical3A_165 : i32 to vector<256x2048xi32>
      %shift_right_logical3A_167 = arith.shrui %add3A_160, %shift_right_logical3A_166 : vector<256x2048xi32>
      %or3A_168 = arith.ori %shift_left3A_164, %shift_right_logical3A_167 : vector<256x2048xi32>
      %xor3A_169 = arith.xori %add3A_161, %or3A_168 : vector<256x2048xi32>
      %add3A_170 = arith.addi %add3A_161, %xor3A_169 : vector<256x2048xi32>
      %shift_left3A_171 = arith.constant 29 : i32
      %shift_left3A_172 = vector.broadcast %shift_left3A_171 : i32 to vector<256x2048xi32>
      %shift_left3A_173 = arith.shli %xor3A_169, %shift_left3A_172 : vector<256x2048xi32>
      %shift_right_logical3A_174 = arith.constant 3 : i32
      %shift_right_logical3A_175 = vector.broadcast %shift_right_logical3A_174 : i32 to vector<256x2048xi32>
      %shift_right_logical3A_176 = arith.shrui %xor3A_169, %shift_right_logical3A_175 : vector<256x2048xi32>
      %or3A_177 = arith.ori %shift_left3A_173, %shift_right_logical3A_176 : vector<256x2048xi32>
      %xor3A_178 = arith.xori %add3A_170, %or3A_177 : vector<256x2048xi32>
      %add3A_179 = arith.addi %add3A_170, %xor3A_178 : vector<256x2048xi32>
      %shift_left3A_180 = arith.constant 16 : i32
      %shift_left3A_181 = vector.broadcast %shift_left3A_180 : i32 to vector<256x2048xi32>
      %shift_left3A_182 = arith.shli %xor3A_178, %shift_left3A_181 : vector<256x2048xi32>
      %shift_right_logical3A_183 = arith.constant 16 : i32
      %shift_right_logical3A_184 = vector.broadcast %shift_right_logical3A_183 : i32 to vector<256x2048xi32>
      %shift_right_logical3A_185 = arith.shrui %xor3A_178, %shift_right_logical3A_184 : vector<256x2048xi32>
      %or3A_186 = arith.ori %shift_left3A_182, %shift_right_logical3A_185 : vector<256x2048xi32>
      %xor3A_187 = arith.xori %add3A_179, %or3A_186 : vector<256x2048xi32>
      %add3A_188 = arith.addi %add3A_179, %xor3A_187 : vector<256x2048xi32>
      %shift_left3A_189 = arith.constant 24 : i32
      %shift_left3A_190 = vector.broadcast %shift_left3A_189 : i32 to vector<256x2048xi32>
      %shift_left3A_191 = arith.shli %xor3A_187, %shift_left3A_190 : vector<256x2048xi32>
      %shift_right_logical3A_192 = arith.constant 8 : i32
      %shift_right_logical3A_193 = vector.broadcast %shift_right_logical3A_192 : i32 to vector<256x2048xi32>
      %shift_right_logical3A_194 = arith.shrui %xor3A_187, %shift_right_logical3A_193 : vector<256x2048xi32>
      %or3A_195 = arith.ori %shift_left3A_191, %shift_right_logical3A_194 : vector<256x2048xi32>
      %xor3A_196 = arith.xori %add3A_188, %or3A_195 : vector<256x2048xi32>
      %add3A_197 = arith.constant 42 : i32
      %add3A_198 = vector.broadcast %add3A_197 : i32 to vector<256x2048xi32>
      %add3A_199 = arith.addi %add3A_188, %add3A_198 : vector<256x2048xi32>
      %add3A_200 = arith.constant 466689008 : i32
      %add3A_201 = vector.broadcast %add3A_200 : i32 to vector<256x2048xi32>
      %add3A_202 = arith.addi %xor3A_196, %add3A_201 : vector<256x2048xi32>
      %add3A_203 = arith.constant 4 : i32
      %add3A_204 = vector.broadcast %add3A_203 : i32 to vector<256x2048xi32>
      %add3A_205 = arith.addi %add3A_202, %add3A_204 : vector<256x2048xi32>
      %add3A_206 = arith.addi %add3A_199, %add3A_205 : vector<256x2048xi32>
      %shift_left3A_207 = arith.constant 13 : i32
      %shift_left3A_208 = vector.broadcast %shift_left3A_207 : i32 to vector<256x2048xi32>
      %shift_left3A_209 = arith.shli %add3A_205, %shift_left3A_208 : vector<256x2048xi32>
      %shift_right_logical3A_210 = arith.constant 19 : i32
      %shift_right_logical3A_211 = vector.broadcast %shift_right_logical3A_210 : i32 to vector<256x2048xi32>
      %shift_right_logical3A_212 = arith.shrui %add3A_205, %shift_right_logical3A_211 : vector<256x2048xi32>
      %or3A_213 = arith.ori %shift_left3A_209, %shift_right_logical3A_212 : vector<256x2048xi32>
      %xor3A_214 = arith.xori %add3A_206, %or3A_213 : vector<256x2048xi32>
      %add3A_215 = arith.addi %add3A_206, %xor3A_214 : vector<256x2048xi32>
      %shift_left3A_216 = arith.constant 15 : i32
      %shift_left3A_217 = vector.broadcast %shift_left3A_216 : i32 to vector<256x2048xi32>
      %shift_left3A_218 = arith.shli %xor3A_214, %shift_left3A_217 : vector<256x2048xi32>
      %shift_right_logical3A_219 = arith.constant 17 : i32
      %shift_right_logical3A_220 = vector.broadcast %shift_right_logical3A_219 : i32 to vector<256x2048xi32>
      %shift_right_logical3A_221 = arith.shrui %xor3A_214, %shift_right_logical3A_220 : vector<256x2048xi32>
      %or3A_222 = arith.ori %shift_left3A_218, %shift_right_logical3A_221 : vector<256x2048xi32>
      %xor3A_223 = arith.xori %add3A_215, %or3A_222 : vector<256x2048xi32>
      %add3A_224 = arith.addi %add3A_215, %xor3A_223 : vector<256x2048xi32>
      %shift_left3A_225 = arith.constant 26 : i32
      %shift_left3A_226 = vector.broadcast %shift_left3A_225 : i32 to vector<256x2048xi32>
      %shift_left3A_227 = arith.shli %xor3A_223, %shift_left3A_226 : vector<256x2048xi32>
      %shift_right_logical3A_228 = arith.constant 6 : i32
      %shift_right_logical3A_229 = vector.broadcast %shift_right_logical3A_228 : i32 to vector<256x2048xi32>
      %shift_right_logical3A_230 = arith.shrui %xor3A_223, %shift_right_logical3A_229 : vector<256x2048xi32>
      %or3A_231 = arith.ori %shift_left3A_227, %shift_right_logical3A_230 : vector<256x2048xi32>
      %xor3A_232 = arith.xori %add3A_224, %or3A_231 : vector<256x2048xi32>
      %add3A_233 = arith.addi %add3A_224, %xor3A_232 : vector<256x2048xi32>
      %shift_left3A_234 = arith.constant 6 : i32
      %shift_left3A_235 = vector.broadcast %shift_left3A_234 : i32 to vector<256x2048xi32>
      %shift_left3A_236 = arith.shli %xor3A_232, %shift_left3A_235 : vector<256x2048xi32>
      %shift_right_logical3A_237 = arith.constant 26 : i32
      %shift_right_logical3A_238 = vector.broadcast %shift_right_logical3A_237 : i32 to vector<256x2048xi32>
      %shift_right_logical3A_239 = arith.shrui %xor3A_232, %shift_right_logical3A_238 : vector<256x2048xi32>
      %or3A_240 = arith.ori %shift_left3A_236, %shift_right_logical3A_239 : vector<256x2048xi32>
      %xor3A_241 = arith.xori %add3A_233, %or3A_240 : vector<256x2048xi32>
      %add3A_242 = arith.constant 466689008 : i32
      %add3A_243 = vector.broadcast %add3A_242 : i32 to vector<256x2048xi32>
      %add3A_244 = arith.addi %add3A_233, %add3A_243 : vector<256x2048xi32>
      %add3A_245 = arith.constant 0 : i32
      %add3A_246 = vector.broadcast %add3A_245 : i32 to vector<256x2048xi32>
      %add3A_247 = arith.addi %xor3A_241, %add3A_246 : vector<256x2048xi32>
      %add3A_248 = arith.constant 5 : i32
      %add3A_249 = vector.broadcast %add3A_248 : i32 to vector<256x2048xi32>
      %add3A_250 = arith.addi %add3A_247, %add3A_249 : vector<256x2048xi32>
      %xor3A_251 = arith.xori %add3A_244, %add3A_250 : vector<256x2048xi32>
      %shift_right_logical3A_252 = arith.constant 9 : i32
      %shift_right_logical3A_253 = vector.broadcast %shift_right_logical3A_252 : i32 to vector<256x2048xi32>
      %shift_right_logical3A_254 = arith.shrui %xor3A_251, %shift_right_logical3A_253 : vector<256x2048xi32>
      %or3A_255 = arith.constant 1065353216 : i32
      %or3A_256 = vector.broadcast %or3A_255 : i32 to vector<256x2048xi32>
      %or3A_257 = arith.ori %shift_right_logical3A_254, %or3A_256 : vector<256x2048xi32>
      %bitcast_convert_type3A = tpu.bitcast %or3A_257 : vector<256x2048xi32> -> vector<256x2048xf32>
      %sub3A = arith.constant 1.000000e+00 : f32
      %sub3A_258 = vector.broadcast %sub3A : f32 to vector<256x2048xf32>
      %sub3A_259 = arith.subf %bitcast_convert_type3A, %sub3A_258 : vector<256x2048xf32>
      %max3A = arith.constant 1.17549435E-38 : f32
      %max3A_260 = vector.broadcast %max3A : f32 to vector<256x2048xf32>
      %max3A_261 = arith.maximumf %sub3A_259, %max3A_260 : vector<256x2048xf32>
      %log3A = math.log %max3A_261 : vector<256x2048xf32>
      %neg3A = arith.constant 0.000000e+00 : f32
      %neg3A_262 = vector.broadcast %neg3A : f32 to vector<256x2048xf32>
      %neg3A_263 = arith.subf %neg3A_262, %log3A : vector<256x2048xf32>
      %log3A_264 = math.log %neg3A_263 : vector<256x2048xf32>
      %sub3A_265 = arith.subf %add3A_21, %log3A_264 : vector<256x2048xf32>
      %reduce_max3A = arith.constant dense<0xFF800000> : vector<256xf32>
      %reduce_max3A_266 = vector.multi_reduction <maximumf>, %sub3A_265, %reduce_max3A [1] : vector<256x2048xf32> to vector<256xf32>
      %broadcast_in_dim3A = vector.shape_cast %reduce_max3A_266 : vector<256xf32> to vector<256x1xf32>
      %eq3A_267 = vector.broadcast %broadcast_in_dim3A : vector<256x1xf32> to vector<256x2048xf32>
      %eq3A_268 = arith.cmpf oeq, %sub3A_265, %eq3A_267 : vector<256x2048xf32>
      %get3A_269 = arith.constant 0 : index
      %get3A_270 = arith.constant 0 : index
      %get3A_271 = vector.load %arg10[%get3A_269, %get3A_270] : memref<256x2048xi32, #tpu.memory_space<vmem>>, vector<256x2048xi32>
      %jit3A = arith.constant 2147483647 : i32
      %broadcast_in_dim3A_272 = vector.broadcast %jit3A : i32 to vector<256x2048xi32>
      %select_n3A = arith.select %eq3A_268, %get3A_271, %broadcast_in_dim3A_272 : vector<256x2048xi1>, vector<256x2048xi32>
      %reduce_min3A = arith.constant dense<2147483647> : vector<256xi32>
      %reduce_min3A_273 = vector.multi_reduction <minsi>, %select_n3A, %reduce_min3A [1] : vector<256x2048xi32> to vector<256xi32>
      %broadcast_in_dim3A_274 = vector.shape_cast %reduce_min3A_273 : vector<256xi32> to vector<256x1xi32>
      %mul3A_275 = arith.constant 2048 : i32
      %mul3A_276 = arith.muli %arg1, %mul3A_275 : i32
      %add3A_277 = vector.broadcast %mul3A_276 : i32 to vector<256x1xi32>
      %add3A_278 = arith.addi %broadcast_in_dim3A_274, %add3A_277 : vector<256x1xi32>
      %get3A_279 = arith.constant 0 : index
      %get3A_280 = arith.constant 0 : index
      %get3A_281 = vector.load %arg7[%get3A_279, %get3A_280] : memref<256x1xf32, #tpu.memory_space<vmem>>, vector<256x1xf32>
      %gt3A = arith.cmpf ogt, %broadcast_in_dim3A, %get3A_281 : vector<256x1xf32>
      %get3A_282 = arith.constant 0 : index
      %get3A_283 = arith.constant 0 : index
      %get3A_284 = vector.load %arg8[%get3A_282, %get3A_283] : memref<256x1xi32, #tpu.memory_space<vmem>>, vector<256x1xi32>
      %select_n3A_285 = arith.select %gt3A, %add3A_278, %get3A_284 : vector<256x1xi1>, vector<256x1xi32>
      %swap3A = arith.constant 0 : index
      %swap3A_286 = arith.constant 0 : index
      %swap3A_287 = vector.load %arg8[%swap3A, %swap3A_286] : memref<256x1xi32, #tpu.memory_space<vmem>>, vector<256x1xi32>
      tpu.vector_store %arg8[%swap3A, %swap3A_286], %select_n3A_285 {strides = array<i32>} : memref<256x1xi32, #tpu.memory_space<vmem>>, vector<256x1xi32>,
      %get3A_288 = arith.constant 0 : index
      %get3A_289 = arith.constant 0 : index
      %get3A_290 = vector.load %arg7[%get3A_288, %get3A_289] : memref<256x1xf32, #tpu.memory_space<vmem>>, vector<256x1xf32>
      %max3A_291 = arith.maximumf %get3A_290, %broadcast_in_dim3A : vector<256x1xf32>
      %get3A_292 = arith.constant 0 : index
      %get3A_293 = arith.constant 0 : index
      %get3A_294 = vector.load %arg9[%get3A_292, %get3A_293] : memref<256x1xf32, #tpu.memory_space<vmem>>, vector<256x1xf32>
      %sub3A_295 = arith.subf %get3A_290, %max3A_291 : vector<256x1xf32>
      %exp3A = math.exp %sub3A_295 : vector<256x1xf32>
      %mul3A_296 = arith.mulf %get3A_294, %exp3A : vector<256x1xf32>
      %sub3A_297 = vector.broadcast %max3A_291 : vector<256x1xf32> to vector<256x2048xf32>
      %sub3A_298 = arith.subf %add3A_21, %sub3A_297 : vector<256x2048xf32>
      %exp3A_299 = math.exp %sub3A_298 : vector<256x2048xf32>
      %reduce_sum3A = arith.constant dense<0.000000e+00> : vector<256xf32>
      %reduce_sum3A_300 = vector.multi_reduction <add>, %exp3A_299, %reduce_sum3A [1] : vector<256x2048xf32> to vector<256xf32>
      %broadcast_in_dim3A_301 = vector.shape_cast %reduce_sum3A_300 : vector<256xf32> to vector<256x1xf32>
      %add3A_302 = arith.addf %mul3A_296, %broadcast_in_dim3A_301 : vector<256x1xf32>
      %swap3A_303 = arith.constant 0 : index
      %swap3A_304 = arith.constant 0 : index
      %swap3A_305 = vector.load %arg9[%swap3A_303, %swap3A_304] : memref<256x1xf32, #tpu.memory_space<vmem>>, vector<256x1xf32>
      tpu.vector_store %arg9[%swap3A_303, %swap3A_304], %add3A_302 {strides = array<i32>} : memref<256x1xf32, #tpu.memory_space<vmem>>, vector<256x1xf32>,
      %swap3A_306 = arith.constant 0 : index
      %swap3A_307 = arith.constant 0 : index
      %swap3A_308 = vector.load %arg7[%swap3A_306, %swap3A_307] : memref<256x1xf32, #tpu.memory_space<vmem>>, vector<256x1xf32>
      tpu.vector_store %arg7[%swap3A_306, %swap3A_307], %max3A_291 {strides = array<i32>} : memref<256x1xf32, #tpu.memory_space<vmem>>, vector<256x1xf32>,
    } else {
    }
    %eq3A_7 = arith.constant 48 : i32
    %eq3A_8 = arith.cmpi eq, %arg1, %eq3A_7 : i32
    %convert_element_type3A_9 = arith.extui %eq3A_8 : i1 to i32
    %cond3A_10 = arith.constant 0 : i32
    %cond3A_11 = arith.cmpi ne, %convert_element_type3A_9, %cond3A_10 : i32
    scf.if %cond3A_11 {
      %get3A = arith.constant 0 : index
      %get3A_12 = arith.constant 0 : index
      %get3A_13 = vector.load %arg2[%get3A, %get3A_12] : memref<256x128xf32, #tpu.memory_space<vmem>>, vector<256x128xf32>
      %get3A_14 = arith.constant 0 : index
      %get3A_15 = arith.constant 0 : index
      %get3A_16 = vector.load %arg3[%get3A_14, %get3A_15] : memref<128x2048xf32, #tpu.memory_space<vmem>>, vector<128x2048xf32>
      %dot_general3A = arith.constant dense<0.000000e+00> : vector<256x2048xf32>
      %dot_general3A_17 = tpu.matmul %get3A_13, %get3A_16, %dot_general3A {dimension_numbers = #tpu.dot_dimension_numbers<[1], [0], [0], [1], [0, 0, 1, 1], [], []>, transpose_lhs_hint = false} : vector<256x128xf32>, vector<128x2048xf32>, vector<256x2048xf32> -> vector<256x2048xf32>
      %get3A_18 = arith.constant 0 : index
      %get3A_19 = arith.constant 0 : index
      %get3A_20 = vector.load %arg4[%get3A_18, %get3A_19] : memref<1x2048xf32, #tpu.memory_space<vmem>>, vector<1x2048xf32>
      %add3A = vector.broadcast %get3A_20 : vector<1x2048xf32> to vector<256x2048xf32>
      %add3A_21 = arith.addf %dot_general3A_17, %add3A : vector<256x2048xf32>
      %get3A_22 = arith.constant 0 : index
      %get3A_23 = arith.constant 0 : index
      %get3A_24 = vector.load %arg10[%get3A_22, %get3A_23] : memref<256x2048xi32, #tpu.memory_space<vmem>>, vector<256x2048xi32>
      %mul3A_25 = arith.constant 2048 : i32
      %mul3A_26 = arith.muli %arg1, %mul3A_25 : i32
      %add3A_27 = arith.constant 42 : i32
      %add3A_28 = arith.addi %mul3A_26, %add3A_27 : i32
      %add3A_29 = vector.broadcast %add3A_28 : i32 to vector<256x2048xi32>
      %add3A_30 = arith.addi %get3A_24, %add3A_29 : vector<256x2048xi32>
      %shift_left3A = arith.constant 13 : i32
      %shift_left3A_31 = vector.broadcast %shift_left3A : i32 to vector<256x2048xi32>
      %shift_left3A_32 = arith.shli %add3A_30, %shift_left3A_31 : vector<256x2048xi32>
      %shift_right_logical3A = arith.constant 19 : i32
      %shift_right_logical3A_33 = vector.broadcast %shift_right_logical3A : i32 to vector<256x2048xi32>
      %shift_right_logical3A_34 = arith.shrui %add3A_30, %shift_right_logical3A_33 : vector<256x2048xi32>
      %or3A = arith.ori %shift_left3A_32, %shift_right_logical3A_34 : vector<256x2048xi32>
      %xor3A = arith.xori %add3A_30, %or3A : vector<256x2048xi32>
      %add3A_35 = arith.addi %add3A_30, %xor3A : vector<256x2048xi32>
      %shift_left3A_36 = arith.constant 15 : i32
      %shift_left3A_37 = vector.broadcast %shift_left3A_36 : i32 to vector<256x2048xi32>
      %shift_left3A_38 = arith.shli %xor3A, %shift_left3A_37 : vector<256x2048xi32>
      %shift_right_logical3A_39 = arith.constant 17 : i32
      %shift_right_logical3A_40 = vector.broadcast %shift_right_logical3A_39 : i32 to vector<256x2048xi32>
      %shift_right_logical3A_41 = arith.shrui %xor3A, %shift_right_logical3A_40 : vector<256x2048xi32>
      %or3A_42 = arith.ori %shift_left3A_38, %shift_right_logical3A_41 : vector<256x2048xi32>
      %xor3A_43 = arith.xori %add3A_35, %or3A_42 : vector<256x2048xi32>
      %add3A_44 = arith.addi %add3A_35, %xor3A_43 : vector<256x2048xi32>
      %shift_left3A_45 = arith.constant 26 : i32
      %shift_left3A_46 = vector.broadcast %shift_left3A_45 : i32 to vector<256x2048xi32>
      %shift_left3A_47 = arith.shli %xor3A_43, %shift_left3A_46 : vector<256x2048xi32>
      %shift_right_logical3A_48 = arith.constant 6 : i32
      %shift_right_logical3A_49 = vector.broadcast %shift_right_logical3A_48 : i32 to vector<256x2048xi32>
      %shift_right_logical3A_50 = arith.shrui %xor3A_43, %shift_right_logical3A_49 : vector<256x2048xi32>
      %or3A_51 = arith.ori %shift_left3A_47, %shift_right_logical3A_50 : vector<256x2048xi32>
      %xor3A_52 = arith.xori %add3A_44, %or3A_51 : vector<256x2048xi32>
      %add3A_53 = arith.addi %add3A_44, %xor3A_52 : vector<256x2048xi32>
      %shift_left3A_54 = arith.constant 6 : i32
      %shift_left3A_55 = vector.broadcast %shift_left3A_54 : i32 to vector<256x2048xi32>
      %shift_left3A_56 = arith.shli %xor3A_52, %shift_left3A_55 : vector<256x2048xi32>
      %shift_right_logical3A_57 = arith.constant 26 : i32
      %shift_right_logical3A_58 = vector.broadcast %shift_right_logical3A_57 : i32 to vector<256x2048xi32>
      %shift_right_logical3A_59 = arith.shrui %xor3A_52, %shift_right_logical3A_58 : vector<256x2048xi32>
      %or3A_60 = arith.ori %shift_left3A_56, %shift_right_logical3A_59 : vector<256x2048xi32>
      %xor3A_61 = arith.xori %add3A_53, %or3A_60 : vector<256x2048xi32>
      %add3A_62 = arith.constant 42 : i32
      %add3A_63 = vector.broadcast %add3A_62 : i32 to vector<256x2048xi32>
      %add3A_64 = arith.addi %add3A_53, %add3A_63 : vector<256x2048xi32>
      %add3A_65 = arith.constant 466689008 : i32
      %add3A_66 = vector.broadcast %add3A_65 : i32 to vector<256x2048xi32>
      %add3A_67 = arith.addi %xor3A_61, %add3A_66 : vector<256x2048xi32>
      %add3A_68 = arith.constant 1 : i32
      %add3A_69 = vector.broadcast %add3A_68 : i32 to vector<256x2048xi32>
      %add3A_70 = arith.addi %add3A_67, %add3A_69 : vector<256x2048xi32>
      %add3A_71 = arith.addi %add3A_64, %add3A_70 : vector<256x2048xi32>
      %shift_left3A_72 = arith.constant 17 : i32
      %shift_left3A_73 = vector.broadcast %shift_left3A_72 : i32 to vector<256x2048xi32>
      %shift_left3A_74 = arith.shli %add3A_70, %shift_left3A_73 : vector<256x2048xi32>
      %shift_right_logical3A_75 = arith.constant 15 : i32
      %shift_right_logical3A_76 = vector.broadcast %shift_right_logical3A_75 : i32 to vector<256x2048xi32>
      %shift_right_logical3A_77 = arith.shrui %add3A_70, %shift_right_logical3A_76 : vector<256x2048xi32>
      %or3A_78 = arith.ori %shift_left3A_74, %shift_right_logical3A_77 : vector<256x2048xi32>
      %xor3A_79 = arith.xori %add3A_71, %or3A_78 : vector<256x2048xi32>
      %add3A_80 = arith.addi %add3A_71, %xor3A_79 : vector<256x2048xi32>
      %shift_left3A_81 = arith.constant 29 : i32
      %shift_left3A_82 = vector.broadcast %shift_left3A_81 : i32 to vector<256x2048xi32>
      %shift_left3A_83 = arith.shli %xor3A_79, %shift_left3A_82 : vector<256x2048xi32>
      %shift_right_logical3A_84 = arith.constant 3 : i32
      %shift_right_logical3A_85 = vector.broadcast %shift_right_logical3A_84 : i32 to vector<256x2048xi32>
      %shift_right_logical3A_86 = arith.shrui %xor3A_79, %shift_right_logical3A_85 : vector<256x2048xi32>
      %or3A_87 = arith.ori %shift_left3A_83, %shift_right_logical3A_86 : vector<256x2048xi32>
      %xor3A_88 = arith.xori %add3A_80, %or3A_87 : vector<256x2048xi32>
      %add3A_89 = arith.addi %add3A_80, %xor3A_88 : vector<256x2048xi32>
      %shift_left3A_90 = arith.constant 16 : i32
      %shift_left3A_91 = vector.broadcast %shift_left3A_90 : i32 to vector<256x2048xi32>
      %shift_left3A_92 = arith.shli %xor3A_88, %shift_left3A_91 : vector<256x2048xi32>
      %shift_right_logical3A_93 = arith.constant 16 : i32
      %shift_right_logical3A_94 = vector.broadcast %shift_right_logical3A_93 : i32 to vector<256x2048xi32>
      %shift_right_logical3A_95 = arith.shrui %xor3A_88, %shift_right_logical3A_94 : vector<256x2048xi32>
      %or3A_96 = arith.ori %shift_left3A_92, %shift_right_logical3A_95 : vector<256x2048xi32>
      %xor3A_97 = arith.xori %add3A_89, %or3A_96 : vector<256x2048xi32>
      %add3A_98 = arith.addi %add3A_89, %xor3A_97 : vector<256x2048xi32>
      %shift_left3A_99 = arith.constant 24 : i32
      %shift_left3A_100 = vector.broadcast %shift_left3A_99 : i32 to vector<256x2048xi32>
      %shift_left3A_101 = arith.shli %xor3A_97, %shift_left3A_100 : vector<256x2048xi32>
      %shift_right_logical3A_102 = arith.constant 8 : i32
      %shift_right_logical3A_103 = vector.broadcast %shift_right_logical3A_102 : i32 to vector<256x2048xi32>
      %shift_right_logical3A_104 = arith.shrui %xor3A_97, %shift_right_logical3A_103 : vector<256x2048xi32>
      %or3A_105 = arith.ori %shift_left3A_101, %shift_right_logical3A_104 : vector<256x2048xi32>
      %xor3A_106 = arith.xori %add3A_98, %or3A_105 : vector<256x2048xi32>
      %add3A_107 = arith.constant 466689008 : i32
      %add3A_108 = vector.broadcast %add3A_107 : i32 to vector<256x2048xi32>
      %add3A_109 = arith.addi %add3A_98, %add3A_108 : vector<256x2048xi32>
      %add3A_110 = arith.constant 0 : i32
      %add3A_111 = vector.broadcast %add3A_110 : i32 to vector<256x2048xi32>
      %add3A_112 = arith.addi %xor3A_106, %add3A_111 : vector<256x2048xi32>
      %add3A_113 = arith.constant 2 : i32
      %add3A_114 = vector.broadcast %add3A_113 : i32 to vector<256x2048xi32>
      %add3A_115 = arith.addi %add3A_112, %add3A_114 : vector<256x2048xi32>
      %add3A_116 = arith.addi %add3A_109, %add3A_115 : vector<256x2048xi32>
      %shift_left3A_117 = arith.constant 13 : i32
      %shift_left3A_118 = vector.broadcast %shift_left3A_117 : i32 to vector<256x2048xi32>
      %shift_left3A_119 = arith.shli %add3A_115, %shift_left3A_118 : vector<256x2048xi32>
      %shift_right_logical3A_120 = arith.constant 19 : i32
      %shift_right_logical3A_121 = vector.broadcast %shift_right_logical3A_120 : i32 to vector<256x2048xi32>
      %shift_right_logical3A_122 = arith.shrui %add3A_115, %shift_right_logical3A_121 : vector<256x2048xi32>
      %or3A_123 = arith.ori %shift_left3A_119, %shift_right_logical3A_122 : vector<256x2048xi32>
      %xor3A_124 = arith.xori %add3A_116, %or3A_123 : vector<256x2048xi32>
      %add3A_125 = arith.addi %add3A_116, %xor3A_124 : vector<256x2048xi32>
      %shift_left3A_126 = arith.constant 15 : i32
      %shift_left3A_127 = vector.broadcast %shift_left3A_126 : i32 to vector<256x2048xi32>
      %shift_left3A_128 = arith.shli %xor3A_124, %shift_left3A_127 : vector<256x2048xi32>
      %shift_right_logical3A_129 = arith.constant 17 : i32
      %shift_right_logical3A_130 = vector.broadcast %shift_right_logical3A_129 : i32 to vector<256x2048xi32>
      %shift_right_logical3A_131 = arith.shrui %xor3A_124, %shift_right_logical3A_130 : vector<256x2048xi32>
      %or3A_132 = arith.ori %shift_left3A_128, %shift_right_logical3A_131 : vector<256x2048xi32>
      %xor3A_133 = arith.xori %add3A_125, %or3A_132 : vector<256x2048xi32>
      %add3A_134 = arith.addi %add3A_125, %xor3A_133 : vector<256x2048xi32>
      %shift_left3A_135 = arith.constant 26 : i32
      %shift_left3A_136 = vector.broadcast %shift_left3A_135 : i32 to vector<256x2048xi32>
      %shift_left3A_137 = arith.shli %xor3A_133, %shift_left3A_136 : vector<256x2048xi32>
      %shift_right_logical3A_138 = arith.constant 6 : i32
      %shift_right_logical3A_139 = vector.broadcast %shift_right_logical3A_138 : i32 to vector<256x2048xi32>
      %shift_right_logical3A_140 = arith.shrui %xor3A_133, %shift_right_logical3A_139 : vector<256x2048xi32>
      %or3A_141 = arith.ori %shift_left3A_137, %shift_right_logical3A_140 : vector<256x2048xi32>
      %xor3A_142 = arith.xori %add3A_134, %or3A_141 : vector<256x2048xi32>
      %add3A_143 = arith.addi %add3A_134, %xor3A_142 : vector<256x2048xi32>
      %shift_left3A_144 = arith.constant 6 : i32
      %shift_left3A_145 = vector.broadcast %shift_left3A_144 : i32 to vector<256x2048xi32>
      %shift_left3A_146 = arith.shli %xor3A_142, %shift_left3A_145 : vector<256x2048xi32>
      %shift_right_logical3A_147 = arith.constant 26 : i32
      %shift_right_logical3A_148 = vector.broadcast %shift_right_logical3A_147 : i32 to vector<256x2048xi32>
      %shift_right_logical3A_149 = arith.shrui %xor3A_142, %shift_right_logical3A_148 : vector<256x2048xi32>
      %or3A_150 = arith.ori %shift_left3A_146, %shift_right_logical3A_149 : vector<256x2048xi32>
      %xor3A_151 = arith.xori %add3A_143, %or3A_150 : vector<256x2048xi32>
      %add3A_152 = arith.constant 0 : i32
      %add3A_153 = vector.broadcast %add3A_152 : i32 to vector<256x2048xi32>
      %add3A_154 = arith.addi %add3A_143, %add3A_153 : vector<256x2048xi32>
      %add3A_155 = arith.constant 42 : i32
      %add3A_156 = vector.broadcast %add3A_155 : i32 to vector<256x2048xi32>
      %add3A_157 = arith.addi %xor3A_151, %add3A_156 : vector<256x2048xi32>
      %add3A_158 = arith.constant 3 : i32
      %add3A_159 = vector.broadcast %add3A_158 : i32 to vector<256x2048xi32>
      %add3A_160 = arith.addi %add3A_157, %add3A_159 : vector<256x2048xi32>
      %add3A_161 = arith.addi %add3A_154, %add3A_160 : vector<256x2048xi32>
      %shift_left3A_162 = arith.constant 17 : i32
      %shift_left3A_163 = vector.broadcast %shift_left3A_162 : i32 to vector<256x2048xi32>
      %shift_left3A_164 = arith.shli %add3A_160, %shift_left3A_163 : vector<256x2048xi32>
      %shift_right_logical3A_165 = arith.constant 15 : i32
      %shift_right_logical3A_166 = vector.broadcast %shift_right_logical3A_165 : i32 to vector<256x2048xi32>
      %shift_right_logical3A_167 = arith.shrui %add3A_160, %shift_right_logical3A_166 : vector<256x2048xi32>
      %or3A_168 = arith.ori %shift_left3A_164, %shift_right_logical3A_167 : vector<256x2048xi32>
      %xor3A_169 = arith.xori %add3A_161, %or3A_168 : vector<256x2048xi32>
      %add3A_170 = arith.addi %add3A_161, %xor3A_169 : vector<256x2048xi32>
      %shift_left3A_171 = arith.constant 29 : i32
      %shift_left3A_172 = vector.broadcast %shift_left3A_171 : i32 to vector<256x2048xi32>
      %shift_left3A_173 = arith.shli %xor3A_169, %shift_left3A_172 : vector<256x2048xi32>
      %shift_right_logical3A_174 = arith.constant 3 : i32
      %shift_right_logical3A_175 = vector.broadcast %shift_right_logical3A_174 : i32 to vector<256x2048xi32>
      %shift_right_logical3A_176 = arith.shrui %xor3A_169, %shift_right_logical3A_175 : vector<256x2048xi32>
      %or3A_177 = arith.ori %shift_left3A_173, %shift_right_logical3A_176 : vector<256x2048xi32>
      %xor3A_178 = arith.xori %add3A_170, %or3A_177 : vector<256x2048xi32>
      %add3A_179 = arith.addi %add3A_170, %xor3A_178 : vector<256x2048xi32>
      %shift_left3A_180 = arith.constant 16 : i32
      %shift_left3A_181 = vector.broadcast %shift_left3A_180 : i32 to vector<256x2048xi32>
      %shift_left3A_182 = arith.shli %xor3A_178, %shift_left3A_181 : vector<256x2048xi32>
      %shift_right_logical3A_183 = arith.constant 16 : i32
      %shift_right_logical3A_184 = vector.broadcast %shift_right_logical3A_183 : i32 to vector<256x2048xi32>
      %shift_right_logical3A_185 = arith.shrui %xor3A_178, %shift_right_logical3A_184 : vector<256x2048xi32>
      %or3A_186 = arith.ori %shift_left3A_182, %shift_right_logical3A_185 : vector<256x2048xi32>
      %xor3A_187 = arith.xori %add3A_179, %or3A_186 : vector<256x2048xi32>
      %add3A_188 = arith.addi %add3A_179, %xor3A_187 : vector<256x2048xi32>
      %shift_left3A_189 = arith.constant 24 : i32
      %shift_left3A_190 = vector.broadcast %shift_left3A_189 : i32 to vector<256x2048xi32>
      %shift_left3A_191 = arith.shli %xor3A_187, %shift_left3A_190 : vector<256x2048xi32>
      %shift_right_logical3A_192 = arith.constant 8 : i32
      %shift_right_logical3A_193 = vector.broadcast %shift_right_logical3A_192 : i32 to vector<256x2048xi32>
      %shift_right_logical3A_194 = arith.shrui %xor3A_187, %shift_right_logical3A_193 : vector<256x2048xi32>
      %or3A_195 = arith.ori %shift_left3A_191, %shift_right_logical3A_194 : vector<256x2048xi32>
      %xor3A_196 = arith.xori %add3A_188, %or3A_195 : vector<256x2048xi32>
      %add3A_197 = arith.constant 42 : i32
      %add3A_198 = vector.broadcast %add3A_197 : i32 to vector<256x2048xi32>
      %add3A_199 = arith.addi %add3A_188, %add3A_198 : vector<256x2048xi32>
      %add3A_200 = arith.constant 466689008 : i32
      %add3A_201 = vector.broadcast %add3A_200 : i32 to vector<256x2048xi32>
      %add3A_202 = arith.addi %xor3A_196, %add3A_201 : vector<256x2048xi32>
      %add3A_203 = arith.constant 4 : i32
      %add3A_204 = vector.broadcast %add3A_203 : i32 to vector<256x2048xi32>
      %add3A_205 = arith.addi %add3A_202, %add3A_204 : vector<256x2048xi32>
      %add3A_206 = arith.addi %add3A_199, %add3A_205 : vector<256x2048xi32>
      %shift_left3A_207 = arith.constant 13 : i32
      %shift_left3A_208 = vector.broadcast %shift_left3A_207 : i32 to vector<256x2048xi32>
      %shift_left3A_209 = arith.shli %add3A_205, %shift_left3A_208 : vector<256x2048xi32>
      %shift_right_logical3A_210 = arith.constant 19 : i32
      %shift_right_logical3A_211 = vector.broadcast %shift_right_logical3A_210 : i32 to vector<256x2048xi32>
      %shift_right_logical3A_212 = arith.shrui %add3A_205, %shift_right_logical3A_211 : vector<256x2048xi32>
      %or3A_213 = arith.ori %shift_left3A_209, %shift_right_logical3A_212 : vector<256x2048xi32>
      %xor3A_214 = arith.xori %add3A_206, %or3A_213 : vector<256x2048xi32>
      %add3A_215 = arith.addi %add3A_206, %xor3A_214 : vector<256x2048xi32>
      %shift_left3A_216 = arith.constant 15 : i32
      %shift_left3A_217 = vector.broadcast %shift_left3A_216 : i32 to vector<256x2048xi32>
      %shift_left3A_218 = arith.shli %xor3A_214, %shift_left3A_217 : vector<256x2048xi32>
      %shift_right_logical3A_219 = arith.constant 17 : i32
      %shift_right_logical3A_220 = vector.broadcast %shift_right_logical3A_219 : i32 to vector<256x2048xi32>
      %shift_right_logical3A_221 = arith.shrui %xor3A_214, %shift_right_logical3A_220 : vector<256x2048xi32>
      %or3A_222 = arith.ori %shift_left3A_218, %shift_right_logical3A_221 : vector<256x2048xi32>
      %xor3A_223 = arith.xori %add3A_215, %or3A_222 : vector<256x2048xi32>
      %add3A_224 = arith.addi %add3A_215, %xor3A_223 : vector<256x2048xi32>
      %shift_left3A_225 = arith.constant 26 : i32
      %shift_left3A_226 = vector.broadcast %shift_left3A_225 : i32 to vector<256x2048xi32>
      %shift_left3A_227 = arith.shli %xor3A_223, %shift_left3A_226 : vector<256x2048xi32>
      %shift_right_logical3A_228 = arith.constant 6 : i32
      %shift_right_logical3A_229 = vector.broadcast %shift_right_logical3A_228 : i32 to vector<256x2048xi32>
      %shift_right_logical3A_230 = arith.shrui %xor3A_223, %shift_right_logical3A_229 : vector<256x2048xi32>
      %or3A_231 = arith.ori %shift_left3A_227, %shift_right_logical3A_230 : vector<256x2048xi32>
      %xor3A_232 = arith.xori %add3A_224, %or3A_231 : vector<256x2048xi32>
      %add3A_233 = arith.addi %add3A_224, %xor3A_232 : vector<256x2048xi32>
      %shift_left3A_234 = arith.constant 6 : i32
      %shift_left3A_235 = vector.broadcast %shift_left3A_234 : i32 to vector<256x2048xi32>
      %shift_left3A_236 = arith.shli %xor3A_232, %shift_left3A_235 : vector<256x2048xi32>
      %shift_right_logical3A_237 = arith.constant 26 : i32
      %shift_right_logical3A_238 = vector.broadcast %shift_right_logical3A_237 : i32 to vector<256x2048xi32>
      %shift_right_logical3A_239 = arith.shrui %xor3A_232, %shift_right_logical3A_238 : vector<256x2048xi32>
      %or3A_240 = arith.ori %shift_left3A_236, %shift_right_logical3A_239 : vector<256x2048xi32>
      %xor3A_241 = arith.xori %add3A_233, %or3A_240 : vector<256x2048xi32>
      %add3A_242 = arith.constant 466689008 : i32
      %add3A_243 = vector.broadcast %add3A_242 : i32 to vector<256x2048xi32>
      %add3A_244 = arith.addi %add3A_233, %add3A_243 : vector<256x2048xi32>
      %add3A_245 = arith.constant 0 : i32
      %add3A_246 = vector.broadcast %add3A_245 : i32 to vector<256x2048xi32>
      %add3A_247 = arith.addi %xor3A_241, %add3A_246 : vector<256x2048xi32>
      %add3A_248 = arith.constant 5 : i32
      %add3A_249 = vector.broadcast %add3A_248 : i32 to vector<256x2048xi32>
      %add3A_250 = arith.addi %add3A_247, %add3A_249 : vector<256x2048xi32>
      %xor3A_251 = arith.xori %add3A_244, %add3A_250 : vector<256x2048xi32>
      %shift_right_logical3A_252 = arith.constant 9 : i32
      %shift_right_logical3A_253 = vector.broadcast %shift_right_logical3A_252 : i32 to vector<256x2048xi32>
      %shift_right_logical3A_254 = arith.shrui %xor3A_251, %shift_right_logical3A_253 : vector<256x2048xi32>
      %or3A_255 = arith.constant 1065353216 : i32
      %or3A_256 = vector.broadcast %or3A_255 : i32 to vector<256x2048xi32>
      %or3A_257 = arith.ori %shift_right_logical3A_254, %or3A_256 : vector<256x2048xi32>
      %bitcast_convert_type3A = tpu.bitcast %or3A_257 : vector<256x2048xi32> -> vector<256x2048xf32>
      %sub3A = arith.constant 1.000000e+00 : f32
      %sub3A_258 = vector.broadcast %sub3A : f32 to vector<256x2048xf32>
      %sub3A_259 = arith.subf %bitcast_convert_type3A, %sub3A_258 : vector<256x2048xf32>
      %max3A = arith.constant 1.17549435E-38 : f32
      %max3A_260 = vector.broadcast %max3A : f32 to vector<256x2048xf32>
      %max3A_261 = arith.maximumf %sub3A_259, %max3A_260 : vector<256x2048xf32>
      %log3A = math.log %max3A_261 : vector<256x2048xf32>
      %neg3A = arith.constant 0.000000e+00 : f32
      %neg3A_262 = vector.broadcast %neg3A : f32 to vector<256x2048xf32>
      %neg3A_263 = arith.subf %neg3A_262, %log3A : vector<256x2048xf32>
      %log3A_264 = math.log %neg3A_263 : vector<256x2048xf32>
      %sub3A_265 = arith.subf %add3A_21, %log3A_264 : vector<256x2048xf32>
      %get3A_266 = arith.constant 0 : index
      %get3A_267 = arith.constant 0 : index
      %get3A_268 = vector.load %arg10[%get3A_266, %get3A_267] : memref<256x2048xi32, #tpu.memory_space<vmem>>, vector<256x2048xi32>
      %get3A_269 = arith.constant 0 : index
      %get3A_270 = arith.constant 0 : index
      %get3A_271 = vector.load %arg10[%get3A_269, %get3A_270] : memref<256x2048xi32, #tpu.memory_space<vmem>>, vector<256x2048xi32>
      %slice3A = vector.extract_strided_slice %get3A_271 {offsets = [0, 0], sizes = [256, 1], strides = [1, 1]} : vector<256x2048xi32> to vector<256x1xi32>
      %sub3A_272 = vector.broadcast %slice3A : vector<256x1xi32> to vector<256x2048xi32>
      %sub3A_273 = arith.subi %get3A_268, %sub3A_272 : vector<256x2048xi32>
      %mul3A_274 = arith.constant 2048 : i32
      %mul3A_275 = arith.muli %arg1, %mul3A_274 : i32
      %sub3A_276 = arith.constant 100000 : i32
      %sub3A_277 = arith.subi %sub3A_276, %mul3A_275 : i32
      %lt3A_278 = vector.broadcast %sub3A_277 : i32 to vector<256x2048xi32>
      %lt3A_279 = arith.cmpi slt, %sub3A_273, %lt3A_278 : vector<256x2048xi32>
      %jit3A = arith.constant 0xFF800000 : f32
      %broadcast_in_dim3A = vector.broadcast %jit3A : f32 to vector<256x2048xf32>
      %select_n3A = arith.select %lt3A_279, %sub3A_265, %broadcast_in_dim3A : vector<256x2048xi1>, vector<256x2048xf32>
      %jit3A_280 = arith.constant 0xFF800000 : f32
      %broadcast_in_dim3A_281 = vector.broadcast %jit3A_280 : f32 to vector<256x2048xf32>
      %select_n3A_282 = arith.select %lt3A_279, %add3A_21, %broadcast_in_dim3A_281 : vector<256x2048xi1>, vector<256x2048xf32>
      %reduce_max3A = arith.constant dense<0xFF800000> : vector<256xf32>
      %reduce_max3A_283 = vector.multi_reduction <maximumf>, %select_n3A, %reduce_max3A [1] : vector<256x2048xf32> to vector<256xf32>
      %broadcast_in_dim3A_284 = vector.shape_cast %reduce_max3A_283 : vector<256xf32> to vector<256x1xf32>
      %eq3A_285 = vector.broadcast %broadcast_in_dim3A_284 : vector<256x1xf32> to vector<256x2048xf32>
      %eq3A_286 = arith.cmpf oeq, %select_n3A, %eq3A_285 : vector<256x2048xf32>
      %get3A_287 = arith.constant 0 : index
      %get3A_288 = arith.constant 0 : index
      %get3A_289 = vector.load %arg10[%get3A_287, %get3A_288] : memref<256x2048xi32, #tpu.memory_space<vmem>>, vector<256x2048xi32>
      %jit3A_290 = arith.constant 2147483647 : i32
      %broadcast_in_dim3A_291 = vector.broadcast %jit3A_290 : i32 to vector<256x2048xi32>
      %select_n3A_292 = arith.select %eq3A_286, %get3A_289, %broadcast_in_dim3A_291 : vector<256x2048xi1>, vector<256x2048xi32>
      %reduce_min3A = arith.constant dense<2147483647> : vector<256xi32>
      %reduce_min3A_293 = vector.multi_reduction <minsi>, %select_n3A_292, %reduce_min3A [1] : vector<256x2048xi32> to vector<256xi32>
      %broadcast_in_dim3A_294 = vector.shape_cast %reduce_min3A_293 : vector<256xi32> to vector<256x1xi32>
      %mul3A_295 = arith.constant 2048 : i32
      %mul3A_296 = arith.muli %arg1, %mul3A_295 : i32
      %add3A_297 = vector.broadcast %mul3A_296 : i32 to vector<256x1xi32>
      %add3A_298 = arith.addi %broadcast_in_dim3A_294, %add3A_297 : vector<256x1xi32>
      %get3A_299 = arith.constant 0 : index
      %get3A_300 = arith.constant 0 : index
      %get3A_301 = vector.load %arg7[%get3A_299, %get3A_300] : memref<256x1xf32, #tpu.memory_space<vmem>>, vector<256x1xf32>
      %gt3A = arith.cmpf ogt, %broadcast_in_dim3A_284, %get3A_301 : vector<256x1xf32>
      %get3A_302 = arith.constant 0 : index
      %get3A_303 = arith.constant 0 : index
      %get3A_304 = vector.load %arg8[%get3A_302, %get3A_303] : memref<256x1xi32, #tpu.memory_space<vmem>>, vector<256x1xi32>
      %select_n3A_305 = arith.select %gt3A, %add3A_298, %get3A_304 : vector<256x1xi1>, vector<256x1xi32>
      %swap3A = arith.constant 0 : index
      %swap3A_306 = arith.constant 0 : index
      %swap3A_307 = vector.load %arg8[%swap3A, %swap3A_306] : memref<256x1xi32, #tpu.memory_space<vmem>>, vector<256x1xi32>
      tpu.vector_store %arg8[%swap3A, %swap3A_306], %select_n3A_305 {strides = array<i32>} : memref<256x1xi32, #tpu.memory_space<vmem>>, vector<256x1xi32>,
      %get3A_308 = arith.constant 0 : index
      %get3A_309 = arith.constant 0 : index
      %get3A_310 = vector.load %arg7[%get3A_308, %get3A_309] : memref<256x1xf32, #tpu.memory_space<vmem>>, vector<256x1xf32>
      %max3A_311 = arith.maximumf %get3A_310, %broadcast_in_dim3A_284 : vector<256x1xf32>
      %get3A_312 = arith.constant 0 : index
      %get3A_313 = arith.constant 0 : index
      %get3A_314 = vector.load %arg9[%get3A_312, %get3A_313] : memref<256x1xf32, #tpu.memory_space<vmem>>, vector<256x1xf32>
      %sub3A_315 = arith.subf %get3A_310, %max3A_311 : vector<256x1xf32>
      %exp3A = math.exp %sub3A_315 : vector<256x1xf32>
      %mul3A_316 = arith.mulf %get3A_314, %exp3A : vector<256x1xf32>
      %sub3A_317 = vector.broadcast %max3A_311 : vector<256x1xf32> to vector<256x2048xf32>
      %sub3A_318 = arith.subf %select_n3A_282, %sub3A_317 : vector<256x2048xf32>
      %exp3A_319 = math.exp %sub3A_318 : vector<256x2048xf32>
      %reduce_sum3A = arith.constant dense<0.000000e+00> : vector<256xf32>
      %reduce_sum3A_320 = vector.multi_reduction <add>, %exp3A_319, %reduce_sum3A [1] : vector<256x2048xf32> to vector<256xf32>
      %broadcast_in_dim3A_321 = vector.shape_cast %reduce_sum3A_320 : vector<256xf32> to vector<256x1xf32>
      %add3A_322 = arith.addf %mul3A_316, %broadcast_in_dim3A_321 : vector<256x1xf32>
      %swap3A_323 = arith.constant 0 : index
      %swap3A_324 = arith.constant 0 : index
      %swap3A_325 = vector.load %arg9[%swap3A_323, %swap3A_324] : memref<256x1xf32, #tpu.memory_space<vmem>>, vector<256x1xf32>
      tpu.vector_store %arg9[%swap3A_323, %swap3A_324], %add3A_322 {strides = array<i32>} : memref<256x1xf32, #tpu.memory_space<vmem>>, vector<256x1xf32>,
      %swap3A_326 = arith.constant 0 : index
      %swap3A_327 = arith.constant 0 : index
      %swap3A_328 = vector.load %arg7[%swap3A_326, %swap3A_327] : memref<256x1xf32, #tpu.memory_space<vmem>>, vector<256x1xf32>
      tpu.vector_store %arg7[%swap3A_326, %swap3A_327], %max3A_311 {strides = array<i32>} : memref<256x1xf32, #tpu.memory_space<vmem>>, vector<256x1xf32>,
      %get3A_329 = arith.constant 0 : index
      %get3A_330 = arith.constant 0 : index
      %get3A_331 = vector.load %arg8[%get3A_329, %get3A_330] : memref<256x1xi32, #tpu.memory_space<vmem>>, vector<256x1xi32>
      %add3A_332 = arith.constant 42 : i32
      %add3A_333 = vector.broadcast %add3A_332 : i32 to vector<256x1xi32>
      %add3A_334 = arith.addi %get3A_331, %add3A_333 : vector<256x1xi32>
      %shift_left3A_335 = arith.constant 13 : i32
      %shift_left3A_336 = vector.broadcast %shift_left3A_335 : i32 to vector<256x1xi32>
      %shift_left3A_337 = arith.shli %add3A_334, %shift_left3A_336 : vector<256x1xi32>
      %shift_right_logical3A_338 = arith.constant 19 : i32
      %shift_right_logical3A_339 = vector.broadcast %shift_right_logical3A_338 : i32 to vector<256x1xi32>
      %shift_right_logical3A_340 = arith.shrui %add3A_334, %shift_right_logical3A_339 : vector<256x1xi32>
      %or3A_341 = arith.ori %shift_left3A_337, %shift_right_logical3A_340 : vector<256x1xi32>
      %xor3A_342 = arith.xori %add3A_334, %or3A_341 : vector<256x1xi32>
      %add3A_343 = arith.addi %add3A_334, %xor3A_342 : vector<256x1xi32>
      %shift_left3A_344 = arith.constant 15 : i32
      %shift_left3A_345 = vector.broadcast %shift_left3A_344 : i32 to vector<256x1xi32>
      %shift_left3A_346 = arith.shli %xor3A_342, %shift_left3A_345 : vector<256x1xi32>
      %shift_right_logical3A_347 = arith.constant 17 : i32
      %shift_right_logical3A_348 = vector.broadcast %shift_right_logical3A_347 : i32 to vector<256x1xi32>
      %shift_right_logical3A_349 = arith.shrui %xor3A_342, %shift_right_logical3A_348 : vector<256x1xi32>
      %or3A_350 = arith.ori %shift_left3A_346, %shift_right_logical3A_349 : vector<256x1xi32>
      %xor3A_351 = arith.xori %add3A_343, %or3A_350 : vector<256x1xi32>
      %add3A_352 = arith.addi %add3A_343, %xor3A_351 : vector<256x1xi32>
      %shift_left3A_353 = arith.constant 26 : i32
      %shift_left3A_354 = vector.broadcast %shift_left3A_353 : i32 to vector<256x1xi32>
      %shift_left3A_355 = arith.shli %xor3A_351, %shift_left3A_354 : vector<256x1xi32>
      %shift_right_logical3A_356 = arith.constant 6 : i32
      %shift_right_logical3A_357 = vector.broadcast %shift_right_logical3A_356 : i32 to vector<256x1xi32>
      %shift_right_logical3A_358 = arith.shrui %xor3A_351, %shift_right_logical3A_357 : vector<256x1xi32>
      %or3A_359 = arith.ori %shift_left3A_355, %shift_right_logical3A_358 : vector<256x1xi32>
      %xor3A_360 = arith.xori %add3A_352, %or3A_359 : vector<256x1xi32>
      %add3A_361 = arith.addi %add3A_352, %xor3A_360 : vector<256x1xi32>
      %shift_left3A_362 = arith.constant 6 : i32
      %shift_left3A_363 = vector.broadcast %shift_left3A_362 : i32 to vector<256x1xi32>
      %shift_left3A_364 = arith.shli %xor3A_360, %shift_left3A_363 : vector<256x1xi32>
      %shift_right_logical3A_365 = arith.constant 26 : i32
      %shift_right_logical3A_366 = vector.broadcast %shift_right_logical3A_365 : i32 to vector<256x1xi32>
      %shift_right_logical3A_367 = arith.shrui %xor3A_360, %shift_right_logical3A_366 : vector<256x1xi32>
      %or3A_368 = arith.ori %shift_left3A_364, %shift_right_logical3A_367 : vector<256x1xi32>
      %xor3A_369 = arith.xori %add3A_361, %or3A_368 : vector<256x1xi32>
      %add3A_370 = arith.constant 42 : i32
      %add3A_371 = vector.broadcast %add3A_370 : i32 to vector<256x1xi32>
      %add3A_372 = arith.addi %add3A_361, %add3A_371 : vector<256x1xi32>
      %add3A_373 = arith.constant 466689008 : i32
      %add3A_374 = vector.broadcast %add3A_373 : i32 to vector<256x1xi32>
      %add3A_375 = arith.addi %xor3A_369, %add3A_374 : vector<256x1xi32>
      %add3A_376 = arith.constant 1 : i32
      %add3A_377 = vector.broadcast %add3A_376 : i32 to vector<256x1xi32>
      %add3A_378 = arith.addi %add3A_375, %add3A_377 : vector<256x1xi32>
      %add3A_379 = arith.addi %add3A_372, %add3A_378 : vector<256x1xi32>
      %shift_left3A_380 = arith.constant 17 : i32
      %shift_left3A_381 = vector.broadcast %shift_left3A_380 : i32 to vector<256x1xi32>
      %shift_left3A_382 = arith.shli %add3A_378, %shift_left3A_381 : vector<256x1xi32>
      %shift_right_logical3A_383 = arith.constant 15 : i32
      %shift_right_logical3A_384 = vector.broadcast %shift_right_logical3A_383 : i32 to vector<256x1xi32>
      %shift_right_logical3A_385 = arith.shrui %add3A_378, %shift_right_logical3A_384 : vector<256x1xi32>
      %or3A_386 = arith.ori %shift_left3A_382, %shift_right_logical3A_385 : vector<256x1xi32>
      %xor3A_387 = arith.xori %add3A_379, %or3A_386 : vector<256x1xi32>
      %add3A_388 = arith.addi %add3A_379, %xor3A_387 : vector<256x1xi32>
      %shift_left3A_389 = arith.constant 29 : i32
      %shift_left3A_390 = vector.broadcast %shift_left3A_389 : i32 to vector<256x1xi32>
      %shift_left3A_391 = arith.shli %xor3A_387, %shift_left3A_390 : vector<256x1xi32>
      %shift_right_logical3A_392 = arith.constant 3 : i32
      %shift_right_logical3A_393 = vector.broadcast %shift_right_logical3A_392 : i32 to vector<256x1xi32>
      %shift_right_logical3A_394 = arith.shrui %xor3A_387, %shift_right_logical3A_393 : vector<256x1xi32>
      %or3A_395 = arith.ori %shift_left3A_391, %shift_right_logical3A_394 : vector<256x1xi32>
      %xor3A_396 = arith.xori %add3A_388, %or3A_395 : vector<256x1xi32>
      %add3A_397 = arith.addi %add3A_388, %xor3A_396 : vector<256x1xi32>
      %shift_left3A_398 = arith.constant 16 : i32
      %shift_left3A_399 = vector.broadcast %shift_left3A_398 : i32 to vector<256x1xi32>
      %shift_left3A_400 = arith.shli %xor3A_396, %shift_left3A_399 : vector<256x1xi32>
      %shift_right_logical3A_401 = arith.constant 16 : i32
      %shift_right_logical3A_402 = vector.broadcast %shift_right_logical3A_401 : i32 to vector<256x1xi32>
      %shift_right_logical3A_403 = arith.shrui %xor3A_396, %shift_right_logical3A_402 : vector<256x1xi32>
      %or3A_404 = arith.ori %shift_left3A_400, %shift_right_logical3A_403 : vector<256x1xi32>
      %xor3A_405 = arith.xori %add3A_397, %or3A_404 : vector<256x1xi32>
      %add3A_406 = arith.addi %add3A_397, %xor3A_405 : vector<256x1xi32>
      %shift_left3A_407 = arith.constant 24 : i32
      %shift_left3A_408 = vector.broadcast %shift_left3A_407 : i32 to vector<256x1xi32>
      %shift_left3A_409 = arith.shli %xor3A_405, %shift_left3A_408 : vector<256x1xi32>
      %shift_right_logical3A_410 = arith.constant 8 : i32
      %shift_right_logical3A_411 = vector.broadcast %shift_right_logical3A_410 : i32 to vector<256x1xi32>
      %shift_right_logical3A_412 = arith.shrui %xor3A_405, %shift_right_logical3A_411 : vector<256x1xi32>
      %or3A_413 = arith.ori %shift_left3A_409, %shift_right_logical3A_412 : vector<256x1xi32>
      %xor3A_414 = arith.xori %add3A_406, %or3A_413 : vector<256x1xi32>
      %add3A_415 = arith.constant 466689008 : i32
      %add3A_416 = vector.broadcast %add3A_415 : i32 to vector<256x1xi32>
      %add3A_417 = arith.addi %add3A_406, %add3A_416 : vector<256x1xi32>
      %add3A_418 = arith.constant 0 : i32
      %add3A_419 = vector.broadcast %add3A_418 : i32 to vector<256x1xi32>
      %add3A_420 = arith.addi %xor3A_414, %add3A_419 : vector<256x1xi32>
      %add3A_421 = arith.constant 2 : i32
      %add3A_422 = vector.broadcast %add3A_421 : i32 to vector<256x1xi32>
      %add3A_423 = arith.addi %add3A_420, %add3A_422 : vector<256x1xi32>
      %add3A_424 = arith.addi %add3A_417, %add3A_423 : vector<256x1xi32>
      %shift_left3A_425 = arith.constant 13 : i32
      %shift_left3A_426 = vector.broadcast %shift_left3A_425 : i32 to vector<256x1xi32>
      %shift_left3A_427 = arith.shli %add3A_423, %shift_left3A_426 : vector<256x1xi32>
      %shift_right_logical3A_428 = arith.constant 19 : i32
      %shift_right_logical3A_429 = vector.broadcast %shift_right_logical3A_428 : i32 to vector<256x1xi32>
      %shift_right_logical3A_430 = arith.shrui %add3A_423, %shift_right_logical3A_429 : vector<256x1xi32>
      %or3A_431 = arith.ori %shift_left3A_427, %shift_right_logical3A_430 : vector<256x1xi32>
      %xor3A_432 = arith.xori %add3A_424, %or3A_431 : vector<256x1xi32>
      %add3A_433 = arith.addi %add3A_424, %xor3A_432 : vector<256x1xi32>
      %shift_left3A_434 = arith.constant 15 : i32
      %shift_left3A_435 = vector.broadcast %shift_left3A_434 : i32 to vector<256x1xi32>
      %shift_left3A_436 = arith.shli %xor3A_432, %shift_left3A_435 : vector<256x1xi32>
      %shift_right_logical3A_437 = arith.constant 17 : i32
      %shift_right_logical3A_438 = vector.broadcast %shift_right_logical3A_437 : i32 to vector<256x1xi32>
      %shift_right_logical3A_439 = arith.shrui %xor3A_432, %shift_right_logical3A_438 : vector<256x1xi32>
      %or3A_440 = arith.ori %shift_left3A_436, %shift_right_logical3A_439 : vector<256x1xi32>
      %xor3A_441 = arith.xori %add3A_433, %or3A_440 : vector<256x1xi32>
      %add3A_442 = arith.addi %add3A_433, %xor3A_441 : vector<256x1xi32>
      %shift_left3A_443 = arith.constant 26 : i32
      %shift_left3A_444 = vector.broadcast %shift_left3A_443 : i32 to vector<256x1xi32>
      %shift_left3A_445 = arith.shli %xor3A_441, %shift_left3A_444 : vector<256x1xi32>
      %shift_right_logical3A_446 = arith.constant 6 : i32
      %shift_right_logical3A_447 = vector.broadcast %shift_right_logical3A_446 : i32 to vector<256x1xi32>
      %shift_right_logical3A_448 = arith.shrui %xor3A_441, %shift_right_logical3A_447 : vector<256x1xi32>
      %or3A_449 = arith.ori %shift_left3A_445, %shift_right_logical3A_448 : vector<256x1xi32>
      %xor3A_450 = arith.xori %add3A_442, %or3A_449 : vector<256x1xi32>
      %add3A_451 = arith.addi %add3A_442, %xor3A_450 : vector<256x1xi32>
      %shift_left3A_452 = arith.constant 6 : i32
      %shift_left3A_453 = vector.broadcast %shift_left3A_452 : i32 to vector<256x1xi32>
      %shift_left3A_454 = arith.shli %xor3A_450, %shift_left3A_453 : vector<256x1xi32>
      %shift_right_logical3A_455 = arith.constant 26 : i32
      %shift_right_logical3A_456 = vector.broadcast %shift_right_logical3A_455 : i32 to vector<256x1xi32>
      %shift_right_logical3A_457 = arith.shrui %xor3A_450, %shift_right_logical3A_456 : vector<256x1xi32>
      %or3A_458 = arith.ori %shift_left3A_454, %shift_right_logical3A_457 : vector<256x1xi32>
      %xor3A_459 = arith.xori %add3A_451, %or3A_458 : vector<256x1xi32>
      %add3A_460 = arith.constant 0 : i32
      %add3A_461 = vector.broadcast %add3A_460 : i32 to vector<256x1xi32>
      %add3A_462 = arith.addi %add3A_451, %add3A_461 : vector<256x1xi32>
      %add3A_463 = arith.constant 42 : i32
      %add3A_464 = vector.broadcast %add3A_463 : i32 to vector<256x1xi32>
      %add3A_465 = arith.addi %xor3A_459, %add3A_464 : vector<256x1xi32>
      %add3A_466 = arith.constant 3 : i32
      %add3A_467 = vector.broadcast %add3A_466 : i32 to vector<256x1xi32>
      %add3A_468 = arith.addi %add3A_465, %add3A_467 : vector<256x1xi32>
      %add3A_469 = arith.addi %add3A_462, %add3A_468 : vector<256x1xi32>
      %shift_left3A_470 = arith.constant 17 : i32
      %shift_left3A_471 = vector.broadcast %shift_left3A_470 : i32 to vector<256x1xi32>
      %shift_left3A_472 = arith.shli %add3A_468, %shift_left3A_471 : vector<256x1xi32>
      %shift_right_logical3A_473 = arith.constant 15 : i32
      %shift_right_logical3A_474 = vector.broadcast %shift_right_logical3A_473 : i32 to vector<256x1xi32>
      %shift_right_logical3A_475 = arith.shrui %add3A_468, %shift_right_logical3A_474 : vector<256x1xi32>
      %or3A_476 = arith.ori %shift_left3A_472, %shift_right_logical3A_475 : vector<256x1xi32>
      %xor3A_477 = arith.xori %add3A_469, %or3A_476 : vector<256x1xi32>
      %add3A_478 = arith.addi %add3A_469, %xor3A_477 : vector<256x1xi32>
      %shift_left3A_479 = arith.constant 29 : i32
      %shift_left3A_480 = vector.broadcast %shift_left3A_479 : i32 to vector<256x1xi32>
      %shift_left3A_481 = arith.shli %xor3A_477, %shift_left3A_480 : vector<256x1xi32>
      %shift_right_logical3A_482 = arith.constant 3 : i32
      %shift_right_logical3A_483 = vector.broadcast %shift_right_logical3A_482 : i32 to vector<256x1xi32>
      %shift_right_logical3A_484 = arith.shrui %xor3A_477, %shift_right_logical3A_483 : vector<256x1xi32>
      %or3A_485 = arith.ori %shift_left3A_481, %shift_right_logical3A_484 : vector<256x1xi32>
      %xor3A_486 = arith.xori %add3A_478, %or3A_485 : vector<256x1xi32>
      %add3A_487 = arith.addi %add3A_478, %xor3A_486 : vector<256x1xi32>
      %shift_left3A_488 = arith.constant 16 : i32
      %shift_left3A_489 = vector.broadcast %shift_left3A_488 : i32 to vector<256x1xi32>
      %shift_left3A_490 = arith.shli %xor3A_486, %shift_left3A_489 : vector<256x1xi32>
      %shift_right_logical3A_491 = arith.constant 16 : i32
      %shift_right_logical3A_492 = vector.broadcast %shift_right_logical3A_491 : i32 to vector<256x1xi32>
      %shift_right_logical3A_493 = arith.shrui %xor3A_486, %shift_right_logical3A_492 : vector<256x1xi32>
      %or3A_494 = arith.ori %shift_left3A_490, %shift_right_logical3A_493 : vector<256x1xi32>
      %xor3A_495 = arith.xori %add3A_487, %or3A_494 : vector<256x1xi32>
      %add3A_496 = arith.addi %add3A_487, %xor3A_495 : vector<256x1xi32>
      %shift_left3A_497 = arith.constant 24 : i32
      %shift_left3A_498 = vector.broadcast %shift_left3A_497 : i32 to vector<256x1xi32>
      %shift_left3A_499 = arith.shli %xor3A_495, %shift_left3A_498 : vector<256x1xi32>
      %shift_right_logical3A_500 = arith.constant 8 : i32
      %shift_right_logical3A_501 = vector.broadcast %shift_right_logical3A_500 : i32 to vector<256x1xi32>
      %shift_right_logical3A_502 = arith.shrui %xor3A_495, %shift_right_logical3A_501 : vector<256x1xi32>
      %or3A_503 = arith.ori %shift_left3A_499, %shift_right_logical3A_502 : vector<256x1xi32>
      %xor3A_504 = arith.xori %add3A_496, %or3A_503 : vector<256x1xi32>
      %add3A_505 = arith.constant 42 : i32
      %add3A_506 = vector.broadcast %add3A_505 : i32 to vector<256x1xi32>
      %add3A_507 = arith.addi %add3A_496, %add3A_506 : vector<256x1xi32>
      %add3A_508 = arith.constant 466689008 : i32
      %add3A_509 = vector.broadcast %add3A_508 : i32 to vector<256x1xi32>
      %add3A_510 = arith.addi %xor3A_504, %add3A_509 : vector<256x1xi32>
      %add3A_511 = arith.constant 4 : i32
      %add3A_512 = vector.broadcast %add3A_511 : i32 to vector<256x1xi32>
      %add3A_513 = arith.addi %add3A_510, %add3A_512 : vector<256x1xi32>
      %add3A_514 = arith.addi %add3A_507, %add3A_513 : vector<256x1xi32>
      %shift_left3A_515 = arith.constant 13 : i32
      %shift_left3A_516 = vector.broadcast %shift_left3A_515 : i32 to vector<256x1xi32>
      %shift_left3A_517 = arith.shli %add3A_513, %shift_left3A_516 : vector<256x1xi32>
      %shift_right_logical3A_518 = arith.constant 19 : i32
      %shift_right_logical3A_519 = vector.broadcast %shift_right_logical3A_518 : i32 to vector<256x1xi32>
      %shift_right_logical3A_520 = arith.shrui %add3A_513, %shift_right_logical3A_519 : vector<256x1xi32>
      %or3A_521 = arith.ori %shift_left3A_517, %shift_right_logical3A_520 : vector<256x1xi32>
      %xor3A_522 = arith.xori %add3A_514, %or3A_521 : vector<256x1xi32>
      %add3A_523 = arith.addi %add3A_514, %xor3A_522 : vector<256x1xi32>
      %shift_left3A_524 = arith.constant 15 : i32
      %shift_left3A_525 = vector.broadcast %shift_left3A_524 : i32 to vector<256x1xi32>
      %shift_left3A_526 = arith.shli %xor3A_522, %shift_left3A_525 : vector<256x1xi32>
      %shift_right_logical3A_527 = arith.constant 17 : i32
      %shift_right_logical3A_528 = vector.broadcast %shift_right_logical3A_527 : i32 to vector<256x1xi32>
      %shift_right_logical3A_529 = arith.shrui %xor3A_522, %shift_right_logical3A_528 : vector<256x1xi32>
      %or3A_530 = arith.ori %shift_left3A_526, %shift_right_logical3A_529 : vector<256x1xi32>
      %xor3A_531 = arith.xori %add3A_523, %or3A_530 : vector<256x1xi32>
      %add3A_532 = arith.addi %add3A_523, %xor3A_531 : vector<256x1xi32>
      %shift_left3A_533 = arith.constant 26 : i32
      %shift_left3A_534 = vector.broadcast %shift_left3A_533 : i32 to vector<256x1xi32>
      %shift_left3A_535 = arith.shli %xor3A_531, %shift_left3A_534 : vector<256x1xi32>
      %shift_right_logical3A_536 = arith.constant 6 : i32
      %shift_right_logical3A_537 = vector.broadcast %shift_right_logical3A_536 : i32 to vector<256x1xi32>
      %shift_right_logical3A_538 = arith.shrui %xor3A_531, %shift_right_logical3A_537 : vector<256x1xi32>
      %or3A_539 = arith.ori %shift_left3A_535, %shift_right_logical3A_538 : vector<256x1xi32>
      %xor3A_540 = arith.xori %add3A_532, %or3A_539 : vector<256x1xi32>
      %add3A_541 = arith.addi %add3A_532, %xor3A_540 : vector<256x1xi32>
      %shift_left3A_542 = arith.constant 6 : i32
      %shift_left3A_543 = vector.broadcast %shift_left3A_542 : i32 to vector<256x1xi32>
      %shift_left3A_544 = arith.shli %xor3A_540, %shift_left3A_543 : vector<256x1xi32>
      %shift_right_logical3A_545 = arith.constant 26 : i32
      %shift_right_logical3A_546 = vector.broadcast %shift_right_logical3A_545 : i32 to vector<256x1xi32>
      %shift_right_logical3A_547 = arith.shrui %xor3A_540, %shift_right_logical3A_546 : vector<256x1xi32>
      %or3A_548 = arith.ori %shift_left3A_544, %shift_right_logical3A_547 : vector<256x1xi32>
      %xor3A_549 = arith.xori %add3A_541, %or3A_548 : vector<256x1xi32>
      %add3A_550 = arith.constant 466689008 : i32
      %add3A_551 = vector.broadcast %add3A_550 : i32 to vector<256x1xi32>
      %add3A_552 = arith.addi %add3A_541, %add3A_551 : vector<256x1xi32>
      %add3A_553 = arith.constant 0 : i32
      %add3A_554 = vector.broadcast %add3A_553 : i32 to vector<256x1xi32>
      %add3A_555 = arith.addi %xor3A_549, %add3A_554 : vector<256x1xi32>
      %add3A_556 = arith.constant 5 : i32
      %add3A_557 = vector.broadcast %add3A_556 : i32 to vector<256x1xi32>
      %add3A_558 = arith.addi %add3A_555, %add3A_557 : vector<256x1xi32>
      %xor3A_559 = arith.xori %add3A_552, %add3A_558 : vector<256x1xi32>
      %shift_right_logical3A_560 = arith.constant 9 : i32
      %shift_right_logical3A_561 = vector.broadcast %shift_right_logical3A_560 : i32 to vector<256x1xi32>
      %shift_right_logical3A_562 = arith.shrui %xor3A_559, %shift_right_logical3A_561 : vector<256x1xi32>
      %or3A_563 = arith.constant 1065353216 : i32
      %or3A_564 = vector.broadcast %or3A_563 : i32 to vector<256x1xi32>
      %or3A_565 = arith.ori %shift_right_logical3A_562, %or3A_564 : vector<256x1xi32>
      %bitcast_convert_type3A_566 = tpu.bitcast %or3A_565 : vector<256x1xi32> -> vector<256x1xf32>
      %sub3A_567 = arith.constant 1.000000e+00 : f32
      %sub3A_568 = vector.broadcast %sub3A_567 : f32 to vector<256x1xf32>
      %sub3A_569 = arith.subf %bitcast_convert_type3A_566, %sub3A_568 : vector<256x1xf32>
      %max3A_570 = arith.constant 1.17549435E-38 : f32
      %max3A_571 = vector.broadcast %max3A_570 : f32 to vector<256x1xf32>
      %max3A_572 = arith.maximumf %sub3A_569, %max3A_571 : vector<256x1xf32>
      %log3A_573 = math.log %max3A_572 : vector<256x1xf32>
      %neg3A_574 = arith.constant 0.000000e+00 : f32
      %neg3A_575 = vector.broadcast %neg3A_574 : f32 to vector<256x1xf32>
      %neg3A_576 = arith.subf %neg3A_575, %log3A_573 : vector<256x1xf32>
      %log3A_577 = math.log %neg3A_576 : vector<256x1xf32>
      %get3A_578 = arith.constant 0 : index
      %get3A_579 = arith.constant 0 : index
      %get3A_580 = vector.load %arg10[%get3A_578, %get3A_579] : memref<256x2048xi32, #tpu.memory_space<vmem>>, vector<256x2048xi32>
      %slice3A_581 = vector.extract_strided_slice %get3A_580 {offsets = [0, 0], sizes = [256, 1], strides = [1, 1]} : vector<256x2048xi32> to vector<256x1xi32>
      %get3A_582 = arith.constant 0 : index
      %get3A_583 = arith.constant 0 : index
      %get3A_584 = vector.load %arg8[%get3A_582, %get3A_583] : memref<256x1xi32, #tpu.memory_space<vmem>>, vector<256x1xi32>
      %sub3A_585 = arith.subi %get3A_584, %slice3A_581 : vector<256x1xi32>
      %swap3A_586 = arith.constant 0 : index
      %swap3A_587 = arith.constant 0 : index
      %swap3A_588 = vector.load %arg5[%swap3A_586, %swap3A_587] : memref<256x1xi32, #tpu.memory_space<vmem>>, vector<256x1xi32>
      tpu.vector_store %arg5[%swap3A_586, %swap3A_587], %sub3A_585 {strides = array<i32>} : memref<256x1xi32, #tpu.memory_space<vmem>>, vector<256x1xi32>,
      %get3A_589 = arith.constant 0 : index
      %get3A_590 = arith.constant 0 : index
      %get3A_591 = vector.load %arg9[%get3A_589, %get3A_590] : memref<256x1xf32, #tpu.memory_space<vmem>>, vector<256x1xf32>
      %log3A_592 = math.log %get3A_591 : vector<256x1xf32>
      %sub3A_593 = arith.subf %log3A_577, %log3A_592 : vector<256x1xf32>
      %exp3A_594 = math.exp %sub3A_593 : vector<256x1xf32>
      %swap3A_595 = arith.constant 0 : index
      %swap3A_596 = arith.constant 0 : index
      %swap3A_597 = vector.load %arg6[%swap3A_595, %swap3A_596] : memref<256x1xf32, #tpu.memory_space<vmem>>, vector<256x1xf32>
      tpu.vector_store %arg6[%swap3A_595, %swap3A_596], %exp3A_594 {strides = array<i32>} : memref<256x1xf32, #tpu.memory_space<vmem>>, vector<256x1xf32>,
    } else {
    }
    return
  }
  func.func @transform_0(%arg0: i32, %arg1: i32) -> (i32, i32) {
    %c0_i32 = arith.constant 0 : i32
    %c0_i32_0 = arith.constant 0 : i32
    return %arg0, %c0_i32 : i32, i32
  }
  func.func @transform_1(%arg0: i32, %arg1: i32) -> (i32, i32) {
    %c0_i32 = arith.constant 0 : i32
    %c0_i32_0 = arith.constant 0 : i32
    return %c0_i32, %arg1 : i32, i32
  }
  func.func @transform_2(%arg0: i32, %arg1: i32) -> (i32, i32) {
    %c0_i32 = arith.constant 0 : i32
    %c0_i32_0 = arith.constant 0 : i32
    return %c0_i32, %arg1 : i32, i32
  }
  func.func @transform_3(%arg0: i32, %arg1: i32) -> (i32, i32) {
    %c0_i32 = arith.constant 0 : i32
    %c0_i32_0 = arith.constant 0 : i32
    return %arg0, %c0_i32 : i32, i32
  }
  func.func @transform_4(%arg0: i32, %arg1: i32) -> (i32, i32) {
    %c0_i32 = arith.constant 0 : i32
    %c0_i32_0 = arith.constant 0 : i32
    return %arg0, %c0_i32 : i32, i32
  }
}

</mosaic_0001>

<sc_bundles>
// kernel: _run.5.cloned.1.call-start
scs
__scs_entry_jumppad:
0x0: {  	(pc) =	sbr.rel $0x88, $3  }
0x1: {  	(tag) =	ssettag $0x0;
	lr =	simm.s32 $0x1  }
0x2: {  	[smem:$0x3F9E] =	sst lr;
	_ =	strace $0xD0000000  }
0x3: {  	_ = 	snop  }
0x4: {  	_ = 	snop  }
0x5: {  	_ = 	snop  }
0x6: {  	_ = 	snop  }
0x7: {  	_ = 	snop  }
__scs_overlays_trampoline_lowered:
0x8: {  	[smem:$0x3FAD] =	sst s0  }
0x9: {  	[smem:$0x3FAE] =	sst s1  }
0xa: {  	[smem:$0x3FAF] =	sst s2  }
0xb: {  	[smem:$0x3FB0] =	sst s3  }
0xc: {  	[smem:$0x3FB1] =	sst s4  }
0xd: {  	[smem:$0x3FB2] =	sst s5  }
0xe: {  	[smem:$0x3FB3] =	sst s6  }
0xf: {  	[smem:$0x3FB4] =	sst s7  }
0x10: {  	[smem:$0x3FB5] =	sst s8  }
0x11: {  	[smem:$0x3FB6] =	sst s9;
	s0 =	simm.s32 @!p0 $0x0  }
0x12: {  	s1 =	sld [smem:$0x3F9C];
	s0 =	simm.s32 @p0 $0x1  }
0x13: {  	[smem:$0x3FB7] =	sst s0;
	s0 =	simm.s32 @!p1 $0x0  }
0x14: {  	s2 =	sld [smem:$0x3F9B];
	s0 =	simm.s32 @p1 $0x1  }
0x15: {  	[smem:$0x3FB8] =	sst s0;
	s0 =	simm.s32 @!p2 $0x0  }
0x16: {  	s3 =	sld [smem:$0x3FDB];
	s0 =	simm.s32 @p2 $0x1  }
0x17: {  	s4 =	simm.s32 $0x1BF5;
	[smem:$0x3FBA] =	sst s0  }
0x18: {  	s0 =	sld [smem:$0x3F9D];
	_ =	swait.ge [sflag:s4], $0x0  }
0x19: {  	s7 =	sld [smem:$0x3F9E]  }
0x1a: {  	s8 =	sadd.s32 $0xFFFFE003, lr  }
0x1b: {  	s9 =	sadd.s32 $0xFFFFFEF7, lr;
	s5 =	simm.s32 $0xFFFFFFFF;
	p2 =	slt.u32 s8, $0xFFFFF086  }
0x1c: {  	p1 =	slt.u32 s9, $0xF7A;
	s5 =	simm.s32 @!p2 $0x0  }
0x1d: {  	s5 =	simm.s32 @p1 $0x1;
	p0 =	seq.s32 s7, s2  }
0x1e: {  	s7 =	smul.u32 @!p0 $0xF7A, s2;
	p2 =	seq.s32 @!p0 s5, $0x0  }
0x1f: {  	s9 =	smul.u32 $0xF7A, s1;
	s8 =	simm.s32 @!p0 $0x1BF5;
	p2 =	por !p2, p0  }
0x20: {  	[sflag:s8] =	ssyncset.s32 @!p0 $0xFFFFF086;
	s6 =	sadd.s32 @!p0 s3, s7;
	s7 =	simm.s32 @!p0 $0x108  }
0x21: {  	s3 =	sadd.s32 s3, s9;
	s6 =	sadd.s32 @!p0 $0x88, s6;
	s7 =	simm.s32 @p2 $0x1082  }
0x22: {  	[simem:s7], [sflag:s8] =	dma.local @!p0 [hbm:s6], $0xF7A  }
0x23: {  	s9 =	sor.u32 $0xD0000000, s2;
	s6 =	simm.s32 $0x108;
	_ =	swait.ge @!p0 [sflag:s8], $0x0  }
0x24: {  	s3 =	sadd.s32 $0x88, s3;
	s6 =	simm.s32 @!p1 $0x1082;
	[sflag:s4] =	ssyncset.s32 $0xFFFFF086  }
0x25: {  	[simem:s6], [sflag:s4] =	dma.local [hbm:s3], $0xF7A  }
0x26: {  	[smem:$0x3F9E] =	sst s1;
	(tag) =	ssettag s2;
	_ =	strace s9  }
0x27: {  	s1 =	sld [smem:$0x3FAE]  }
0x28: {  	s2 =	sld [smem:$0x3FAF]  }
0x29: {  	s4 =	sld [smem:$0x3FB1]  }
0x2a: {  	p0 =	seq.s32 s5, $0x0;
	s5 =	sld [smem:$0x3FB2]  }
0x2b: {  	s6 =	sld [smem:$0x3FB3]  }
0x2c: {  	s7 =	sld [smem:$0x3FB4]  }
0x2d: {  	s3 =	simm.s32 $0x108;
	s8 =	sld [smem:$0x3FB5]  }
0x2e: {  	s3 =	simm.s32 @!p0 $0x1082;
	s9 =	sld [smem:$0x3FB6]  }
0x2f: {  	lr =	sadd.s32 s0, s3;
	s0 =	sld [smem:$0x3FAD]  }
0x30: {  	s3 =	sld [smem:$0x3FB0]  }
0x31: {  	[smem:$0x3FB9] =	sst s10  }
0x32: {  	s10 =	sld [smem:$0x3FB7];
	_ =	sdelay $0x3  }
0x33: {  	p0 =	seq.s32 s10, $0x1;
	s10 =	sld [smem:$0x3FB9];
	_ =	sdelay $0x3  }
0x34: {  	[smem:$0x3FB9] =	sst s10  }
0x35: {  	s10 =	sld [smem:$0x3FB8];
	_ =	sdelay $0x3  }
0x36: {  	p1 =	seq.s32 s10, $0x1;
	s10 =	sld [smem:$0x3FB9];
	_ =	sdelay $0x3  }
0x37: {  	[smem:$0x3FB9] =	sst s10  }
0x38: {  	s10 =	sld [smem:$0x3FBA]  }
0x39: {  	_ = 	snop;
	(pc) =	sbr.ind lr, $3  }
0x3a: {  	_ = 	snop  }
0x3b: {  	_ = 	snop  }
0x3c: {  	p2 =	seq.s32 s10, $0x1;
	s10 =	sld [smem:$0x3FB9]  }
0x3d: {  	_ =	shalt  }
0x3e: {  	_ =	shalt  }
0x3f: {  	_ =	shalt  }
0x40: {  	_ =	shalt  }
0x41: {  	_ =	shalt  }
0x42: {  	_ =	shalt  }
0x43: {  	_ =	shalt  }
0x44: {  	_ =	shalt  }
0x45: {  	_ =	shalt  }
0x46: {  	_ =	shalt  }
0x47: {  	_ =	shalt  }
0x48: {  	_ =	shalt  }
0x49: {  	_ =	shalt  }
0x4a: {  	_ =	shalt  }
0x4b: {  	_ =	shalt  }
0x4c: {  	_ =	shalt  }
0x4d: {  	_ =	shalt  }
0x4e: {  	_ =	shalt  }
0x4f: {  	_ =	shalt  }
0x50: {  	_ =	shalt  }
0x51: {  	_ =	shalt  }
0x52: {  	_ =	shalt  }
0x53: {  	_ =	shalt  }
0x54: {  	_ =	shalt  }
0x55: {  	_ =	shalt  }
0x56: {  	_ =	shalt  }
0x57: {  	_ =	shalt  }
0x58: {  	_ =	shalt  }
0x59: {  	_ =	shalt  }
0x5a: {  	_ =	shalt  }
0x5b: {  	_ =	shalt  }
0x5c: {  	_ =	shalt  }
0x5d: {  	_ =	shalt  }
0x5e: {  	_ =	shalt  }
0x5f: {  	_ =	shalt  }
0x60: {  	_ =	shalt  }
0x61: {  	_ =	shalt  }
0x62: {  	_ =	shalt  }
0x63: {  	_ =	shalt  }
0x64: {  	_ =	shalt  }
0x65: {  	_ =	shalt  }
0x66: {  	_ =	shalt  }
0x67: {  	_ =	shalt  }
0x68: {  	_ =	shalt  }
0x69: {  	_ =	shalt  }
0x6a: {  	_ =	shalt  }
0x6b: {  	_ =	shalt  }
0x6c: {  	_ =	shalt  }
0x6d: {  	_ =	shalt  }
0x6e: {  	_ =	shalt  }
0x6f: {  	_ =	shalt  }
0x70: {  	_ =	shalt  }
0x71: {  	_ =	shalt  }
0x72: {  	_ =	shalt  }
0x73: {  	_ =	shalt  }
0x74: {  	_ =	shalt  }
0x75: {  	_ =	shalt  }
0x76: {  	_ =	shalt  }
0x77: {  	_ =	shalt  }
0x78: {  	_ =	shalt  }
0x79: {  	_ =	shalt  }
0x7a: {  	_ =	shalt  }
0x7b: {  	_ =	shalt  }
0x7c: {  	_ =	shalt  }
0x7d: {  	_ =	shalt  }
0x7e: {  	_ =	shalt  }
0x7f: {  	_ =	shalt  }
0x80: {  	_ =	shalt  }
0x81: {  	_ =	shalt  }
0x82: {  	_ =	shalt  }
0x83: {  	_ =	shalt  }
0x84: {  	_ =	shalt  }
0x85: {  	_ =	shalt  }
0x86: {  	_ =	shalt  }
0x87: {  	_ =	shalt  }
.Lfunc_end0:
.L_simem_size_0:
called_computation.1_lowered:
.L_overlay_start_0:
0x88: {  	s2 =	sld [smem:$0x3FD9]  }
0x89: {  	s3 =	sld [smem:$0x3FFE];
	_ =	sdelay $0x1  }
0x8a: {  	s1 =	srdreg.scid  }
0x8b: {  	s0 =	sand.u32 $0x1, s1  }
0x8c: {  	s17 =	sshll.u32 s0, $0xA;
	s2 =	sadd.s32 s3, s2  }
0x8d: {  	s2 =	sadd.s32 s2, s17  }
0x8e: {  	[smem:$0x3FC5] =	sst s2  }
0x8f: {  	_ = 	snop  }
0x90: {  	s18 =	sld [smem:$0x3FC8];
	(tm) =	ssettm $0x1  }
0x91: {  	s19 =	sld [smem:$0x3FFB];
	_ =	sdelay $0x3  }
0x92: {  	_ =	strace s19  }
0x93: {  	s2 =	sld [smem:$0x3FFC];
	_ =	sdelay $0x3  }
0x94: {  	_ =	strace s2  }
0x95: {  	s2 =	sld [smem:$0x3FFD];
	_ =	sdelay $0x3  }
0x96: {  	_ =	strace s2  }
0x97: {  	_ =	strace $0x8FFFFFFF  }
0x98: {  	s20 =	sld [smem:$0x3FDB];
	_ =	sdelay $0x1  }
0x99: {  	s4 =	simm.s32 $_scs_section_size  }
0x9a: {  	s5 =	simm.s32 $_size__tile_overlayer_lowered;
	s6 =	simm.s32 $_tile_overlayer_lowered  }
0x9b: {  	s7 =	simm.s32 $0x1BFF;
	s21 =	sshll.u32 s6, $0x1;
	s4 =	sadd.s32 s4, s20  }
0x9c: {  	s22 =	simm.s32 $0x0;
	s5 =	sshll.u32 s5, $0x1;
	s6 =	sadd.s32 s21, s4  }
0x9d: {  	[timem:s22], [sflag:s7] =	dma.local [hbm:s6], s5  }
0x9e: {  	_ =	swait.ge [sflag:s7], s5  }
0x9f: {  	s5 =	ssub.s32 $0x0, s5;
	[sflag:s7] =	ssyncset.done $0x0  }
0xa0: {  	[sflag:s7] =	ssyncadd.s32 s5;
	_ =	sdelay $0x1  }
0xa1: {  	s23 =	simm.s32 $0x1B8B  }
0xa2: {  	_ =	swait.ge [sflag:s23], $0x1  }
0xa3: {  	[sflag:s23] =	ssyncset.done $0x0  }
0xa4: {  	[sflag:s23] =	ssyncadd.s32 $0xFFFFFFFF  }
0xa5: {  	s5 =	sld [smem:$0x0]  }
0xa6: {  	s6 =	sand.u32 $0xFFFFFFFE, s1  }
0xa7: {  	p0 =	sne.s32 s1, s6  }
0xa8: {  	s6 =	sshll.u32 @p0 s6, $0xE  }
0xa9: {  	s6 =	sadd.s32 @p0 $0x11B8D, s6;
	s7 =	sshll.u32 @p0 s5, $0x11  }
0xaa: {  	s6 =	sor.u32 @p0 s7, s6  }
0xab: {  	[sflag:s6] =	ssyncadd.remote.s32 @p0 $0x1;
	_ =	sdelay $0x1  }
0xac: {  	s6 =	simm.s32 @p0 $0x1B8D  }
0xad: {  	_ =	swait.eq @p0 [sflag:s6], $0x1  }
0xae: {  	[sflag:s6] =	ssyncadd.s32 @p0 $0xFFFFFFFF  }
0xaf: {  	s7 =	sshll.u32 @!p0 s1, $0xE  }
0xb0: {  	s7 =	sor.u32 @!p0 $0x4000, s7;
	s6 =	simm.s32 @!p0 $0x1B8D  }
0xb1: {  	s5 =	sshll.u32 @!p0 s5, $0x11;
	s7 =	sadd.s32 @!p0 $0x11B8D, s7;
	_ =	swait.eq @!p0 [sflag:s6], $0x1  }
0xb2: {  	s5 =	sor.u32 @!p0 s5, s7;
	[sflag:s6] =	ssyncadd.s32 @!p0 $0xFFFFFFFF  }
0xb3: {  	s25 =	simm.s32 $0x1B8E;
	s24 =	sld [smem:$0x3FFE];
	[sflag:s5] =	ssyncadd.remote.s32 @!p0 $0x1  }
0xb4: {  	s26 =	simm.s32 $execute0_lowered;
	[smem:$0x3FD2] =	sst s25  }
0xb5: {  	s6 =	sshll.u32 s26, $0x1;
	_ =	strace $0x80000049;
	[dreg:$0x1] =	wrdreg $0xFFFFFFFF  }
0xb6: {  	s28 =	simm.s32 $_size_execute0_lowered;
	s4 =	sadd.s32 s4, s6;
	[dreg:$0x0] =	wrdreg $0x0  }
0xb7: {  	s6 =	sshll.u32 s28, $0x1;
	[dreg:$0x2] =	wrdreg s4  }
0xb8: {  	[dreg:$0x3] =	wrdreg s6  }
0xb9: {  	[dreg:$0x4] =	wrdreg $0xC0  }
0xba: {  	_ =	task [dreg:s22], $0x5FFFF  }
0xbb: {  	[dreg:$0x1] =	wrdreg $0xFFFFFFFF  }
0xbc: {  	[dreg:$0x0] =	wrdreg $0x60  }
0xbd: {  	[dreg:$0x2] =	wrdreg s18  }
0xbe: {  	[dreg:$0x3] =	wrdreg s24  }
0xbf: {  	[dreg:$0x4] =	wrdreg $0xA  }
0xc0: {  	_ =	task.clear_ibuf [dreg:s22], $0x5FFFF;
	_ =	strace $0x90000049  }
0xc1: {  	s29 =	simm.s32 $0xA;
	_ =	strace $0x8000004B  }
0xc2: {  	_ =	swait.ge [sflag:s29], $0x1  }
0xc3: {  	[sflag:s29] =	ssyncadd.s32 $0xFFFFFFFF  }
0xc4: {  	_ =	strace $0x9000004B  }
0xc5: {  	_ =	sfence  }
0xc6: {  	s30 =	sld [smem:$0x0];
	_ =	sdelay $0x2  }
0xc7: {  	s31 =	sshll.u32 s1, $0xD;
	s1 =	sshrl.u32 s1, $0x2  }
0xc8: {  	s4 =	sand.u32 $0x4000, s31;
	s1 =	sadd.s32 s1, s30  }
0xc9: {  	s0 =	sor.u32 s4, s0;
	s1 =	sshll.u32 s1, $0x11  }
0xca: {  	s0 =	sor.u32 s1, s0  }
0xcb: {  	s0 =	sadd.s32 $0x8F2B, s0  }
0xcc: {  	[sflag:s0] =	ssyncadd.remote.s32 $0x1  }
0xcd: {  	_ =	sfence.sel $0xFFFF  }
0xce: {  	[dreg:$0x0] =	wrdreg $0xFFFFFFFF;
	(pc) =	sbr.abs _section_cstart, $3  }
0xcf: {  	[dreg:$0x1] =	wrdreg $0xFFFFFFFF  }
0xd0: {  	_ =	task.clear_ibuf [dreg:s22], $0x2FFFF;
	_ =	strace $0x9FFFFFFF  }
0xd1: {  	(tm) =	ssettm $0x7FFFFFFF  }
tec
execute0_lowered:
.L_overlay_start_1:
0x0: {  	(tag) =	ssettag $0x1  }
0x1: {  	s1 =	srdreg.scid  }
0x2: {  	s2 =	rddreg [dreg:$0x0];
	s0 =	stileid.u32;
	s22 =	sand.u32 $0x1, s1  }
0x3: {  	s8 =	rddreg [dreg:$0x1];
	s4 =	sshll.u32 s0, $0xD;
	s5 =	sshll.u32 s22, $0xC  }
0x4: {  	s3 =	simm.s32 $0x0;
	s1 =	rddreg [dreg:$0x2];
	s24 =	sor.u32 s5, s4  }
0x5: {  	[smem:$0x7FF] =	sst s3;
	s21 =	sadd.s32 $0x800, s8;
	s4 =	sshrl.u32 s24, $0x3  }
0x6: {  	_ =	strace $0x8000004A;
	s5 =	sadd.s32 s21, s4;
	s4 =	simm.s32 $0x2  }
0x7: {  	[tilespmem:s3], [sflag:$0x2] =	stream.linear.gather [hbm4b:s5+s3], $0x200, $0x38;
	[tilespmem:$0x10200] =	vst v63  }
0x8: {  	_ =	swait.ge [sflag:s4], $0x200  }
0x9: {  	[sflag:s4] =	ssyncset.done $0x0  }
0xa: {  	s6 =	simm.s32 $0x200;
	s7 =	simm.s32 $0x1;
	[sflag:s4] =	ssyncadd.s32 $0xFFFFFE00  }
0xb: {  	[tilespmem:s6], [sflag:$0x1] =	stream.indirect.gather [hbm4b:s2+s6], $0x80, s3, s6, $0xb8;
	[tilespmem:$0x10200] =	vst v63  }
0xc: {  	_ =	swait.ge [sflag:s7], $0x10000  }
0xd: {  	s23 =	sadd.s32 $0xFA00, s8;
	s28 =	sshll.u32 s24, $0x4;
	[sflag:s7] =	ssyncset.done $0x0  }
0xe: {  	s8 =	sadd.s32 s23, s28;
	[sflag:s7] =	ssyncadd.s32 $0xFFFF0000  }
0xf: {  	[hbm4b:s8+s3] =	stream.linear.scatter [tilespmem:s6], [sflag:$0x2], $0x10000, $0x38;
	[tilespmem:$0x10200] =	vst v63  }
0x10: {  	s10 =	sor.u32 $0x200, s24;
	_ =	swait.ge [sflag:s4], $0x10000  }
0x11: {  	s9 =	sshrl.u32 s10, $0x3;
	[sflag:s4] =	ssyncset.done $0x0  }
0x12: {  	s9 =	sadd.s32 s21, s9;
	[sflag:s4] =	ssyncadd.s32 $0xFFFF0000  }
0x13: {  	[tilespmem:s3], [sflag:$0x2] =	stream.linear.gather [hbm4b:s9+s3], $0x200, $0x38;
	[tilespmem:$0x10200] =	vst v63  }
0x14: {  	_ =	swait.ge [sflag:s4], $0x200  }
0x15: {  	[sflag:s4] =	ssyncset.done $0x0  }
0x16: {  	[sflag:s4] =	ssyncadd.s32 $0xFFFFFE00  }
0x17: {  	[tilespmem:s6], [sflag:$0x1] =	stream.indirect.gather [hbm4b:s2+s6], $0x80, s3, s6, $0xb8;
	[tilespmem:$0x10200] =	vst v63  }
0x18: {  	_ =	swait.ge [sflag:s7], $0x10000  }
0x19: {  	s10 =	sshll.u32 s10, $0x4;
	[sflag:s7] =	ssyncset.done $0x0  }
0x1a: {  	s10 =	sadd.s32 s23, s10;
	[sflag:s7] =	ssyncadd.s32 $0xFFFF0000  }
0x1b: {  	[hbm4b:s10+s3] =	stream.linear.scatter [tilespmem:s6], [sflag:$0x2], $0x10000, $0x38;
	[tilespmem:$0x10200] =	vst v63  }
0x1c: {  	s12 =	sor.u32 $0x400, s24;
	_ =	swait.ge [sflag:s4], $0x10000  }
0x1d: {  	s11 =	sshrl.u32 s12, $0x3;
	[sflag:s4] =	ssyncset.done $0x0  }
0x1e: {  	s11 =	sadd.s32 s21, s11;
	[sflag:s4] =	ssyncadd.s32 $0xFFFF0000  }
0x1f: {  	[tilespmem:s3], [sflag:$0x2] =	stream.linear.gather [hbm4b:s11+s3], $0x200, $0x38;
	[tilespmem:$0x10200] =	vst v63  }
0x20: {  	_ =	swait.ge [sflag:s4], $0x200  }
0x21: {  	[sflag:s4] =	ssyncset.done $0x0  }
0x22: {  	[sflag:s4] =	ssyncadd.s32 $0xFFFFFE00  }
0x23: {  	[tilespmem:s6], [sflag:$0x1] =	stream.indirect.gather [hbm4b:s2+s6], $0x80, s3, s6, $0xb8;
	[tilespmem:$0x10200] =	vst v63  }
0x24: {  	_ =	swait.ge [sflag:s7], $0x10000  }
0x25: {  	s12 =	sshll.u32 s12, $0x4;
	[sflag:s7] =	ssyncset.done $0x0  }
0x26: {  	s12 =	sadd.s32 s23, s12;
	[sflag:s7] =	ssyncadd.s32 $0xFFFF0000  }
0x27: {  	[hbm4b:s12+s3] =	stream.linear.scatter [tilespmem:s6], [sflag:$0x2], $0x10000, $0x38;
	[tilespmem:$0x10200] =	vst v63  }
0x28: {  	s14 =	sor.u32 $0x600, s24;
	_ =	swait.ge [sflag:s4], $0x10000  }
0x29: {  	s13 =	sshrl.u32 s14, $0x3;
	[sflag:s4] =	ssyncset.done $0x0  }
0x2a: {  	s13 =	sadd.s32 s21, s13;
	[sflag:s4] =	ssyncadd.s32 $0xFFFF0000  }
0x2b: {  	[tilespmem:s3], [sflag:$0x2] =	stream.linear.gather [hbm4b:s13+s3], $0x200, $0x38;
	[tilespmem:$0x10200] =	vst v63  }
0x2c: {  	_ =	swait.ge [sflag:s4], $0x200  }
0x2d: {  	[sflag:s4] =	ssyncset.done $0x0  }
0x2e: {  	[sflag:s4] =	ssyncadd.s32 $0xFFFFFE00  }
0x2f: {  	[tilespmem:s6], [sflag:$0x1] =	stream.indirect.gather [hbm4b:s2+s6], $0x80, s3, s6, $0xb8;
	[tilespmem:$0x10200] =	vst v63  }
0x30: {  	_ =	swait.ge [sflag:s7], $0x10000  }
0x31: {  	s14 =	sshll.u32 s14, $0x4;
	[sflag:s7] =	ssyncset.done $0x0  }
0x32: {  	s14 =	sadd.s32 s23, s14;
	[sflag:s7] =	ssyncadd.s32 $0xFFFF0000  }
0x33: {  	[hbm4b:s14+s3] =	stream.linear.scatter [tilespmem:s6], [sflag:$0x2], $0x10000, $0x38;
	[tilespmem:$0x10200] =	vst v63  }
0x34: {  	s16 =	sor.u32 $0x800, s24;
	_ =	swait.ge [sflag:s4], $0x10000  }
0x35: {  	s15 =	sshrl.u32 s16, $0x3;
	[sflag:s4] =	ssyncset.done $0x0  }
0x36: {  	s15 =	sadd.s32 s21, s15;
	[sflag:s4] =	ssyncadd.s32 $0xFFFF0000  }
0x37: {  	[tilespmem:s3], [sflag:$0x2] =	stream.linear.gather [hbm4b:s15+s3], $0x200, $0x38;
	[tilespmem:$0x10200] =	vst v63  }
0x38: {  	_ =	swait.ge [sflag:s4], $0x200  }
0x39: {  	[sflag:s4] =	ssyncset.done $0x0  }
0x3a: {  	[sflag:s4] =	ssyncadd.s32 $0xFFFFFE00  }
0x3b: {  	[tilespmem:s6], [sflag:$0x1] =	stream.indirect.gather [hbm4b:s2+s6], $0x80, s3, s6, $0xb8;
	[tilespmem:$0x10200] =	vst v63  }
0x3c: {  	_ =	swait.ge [sflag:s7], $0x10000  }
0x3d: {  	s16 =	sshll.u32 s16, $0x4;
	[sflag:s7] =	ssyncset.done $0x0  }
0x3e: {  	s16 =	sadd.s32 s23, s16;
	[sflag:s7] =	ssyncadd.s32 $0xFFFF0000  }
0x3f: {  	[hbm4b:s16+s3] =	stream.linear.scatter [tilespmem:s6], [sflag:$0x2], $0x10000, $0x38;
	[tilespmem:$0x10200] =	vst v63  }
0x40: {  	s18 =	sor.u32 $0xA00, s24;
	_ =	swait.ge [sflag:s4], $0x10000  }
0x41: {  	s17 =	sshrl.u32 s18, $0x3;
	[sflag:s4] =	ssyncset.done $0x0  }
0x42: {  	s17 =	sadd.s32 s21, s17;
	[sflag:s4] =	ssyncadd.s32 $0xFFFF0000  }
0x43: {  	[tilespmem:s3], [sflag:$0x2] =	stream.linear.gather [hbm4b:s17+s3], $0x200, $0x38;
	[tilespmem:$0x10200] =	vst v63  }
0x44: {  	_ =	swait.ge [sflag:s4], $0x200  }
0x45: {  	[sflag:s4] =	ssyncset.done $0x0  }
0x46: {  	[sflag:s4] =	ssyncadd.s32 $0xFFFFFE00  }
0x47: {  	[tilespmem:s6], [sflag:$0x1] =	stream.indirect.gather [hbm4b:s2+s6], $0x80, s3, s6, $0xb8;
	[tilespmem:$0x10200] =	vst v63  }
0x48: {  	_ =	swait.ge [sflag:s7], $0x10000  }
0x49: {  	s18 =	sshll.u32 s18, $0x4;
	[sflag:s7] =	ssyncset.done $0x0  }
0x4a: {  	s18 =	sadd.s32 s23, s18;
	[sflag:s7] =	ssyncadd.s32 $0xFFFF0000  }
0x4b: {  	[hbm4b:s18+s3] =	stream.linear.scatter [tilespmem:s6], [sflag:$0x2], $0x10000, $0x38;
	[tilespmem:$0x10200] =	vst v63  }
0x4c: {  	s20 =	sor.u32 $0xC00, s24;
	_ =	swait.ge [sflag:s4], $0x10000  }
0x4d: {  	s19 =	sshrl.u32 s20, $0x3;
	[sflag:s4] =	ssyncset.done $0x0  }
0x4e: {  	s19 =	sadd.s32 s21, s19;
	[sflag:s4] =	ssyncadd.s32 $0xFFFF0000  }
0x4f: {  	[tilespmem:s3], [sflag:$0x2] =	stream.linear.gather [hbm4b:s19+s3], $0x200, $0x38;
	[tilespmem:$0x10200] =	vst v63  }
0x50: {  	_ =	swait.ge [sflag:s4], $0x200  }
0x51: {  	[sflag:s4] =	ssyncset.done $0x0  }
0x52: {  	[sflag:s4] =	ssyncadd.s32 $0xFFFFFE00  }
0x53: {  	[tilespmem:s6], [sflag:$0x1] =	stream.indirect.gather [hbm4b:s2+s6], $0x80, s3, s6, $0xb8;
	[tilespmem:$0x10200] =	vst v63  }
0x54: {  	_ =	swait.ge [sflag:s7], $0x10000  }
0x55: {  	s20 =	sshll.u32 s20, $0x4;
	[sflag:s7] =	ssyncset.done $0x0  }
0x56: {  	s20 =	sadd.s32 s23, s20;
	[sflag:s7] =	ssyncadd.s32 $0xFFFF0000  }
0x57: {  	[hbm4b:s20+s3] =	stream.linear.scatter [tilespmem:s6], [sflag:$0x2], $0x10000, $0x38;
	[tilespmem:$0x10200] =	vst v63  }
0x58: {  	s24 =	sor.u32 $0xE00, s24;
	_ =	swait.ge [sflag:s4], $0x10000  }
0x59: {  	s25 =	sshrl.u32 s24, $0x3;
	[sflag:s4] =	ssyncset.done $0x0  }
0x5a: {  	s22 =	ssub.s32 $0x2, s22;
	s21 =	sadd.s32 s21, s25;
	[sflag:s4] =	ssyncadd.s32 $0xFFFF0000  }
0x5b: {  	[tilespmem:s3], [sflag:$0x2] =	stream.linear.gather [hbm4b:s21+s3], $0x200, $0x38;
	[tilespmem:$0x10200] =	vst v63  }
0x5c: {  	s29 =	sshrl.u32 s22, $0x1;
	_ =	swait.ge [sflag:s4], $0x200  }
0x5d: {  	s25 =	ssub.s32 s22, s29;
	[sflag:s4] =	ssyncset.done $0x0  }
0x5e: {  	s31 =	smax.u32 s25, $0x1;
	[sflag:s4] =	ssyncadd.s32 $0xFFFFFE00  }
0x5f: {  	[tilespmem:s6], [sflag:$0x1] =	stream.indirect.gather [hbm4b:s2+s6], $0x80, s3, s6, $0xb8;
	[tilespmem:$0x10200] =	vst v63  }
0x60: {  	p0 =	sne.s32 s31, $0x1;
	_ =	swait.ge [sflag:s7], $0x10000  }
.Ltmp0:
0x61: {  	s30 =	sshll.u32 s24, $0x4;
	[sflag:s7] =	ssyncset.done $0x0;
	(pc) =	sbr.rel @!p0 .LBB2_2-.Ltmp0, $4  }
0x62: {  	s22 =	sadd.s32 s23, s30;
	[sflag:s7] =	ssyncadd.s32 $0xFFFF0000  }
0x63: {  	[hbm4b:s22+s3] =	stream.linear.scatter [tilespmem:s6], [sflag:$0x2], $0x10000, $0x38;
	[tilespmem:$0x10200] =	vst v63  }
0x64: {  	_ =	swait.ge [sflag:s4], $0x10000  }
0x65: {  	s23 =	sadd.s32 $0xFFFFFFFF, s31;
	[sflag:s4] =	ssyncset.done $0x0  }
.LBB2_1:
0x66: {  	p0 =	sne.s32 s23, $0x1;
	s23 =	sadd.s32 $0xFFFFFFFF, s23;
	[sflag:s4] =	ssyncadd.s32 $0xFFFF0000  }
0x67: {  	[tilespmem:s3], [sflag:$0x2] =	stream.linear.gather [hbm4b:s5+s3], $0x200, $0x38;
	[tilespmem:$0x10200] =	vst v63  }
0x68: {  	_ =	swait.ge [sflag:s4], $0x200  }
0x69: {  	[sflag:s4] =	ssyncset.done $0x0  }
0x6a: {  	[sflag:s4] =	ssyncadd.s32 $0xFFFFFE00  }
0x6b: {  	[tilespmem:s6], [sflag:$0x1] =	stream.indirect.gather [hbm4b:s2+s6], $0x80, s3, s6, $0xb8;
	[tilespmem:$0x10200] =	vst v63  }
0x6c: {  	_ =	swait.ge [sflag:s7], $0x10000  }
0x6d: {  	[sflag:s7] =	ssyncset.done $0x0  }
0x6e: {  	[sflag:s7] =	ssyncadd.s32 $0xFFFF0000  }
0x6f: {  	[hbm4b:s8+s3] =	stream.linear.scatter [tilespmem:s6], [sflag:$0x2], $0x10000, $0x38;
	[tilespmem:$0x10200] =	vst v63  }
0x70: {  	_ =	swait.ge [sflag:s4], $0x10000  }
0x71: {  	[sflag:s4] =	ssyncset.done $0x0  }
0x72: {  	[sflag:s4] =	ssyncadd.s32 $0xFFFF0000  }
0x73: {  	[tilespmem:s3], [sflag:$0x2] =	stream.linear.gather [hbm4b:s9+s3], $0x200, $0x38;
	[tilespmem:$0x10200] =	vst v63  }
0x74: {  	_ =	swait.ge [sflag:s4], $0x200  }
0x75: {  	[sflag:s4] =	ssyncset.done $0x0  }
0x76: {  	[sflag:s4] =	ssyncadd.s32 $0xFFFFFE00  }
0x77: {  	[tilespmem:s6], [sflag:$0x1] =	stream.indirect.gather [hbm4b:s2+s6], $0x80, s3, s6, $0xb8;
	[tilespmem:$0x10200] =	vst v63  }
0x78: {  	_ =	swait.ge [sflag:s7], $0x10000  }
0x79: {  	[sflag:s7] =	ssyncset.done $0x0  }
0x7a: {  	[sflag:s7] =	ssyncadd.s32 $0xFFFF0000  }
0x7b: {  	[hbm4b:s10+s3] =	stream.linear.scatter [tilespmem:s6], [sflag:$0x2], $0x10000, $0x38;
	[tilespmem:$0x10200] =	vst v63  }
0x7c: {  	_ =	swait.ge [sflag:s4], $0x10000  }
0x7d: {  	[sflag:s4] =	ssyncset.done $0x0  }
0x7e: {  	[sflag:s4] =	ssyncadd.s32 $0xFFFF0000  }
0x7f: {  	[tilespmem:s3], [sflag:$0x2] =	stream.linear.gather [hbm4b:s11+s3], $0x200, $0x38;
	[tilespmem:$0x10200] =	vst v63  }
0x80: {  	_ =	swait.ge [sflag:s4], $0x200  }
0x81: {  	[sflag:s4] =	ssyncset.done $0x0  }
0x82: {  	[sflag:s4] =	ssyncadd.s32 $0xFFFFFE00  }
0x83: {  	[tilespmem:s6], [sflag:$0x1] =	stream.indirect.gather [hbm4b:s2+s6], $0x80, s3, s6, $0xb8;
	[tilespmem:$0x10200] =	vst v63  }
0x84: {  	_ =	swait.ge [sflag:s7], $0x10000  }
0x85: {  	[sflag:s7] =	ssyncset.done $0x0  }
0x86: {  	[sflag:s7] =	ssyncadd.s32 $0xFFFF0000  }
0x87: {  	[hbm4b:s12+s3] =	stream.linear.scatter [tilespmem:s6], [sflag:$0x2], $0x10000, $0x38;
	[tilespmem:$0x10200] =	vst v63  }
0x88: {  	_ =	swait.ge [sflag:s4], $0x10000  }
0x89: {  	[sflag:s4] =	ssyncset.done $0x0  }
0x8a: {  	[sflag:s4] =	ssyncadd.s32 $0xFFFF0000  }
0x8b: {  	[tilespmem:s3], [sflag:$0x2] =	stream.linear.gather [hbm4b:s13+s3], $0x200, $0x38;
	[tilespmem:$0x10200] =	vst v63  }
0x8c: {  	_ =	swait.ge [sflag:s4], $0x200  }
0x8d: {  	[sflag:s4] =	ssyncset.done $0x0  }
0x8e: {  	[sflag:s4] =	ssyncadd.s32 $0xFFFFFE00  }
0x8f: {  	[tilespmem:s6], [sflag:$0x1] =	stream.indirect.gather [hbm4b:s2+s6], $0x80, s3, s6, $0xb8;
	[tilespmem:$0x10200] =	vst v63  }
0x90: {  	_ =	swait.ge [sflag:s7], $0x10000  }
0x91: {  	[sflag:s7] =	ssyncset.done $0x0  }
0x92: {  	[sflag:s7] =	ssyncadd.s32 $0xFFFF0000  }
0x93: {  	[hbm4b:s14+s3] =	stream.linear.scatter [tilespmem:s6], [sflag:$0x2], $0x10000, $0x38;
	[tilespmem:$0x10200] =	vst v63  }
0x94: {  	_ =	swait.ge [sflag:s4], $0x10000  }
0x95: {  	[sflag:s4] =	ssyncset.done $0x0  }
0x96: {  	[sflag:s4] =	ssyncadd.s32 $0xFFFF0000  }
0x97: {  	[tilespmem:s3], [sflag:$0x2] =	stream.linear.gather [hbm4b:s15+s3], $0x200, $0x38;
	[tilespmem:$0x10200] =	vst v63  }
0x98: {  	_ =	swait.ge [sflag:s4], $0x200  }
0x99: {  	[sflag:s4] =	ssyncset.done $0x0  }
0x9a: {  	[sflag:s4] =	ssyncadd.s32 $0xFFFFFE00  }
0x9b: {  	[tilespmem:s6], [sflag:$0x1] =	stream.indirect.gather [hbm4b:s2+s6], $0x80, s3, s6, $0xb8;
	[tilespmem:$0x10200] =	vst v63  }
0x9c: {  	_ =	swait.ge [sflag:s7], $0x10000  }
0x9d: {  	[sflag:s7] =	ssyncset.done $0x0  }
0x9e: {  	[sflag:s7] =	ssyncadd.s32 $0xFFFF0000  }
0x9f: {  	[hbm4b:s16+s3] =	stream.linear.scatter [tilespmem:s6], [sflag:$0x2], $0x10000, $0x38;
	[tilespmem:$0x10200] =	vst v63  }
0xa0: {  	_ =	swait.ge [sflag:s4], $0x10000  }
0xa1: {  	[sflag:s4] =	ssyncset.done $0x0  }
0xa2: {  	[sflag:s4] =	ssyncadd.s32 $0xFFFF0000  }
0xa3: {  	[tilespmem:s3], [sflag:$0x2] =	stream.linear.gather [hbm4b:s17+s3], $0x200, $0x38;
	[tilespmem:$0x10200] =	vst v63  }
0xa4: {  	_ =	swait.ge [sflag:s4], $0x200  }
0xa5: {  	[sflag:s4] =	ssyncset.done $0x0  }
0xa6: {  	[sflag:s4] =	ssyncadd.s32 $0xFFFFFE00  }
0xa7: {  	[tilespmem:s6], [sflag:$0x1] =	stream.indirect.gather [hbm4b:s2+s6], $0x80, s3, s6, $0xb8;
	[tilespmem:$0x10200] =	vst v63  }
0xa8: {  	_ =	swait.ge [sflag:s7], $0x10000  }
0xa9: {  	[sflag:s7] =	ssyncset.done $0x0  }
0xaa: {  	[sflag:s7] =	ssyncadd.s32 $0xFFFF0000  }
0xab: {  	[hbm4b:s18+s3] =	stream.linear.scatter [tilespmem:s6], [sflag:$0x2], $0x10000, $0x38;
	[tilespmem:$0x10200] =	vst v63  }
0xac: {  	_ =	swait.ge [sflag:s4], $0x10000  }
0xad: {  	[sflag:s4] =	ssyncset.done $0x0  }
0xae: {  	[sflag:s4] =	ssyncadd.s32 $0xFFFF0000  }
0xaf: {  	[tilespmem:s3], [sflag:$0x2] =	stream.linear.gather [hbm4b:s19+s3], $0x200, $0x38;
	[tilespmem:$0x10200] =	vst v63  }
0xb0: {  	_ =	swait.ge [sflag:s4], $0x200  }
0xb1: {  	[sflag:s4] =	ssyncset.done $0x0  }
0xb2: {  	[sflag:s4] =	ssyncadd.s32 $0xFFFFFE00  }
0xb3: {  	[tilespmem:s6], [sflag:$0x1] =	stream.indirect.gather [hbm4b:s2+s6], $0x80, s3, s6, $0xb8;
	[tilespmem:$0x10200] =	vst v63  }
0xb4: {  	_ =	swait.ge [sflag:s7], $0x10000  }
0xb5: {  	[sflag:s7] =	ssyncset.done $0x0  }
0xb6: {  	[sflag:s7] =	ssyncadd.s32 $0xFFFF0000  }
0xb7: {  	[hbm4b:s20+s3] =	stream.linear.scatter [tilespmem:s6], [sflag:$0x2], $0x10000, $0x38;
	[tilespmem:$0x10200] =	vst v63  }
0xb8: {  	_ =	swait.ge [sflag:s4], $0x10000  }
0xb9: {  	[sflag:s4] =	ssyncset.done $0x0  }
0xba: {  	[sflag:s4] =	ssyncadd.s32 $0xFFFF0000  }
0xbb: {  	[tilespmem:s3], [sflag:$0x2] =	stream.linear.gather [hbm4b:s21+s3], $0x200, $0x38;
	[tilespmem:$0x10200] =	vst v63  }
0xbc: {  	_ =	swait.ge [sflag:s4], $0x200  }
0xbd: {  	[sflag:s4] =	ssyncset.done $0x0  }
0xbe: {  	[sflag:s4] =	ssyncadd.s32 $0xFFFFFE00  }
0xbf: {  	[tilespmem:s6], [sflag:$0x1] =	stream.indirect.gather [hbm4b:s2+s6], $0x80, s3, s6, $0xb8;
	[tilespmem:$0x10200] =	vst v63  }
0xc0: {  	_ =	swait.ge [sflag:s7], $0x10000  }
.Ltmp1:
0xc1: {  	[sflag:s7] =	ssyncset.done $0x0;
	(pc) =	sbr.rel @p0 .LBB2_1-.Ltmp1, $4  }
0xc2: {  	[sflag:s7] =	ssyncadd.s32 $0xFFFF0000  }
0xc3: {  	[hbm4b:s22+s3] =	stream.linear.scatter [tilespmem:s6], [sflag:$0x2], $0x10000, $0x38;
	[tilespmem:$0x10200] =	vst v63  }
0xc4: {  	_ =	swait.ge [sflag:s4], $0x10000  }
0xc5: {  	[sflag:s4] =	ssyncset.done $0x0  }
.LBB2_2:
0xc6: {  	[sflag:s4] =	ssyncadd.s32 $0xFFFF0000  }
0xc7: {  	_ =	sfence.sel $0x180000  }
0xc8: {  	[bflag:$0x0] =	sbarrier.arrive $0xFFFF  }
0xc9: {  	p0 =	sne.s32 s0, $0x0;
	_ =	strace $0x9000004A  }
0xca: {  	s0 =	sadd.s32 @!p0 $0x100000, s1;
	[bflag:$0x2] =	sbarrier.arrive $0xFFFF  }
0xcb: {  	[sflag:s0] =	ssyncadd.tile.s32 @!p0 $0x1;
	_ =	shalt  }
.Lfunc_end2:
_tile_overlayer_lowered:
.L_overlay_start_2:
0xcc: {  	(tag) =	ssettag $0x2  }
0xcd: {  	s0 =	rddreg [dreg:$0x0];
	s2 =	stileid.u32  }
0xce: {  	s1 =	rddreg [dreg:$0x1];
	p0 =	sne.s32 s2, $0x0  }
0xcf: {  	s3 =	rddreg [dreg:$0x2];
	[bflag:$0x3] =	sbarrier.arrive $0xFFFF;
	s2 =	simm.s32 @!p0 $0x1C02  }
0xd0: {  	[timem:s3], [sflag:s2] =	dma.local @!p0 [hbm:s0], s1  }
0xd1: {  	s0 =	simm.s32 @!p0 $0x2  }
0xd2: {  	_ =	swait.ge @!p0 [sflag:s0], s1  }
0xd3: {  	s1 =	ssub.s32 @!p0 $0x0, s1;
	[sflag:s0] =	ssyncset.done @!p0 $0x0  }
0xd4: {  	[sflag:s0] =	ssyncadd.s32 @!p0 s1  }
0xd5: {  	[bflag:$0x3] =	sbarrier.arrive $0xFFFF  }
0xd6: {  	_ =	shalt  }

// kernel: gather_offload_async_start
scs
__scs_entry_jumppad:
0x0: {  	(pc) =	sbr.rel $0x88, $3  }
0x1: {  	(tag) =	ssettag $0x0;
	lr =	simm.s32 $0x1  }
0x2: {  	[smem:$0x3F9E] =	sst lr;
	_ =	strace $0xD0000000  }
0x3: {  	_ = 	snop  }
0x4: {  	_ = 	snop  }
0x5: {  	_ = 	snop  }
0x6: {  	_ = 	snop  }
0x7: {  	_ = 	snop  }
__scs_overlays_trampoline_lowered:
0x8: {  	[smem:$0x3FAD] =	sst s0  }
0x9: {  	[smem:$0x3FAE] =	sst s1  }
0xa: {  	[smem:$0x3FAF] =	sst s2  }
0xb: {  	[smem:$0x3FB0] =	sst s3  }
0xc: {  	[smem:$0x3FB1] =	sst s4  }
0xd: {  	[smem:$0x3FB2] =	sst s5  }
0xe: {  	[smem:$0x3FB3] =	sst s6  }
0xf: {  	[smem:$0x3FB4] =	sst s7  }
0x10: {  	[smem:$0x3FB5] =	sst s8  }
0x11: {  	[smem:$0x3FB6] =	sst s9;
	s0 =	simm.s32 @!p0 $0x0  }
0x12: {  	s1 =	sld [smem:$0x3F9C];
	s0 =	simm.s32 @p0 $0x1  }
0x13: {  	[smem:$0x3FB7] =	sst s0;
	s0 =	simm.s32 @!p1 $0x0  }
0x14: {  	s2 =	sld [smem:$0x3F9B];
	s0 =	simm.s32 @p1 $0x1  }
0x15: {  	[smem:$0x3FB8] =	sst s0;
	s0 =	simm.s32 @!p2 $0x0  }
0x16: {  	s3 =	sld [smem:$0x3FDB];
	s0 =	simm.s32 @p2 $0x1  }
0x17: {  	s4 =	simm.s32 $0x1BF5;
	[smem:$0x3FBA] =	sst s0  }
0x18: {  	s0 =	sld [smem:$0x3F9D];
	_ =	swait.ge [sflag:s4], $0x0  }
0x19: {  	s7 =	sld [smem:$0x3F9E]  }
0x1a: {  	s8 =	sadd.s32 $0xFFFFE003, lr  }
0x1b: {  	s9 =	sadd.s32 $0xFFFFFEF7, lr;
	s5 =	simm.s32 $0xFFFFFFFF;
	p2 =	slt.u32 s8, $0xFFFFF086  }
0x1c: {  	p1 =	slt.u32 s9, $0xF7A;
	s5 =	simm.s32 @!p2 $0x0  }
0x1d: {  	s5 =	simm.s32 @p1 $0x1;
	p0 =	seq.s32 s7, s2  }
0x1e: {  	s7 =	smul.u32 @!p0 $0xF7A, s2;
	p2 =	seq.s32 @!p0 s5, $0x0  }
0x1f: {  	s9 =	smul.u32 $0xF7A, s1;
	s8 =	simm.s32 @!p0 $0x1BF5;
	p2 =	por !p2, p0  }
0x20: {  	[sflag:s8] =	ssyncset.s32 @!p0 $0xFFFFF086;
	s6 =	sadd.s32 @!p0 s3, s7;
	s7 =	simm.s32 @!p0 $0x108  }
0x21: {  	s3 =	sadd.s32 s3, s9;
	s6 =	sadd.s32 @!p0 $0x88, s6;
	s7 =	simm.s32 @p2 $0x1082  }
0x22: {  	[simem:s7], [sflag:s8] =	dma.local @!p0 [hbm:s6], $0xF7A  }
0x23: {  	s9 =	sor.u32 $0xD0000000, s2;
	s6 =	simm.s32 $0x108;
	_ =	swait.ge @!p0 [sflag:s8], $0x0  }
0x24: {  	s3 =	sadd.s32 $0x88, s3;
	s6 =	simm.s32 @!p1 $0x1082;
	[sflag:s4] =	ssyncset.s32 $0xFFFFF086  }
0x25: {  	[simem:s6], [sflag:s4] =	dma.local [hbm:s3], $0xF7A  }
0x26: {  	[smem:$0x3F9E] =	sst s1;
	(tag) =	ssettag s2;
	_ =	strace s9  }
0x27: {  	s1 =	sld [smem:$0x3FAE]  }
0x28: {  	s2 =	sld [smem:$0x3FAF]  }
0x29: {  	s4 =	sld [smem:$0x3FB1]  }
0x2a: {  	p0 =	seq.s32 s5, $0x0;
	s5 =	sld [smem:$0x3FB2]  }
0x2b: {  	s6 =	sld [smem:$0x3FB3]  }
0x2c: {  	s7 =	sld [smem:$0x3FB4]  }
0x2d: {  	s3 =	simm.s32 $0x108;
	s8 =	sld [smem:$0x3FB5]  }
0x2e: {  	s3 =	simm.s32 @!p0 $0x1082;
	s9 =	sld [smem:$0x3FB6]  }
0x2f: {  	lr =	sadd.s32 s0, s3;
	s0 =	sld [smem:$0x3FAD]  }
0x30: {  	s3 =	sld [smem:$0x3FB0]  }
0x31: {  	[smem:$0x3FB9] =	sst s10  }
0x32: {  	s10 =	sld [smem:$0x3FB7];
	_ =	sdelay $0x3  }
0x33: {  	p0 =	seq.s32 s10, $0x1;
	s10 =	sld [smem:$0x3FB9];
	_ =	sdelay $0x3  }
0x34: {  	[smem:$0x3FB9] =	sst s10  }
0x35: {  	s10 =	sld [smem:$0x3FB8];
	_ =	sdelay $0x3  }
0x36: {  	p1 =	seq.s32 s10, $0x1;
	s10 =	sld [smem:$0x3FB9];
	_ =	sdelay $0x3  }
0x37: {  	[smem:$0x3FB9] =	sst s10  }
0x38: {  	s10 =	sld [smem:$0x3FBA]  }
0x39: {  	_ = 	snop;
	(pc) =	sbr.ind lr, $3  }
0x3a: {  	_ = 	snop  }
0x3b: {  	_ = 	snop  }
0x3c: {  	p2 =	seq.s32 s10, $0x1;
	s10 =	sld [smem:$0x3FB9]  }
0x3d: {  	_ =	shalt  }
0x3e: {  	_ =	shalt  }
0x3f: {  	_ =	shalt  }
0x40: {  	_ =	shalt  }
0x41: {  	_ =	shalt  }
0x42: {  	_ =	shalt  }
0x43: {  	_ =	shalt  }
0x44: {  	_ =	shalt  }
0x45: {  	_ =	shalt  }
0x46: {  	_ =	shalt  }
0x47: {  	_ =	shalt  }
0x48: {  	_ =	shalt  }
0x49: {  	_ =	shalt  }
0x4a: {  	_ =	shalt  }
0x4b: {  	_ =	shalt  }
0x4c: {  	_ =	shalt  }
0x4d: {  	_ =	shalt  }
0x4e: {  	_ =	shalt  }
0x4f: {  	_ =	shalt  }
0x50: {  	_ =	shalt  }
0x51: {  	_ =	shalt  }
0x52: {  	_ =	shalt  }
0x53: {  	_ =	shalt  }
0x54: {  	_ =	shalt  }
0x55: {  	_ =	shalt  }
0x56: {  	_ =	shalt  }
0x57: {  	_ =	shalt  }
0x58: {  	_ =	shalt  }
0x59: {  	_ =	shalt  }
0x5a: {  	_ =	shalt  }
0x5b: {  	_ =	shalt  }
0x5c: {  	_ =	shalt  }
0x5d: {  	_ =	shalt  }
0x5e: {  	_ =	shalt  }
0x5f: {  	_ =	shalt  }
0x60: {  	_ =	shalt  }
0x61: {  	_ =	shalt  }
0x62: {  	_ =	shalt  }
0x63: {  	_ =	shalt  }
0x64: {  	_ =	shalt  }
0x65: {  	_ =	shalt  }
0x66: {  	_ =	shalt  }
0x67: {  	_ =	shalt  }
0x68: {  	_ =	shalt  }
0x69: {  	_ =	shalt  }
0x6a: {  	_ =	shalt  }
0x6b: {  	_ =	shalt  }
0x6c: {  	_ =	shalt  }
0x6d: {  	_ =	shalt  }
0x6e: {  	_ =	shalt  }
0x6f: {  	_ =	shalt  }
0x70: {  	_ =	shalt  }
0x71: {  	_ =	shalt  }
0x72: {  	_ =	shalt  }
0x73: {  	_ =	shalt  }
0x74: {  	_ =	shalt  }
0x75: {  	_ =	shalt  }
0x76: {  	_ =	shalt  }
0x77: {  	_ =	shalt  }
0x78: {  	_ =	shalt  }
0x79: {  	_ =	shalt  }
0x7a: {  	_ =	shalt  }
0x7b: {  	_ =	shalt  }
0x7c: {  	_ =	shalt  }
0x7d: {  	_ =	shalt  }
0x7e: {  	_ =	shalt  }
0x7f: {  	_ =	shalt  }
0x80: {  	_ =	shalt  }
0x81: {  	_ =	shalt  }
0x82: {  	_ =	shalt  }
0x83: {  	_ =	shalt  }
0x84: {  	_ =	shalt  }
0x85: {  	_ =	shalt  }
0x86: {  	_ =	shalt  }
0x87: {  	_ =	shalt  }
.Lfunc_end0:
.L_simem_size_0:
called_computation_lowered:
.L_overlay_start_0:
0x88: {  	s2 =	sld [smem:$0x3FD9]  }
0x89: {  	s3 =	sld [smem:$0x3FFE];
	_ =	sdelay $0x1  }
0x8a: {  	s1 =	srdreg.scid  }
0x8b: {  	s0 =	sand.u32 $0x1, s1  }
0x8c: {  	s16 =	sshll.u32 s0, $0xA;
	s2 =	sadd.s32 s3, s2  }
0x8d: {  	s2 =	sadd.s32 s2, s16  }
0x8e: {  	[smem:$0x3FC5] =	sst s2  }
0x8f: {  	_ = 	snop  }
0x90: {  	(tm) =	ssettm $0x1  }
0x91: {  	s17 =	sld [smem:$0x3FFB];
	_ =	sdelay $0x3  }
0x92: {  	_ =	strace s17  }
0x93: {  	s2 =	sld [smem:$0x3FFC];
	_ =	sdelay $0x3  }
0x94: {  	_ =	strace s2  }
0x95: {  	s2 =	sld [smem:$0x3FFD];
	_ =	sdelay $0x3  }
0x96: {  	_ =	strace s2  }
0x97: {  	_ =	strace $0x8FFFFFFF  }
0x98: {  	s18 =	sld [smem:$0x3FDB];
	_ =	sdelay $0x1  }
0x99: {  	s19 =	simm.s32 $_scs_section_size  }
0x9a: {  	s4 =	simm.s32 $_size__tile_overlayer_lowered;
	s5 =	simm.s32 $_tile_overlayer_lowered  }
0x9b: {  	s22 =	simm.s32 $0x1BFF;
	s21 =	sshll.u32 s5, $0x1;
	s2 =	sadd.s32 s19, s18  }
0x9c: {  	s6 =	simm.s32 $0x0;
	s20 =	sshll.u32 s4, $0x1;
	s4 =	sadd.s32 s21, s2  }
0x9d: {  	[timem:s6], [sflag:s22] =	dma.local [hbm:s4], s20  }
0x9e: {  	_ =	swait.ge [sflag:s22], s20  }
0x9f: {  	s3 =	ssub.s32 $0x0, s20;
	[sflag:s22] =	ssyncset.done $0x0  }
0xa0: {  	[sflag:s22] =	ssyncadd.s32 s3;
	_ =	sdelay $0x1  }
0xa1: {  	s23 =	simm.s32 $0x1B8B  }
0xa2: {  	_ =	swait.ge [sflag:s23], $0x1  }
0xa3: {  	[sflag:s23] =	ssyncset.done $0x0  }
0xa4: {  	s25 =	simm.s32 $0x1B8E;
	s24 =	sld [smem:$0x3FFE];
	[sflag:s23] =	ssyncadd.s32 $0xFFFFFFFF  }
0xa5: {  	s26 =	simm.s32 $execute0_lowered;
	[smem:$0x3FD2] =	sst s25  }
0xa6: {  	s4 =	sshll.u32 s26, $0x1;
	_ =	strace $0x80000046;
	[dreg:$0x1] =	wrdreg $0xFFFFFFFF  }
0xa7: {  	s28 =	simm.s32 $_size_execute0_lowered;
	s2 =	sadd.s32 s2, s4;
	[dreg:$0x0] =	wrdreg $0x0  }
0xa8: {  	s4 =	sshll.u32 s28, $0x1;
	[dreg:$0x2] =	wrdreg s2  }
0xa9: {  	[dreg:$0x3] =	wrdreg s4  }
0xaa: {  	[dreg:$0x4] =	wrdreg $0xC0  }
0xab: {  	_ =	task [dreg:s6], $0x5FFFF  }
0xac: {  	[dreg:$0x1] =	wrdreg $0xFFFFFFFF  }
0xad: {  	[dreg:$0x0] =	wrdreg $0x60  }
0xae: {  	[dreg:$0x2] =	wrdreg s24  }
0xaf: {  	[dreg:$0x3] =	wrdreg $0x9  }
0xb0: {  	_ =	task.clear_ibuf [dreg:s6], $0x4FFFF;
	_ =	strace $0x90000046  }
0xb1: {  	s29 =	simm.s32 $0x9;
	_ =	strace $0x80000048  }
0xb2: {  	_ =	swait.ge [sflag:s29], $0x1  }
0xb3: {  	[sflag:s29] =	ssyncadd.s32 $0xFFFFFFFF  }
0xb4: {  	_ =	strace $0x90000048  }
0xb5: {  	_ =	sfence  }
0xb6: {  	s30 =	sld [smem:$0x0];
	_ =	sdelay $0x2  }
0xb7: {  	s31 =	sshll.u32 s1, $0xD;
	s1 =	sshrl.u32 s1, $0x2  }
0xb8: {  	s3 =	sand.u32 $0x4000, s31;
	s1 =	sadd.s32 s1, s30  }
0xb9: {  	s0 =	sor.u32 s3, s0;
	s1 =	sshll.u32 s1, $0x11  }
0xba: {  	s0 =	sor.u32 s1, s0  }
0xbb: {  	s0 =	sadd.s32 $0x8F2B, s0  }
0xbc: {  	[sflag:s0] =	ssyncadd.remote.s32 $0x1  }
0xbd: {  	_ =	sfence.sel $0xFFFF  }
0xbe: {  	[dreg:$0x0] =	wrdreg $0xFFFFFFFF;
	(pc) =	sbr.abs _section_cstart, $3  }
0xbf: {  	[dreg:$0x1] =	wrdreg $0xFFFFFFFF  }
0xc0: {  	_ =	task.clear_ibuf [dreg:s6], $0x2FFFF;
	_ =	strace $0x9FFFFFFF  }
0xc1: {  	(tm) =	ssettm $0x7FFFFFFF  }
tec
execute0_lowered:
.L_overlay_start_1:
0x0: {  	(tag) =	ssettag $0x1  }
0x1: {  	s0 =	srdreg.scid;
	s5 =	rddreg [dreg:$0x0]  }
0x2: {  	s1 =	stileid.u32;
	s6 =	simm.s32 $0x1;
	s9 =	simm.s32 $0x1  }
0x3: {  	s10 =	simm.s32 $0x3;
	s13 =	simm.s32 $0x0;
	s2 =	sshll.u32 s0, $0xB  }
0x4: {  	s12 =	simm.s32 $0x0;
	s3 =	sshll.u32 s1, $0xC;
	s2 =	sand.u32 $0x800, s2  }
0x5: {  	s0 =	rddreg [dreg:$0x1];
	_ =	strace $0x80000047;
	s2 =	sor.u32 s3, s2  }
0x6: {  	s4 =	sadd.s32 $0x4800, s5;
	[sflag:s6] =	ssyncpa.u1 $0x0;
	s8 =	ssub.s32 $0x20000, s2  }
.Ltmp0:
0x7: {  	s3 =	sadd.s32 $0x8800, s5;
	s7 =	sand.u32 $0xF800, s8;
	(pc) =	sbr.rel .LBB2_1-.Ltmp0, $4  }
0x8: {  	s5 =	sadd.s32 $0xBA00, s5;
	s11 =	smov.u32 s2;
	p0 =	sne.s32 s7, $0x0  }
0x9: {  	s8 =	sshrl.u32 s8, $0x10;
	s7 =	simm.s32 $0x2;
	s9 =	simm.s32 @!p0 $0x0  }
0xa: {  	[sflag:s7] =	ssyncpa.u1 $0x0;
	p0 =	por $0x0, $0x0;
	s8 =	sadd.s32 s9, s8  }
0xb: {  	vm0 =	vmmov $0xffff;
	[sflag:s10] =	ssyncpa.u1 $0x0;
	s10 =	simm.s32 $0x0;
	s9 =	sadd.s32 $0x1, s8  }
.LBB2_4:
0xc: {  	v2 =	vnsel vm1, $0x0, v2  }
0xd: {  	vm1 =	vgt.s32 v0, $0x0;
	v2 =	vmin.u32 v2, $0x1869F  }
0xe: {  	v0 =	vnsel vm1, $0x0, v0  }
0xf: {  	v0 =	vmin.u32 v0, $0x1869F  }
0x10: {  	[tilespmem:s15], [sflag:$0x1] =	stream.indirect_vreg.gather [hbm4b:s3+s10], $0x1, v1, vm0, $0x4038;
	[tilespmem:$0x2000] =	vst v63  }
0x11: {  	(ifvalue) =	ssetifvalue $0x7FFFFFFF  }
0x12: {  	[tilespmem:s16], [sflag:$0x1] =	stream.indirect_vreg.gather [hbm4b:s3+s10], $0x1, v2, vm0, $0x4038;
	[tilespmem:$0x2000] =	vst v63  }
0x13: {  	s29 =	sadd.s32 $0x10, s16;
	(ifvalue) =	ssetifvalue $0x7FFFFFFF  }
0x14: {  	[tilespmem:s29], [sflag:$0x1] =	stream.indirect_vreg.gather [hbm4b:s3+s10], $0x1, v0, vm0, $0x4038;
	[tilespmem:$0x2000] =	vst v63  }
0x15: {  	_ =	swait.ge [sflag:s6], $0x800  }
0x16: {  	s30 =	sshrl.u32 s13, $0x3;
	[sflag:s6] =	ssyncset.done $0x0  }
0x17: {  	s31 =	sand.u32 $0x7, s13;
	s15 =	sadd.s32 s5, s30;
	[sflag:s6] =	ssyncadd.s32 $0xFFFFF800  }
0x18: {  	[hbm4b:s15+s31] =	stream.linear.scatter [tilespmem:s14], [sflag:$0x3], $0x800, $0x38;
	[tilespmem:$0x2000] =	vst v63  }
.LBB2_5:
0x19: {  	s15 =	sadd.s32 $0x10000, s11  }
0x1a: {  	p2 =	sgt.s32 s15, $0x1FFFF  }
0x1b: {  	s15 =	smov.u32 @p2 s2;
	p2 =	sne.s32 s12, s9  }
.Ltmp1:
0x1c: {  	p1 =	slt.u32 s12, $0x2;
	(pc) =	sbr.rel @!p2 .LBB2_6-.Ltmp1, $4  }
0x1d: {  	s14 =	simm.s32 @!p1 $0x3  }
0x1e: {  	s16 =	sadd.s32 $0x1, s12;
	_ =	swait.ge @!p1 [sflag:s14], $0x800  }
0x1f: {  	s13 =	smov.u32 s11;
	p0 =	por !p0, !p0;
	[sflag:s14] =	ssyncset.done @!p1 $0x0  }
0x20: {  	s12 =	smov.u32 s16;
	s11 =	smov.u32 s15;
	[sflag:s14] =	ssyncadd.s32 @!p1 $0xFFFFF800  }
.LBB2_1:
0x21: {  	p1 =	sge.u32 s12, s8  }
0x22: {  	s14 =	sxor.u32 @!p1 $0xFFFFFFFF, s12  }
0x23: {  	s31 =	sadd.s32 $0xFFFFFFFF, s12;
	s15 =	sshrl.u32 @!p1 s11, $0x3;
	s14 =	sshll.u32 @!p1 s14, $0xB  }
0x24: {  	s16 =	sand.u32 @!p1 $0x7, s11;
	s15 =	sadd.s32 @!p1 s4, s15;
	s14 =	sand.u32 @!p1 $0x800, s14  }
0x25: {  	[tilespmem:s14], [sflag:$0x2] =	stream.linear.gather @!p1 [hbm4b:s15+s16], $0x800, $0x38;
	[tilespmem:$0x2000] =	vst v63  }
0x26: {  	p1 =	sge.u32 s31, s8  }
.Ltmp2:
0x27: {  	_ = 	snop;
	(pc) =	sbr.rel @p1 .LBB2_5-.Ltmp2, $1  }
0x28: {  	_ =	sdelay $0x3  }
0x29: {  	s14 =	simm.s32 $0x1  }
0x2a: {  	_ =	swait.ge [sflag:s7], $0x800;
	s14 =	simm.s32 @!p0 $0x0  }
0x2b: {  	[sflag:s7] =	ssyncset.done $0x0;
	s14 =	sshll.u32 s14, $0xB  }
0x2c: {  	[sflag:s7] =	ssyncadd.s32 $0xFFFFF800;
	(ifvalue) =	ssetifvalue $0x7FFFFFFF;
	v0 =	vld.msk [tilespmem:s14+$0x0 ss:$0x1], $0xffff;
	_ =	sdelay $0x4  }
0x2d: {  	s15 =	sadd.s32 $0x10, s14;
	vm1 =	vgt.s32 v0, $0x0  }
0x2e: {  	v2 =	vld.msk [tilespmem:s15+$0x0 ss:$0x1], $0xffff;
	v1 =	vnsel vm1, $0x0, v0  }
0x2f: {  	v1 =	vmin.u32 v1, $0x1869F;
	_ =	sdelay $0x1  }
0x30: {  	s16 =	sshll.u32 s12, $0xB;
	s18 =	simm.s32 $0x20  }
0x31: {  	s16 =	sand.u32 $0x800, s16;
	s17 =	sadd.s32 $0x10, s15;
	s15 =	sor.u32 $0x1000, s14  }
0x32: {  	s14 =	sor.u32 $0x1000, s16;
	s16 =	sadd.s32 $0x10, s15;
	v0 =	vld.msk [tilespmem:s17+$0x0 ss:$0x1], $0xffff;
	vm1 =	vgt.s32 v2, $0x0;
	(ifvalue) =	ssetifvalue $0x7FFFFFFF  }
.LBB2_3:
0x33: {  	[tilespmem:s15], [sflag:$0x1] =	stream.indirect_vreg.gather [hbm4b:s3+s10], $0x1, v1, vm0, $0x4038;
	[tilespmem:$0x2000] =	vst v63  }
0x34: {  	s18 =	sadd.s32 $0x10, s18  }
0x35: {  	v2 =	vnsel vm1, $0x0, v2;
	p1 =	slt.u32 s18, $0x7F0  }
.Ltmp3:
0x36: {  	s15 =	smov.u32 s16;
	v1 =	vmin.u32 v2, $0x1869F;
	(pc) =	sbr.rel @p1 .LBB2_3-.Ltmp3, $3  }
0x37: {  	_ =	sdelay $0x1  }
0x38: {  	s17 =	sadd.s32 $0x10, s17  }
0x39: {  	vm1 =	vgt.s32 v0, $0x0;
	s16 =	sadd.s32 $0x10, s16;
	v2 =	vmov v0;
	(ifvalue) =	ssetifvalue $0x7FFFFFFF;
	v0 =	vld.msk [tilespmem:s17+$0x0 ss:$0x1], $0xffff  }
.Ltmp4:
0x3a: {  	_ = 	snop;
	(pc) =	sbr.rel .LBB2_4-.Ltmp4, $1  }
0x3b: {  	_ =	sdelay $0x3  }
.LBB2_6:
0x3c: {  	_ =	sfence.sel $0x180000  }
0x3d: {  	s2 =	simm.s32 $0x2;
	[bflag:$0x0] =	sbarrier.arrive $0xFFFF  }
0x3e: {  	s30 =	simm.s32 $0x3;
	[sflag:s2] =	ssyncpa.u1 $0x1  }
0x3f: {  	s31 =	simm.s32 $0x1;
	[sflag:s30] =	ssyncpa.u1 $0x1  }
0x40: {  	[sflag:s31] =	ssyncpa.u1 $0x1  }
0x41: {  	p0 =	sne.s32 s1, $0x0;
	_ =	strace $0x90000047  }
0x42: {  	s0 =	sadd.s32 @!p0 $0x100000, s0;
	[bflag:$0x2] =	sbarrier.arrive $0xFFFF  }
0x43: {  	[sflag:s0] =	ssyncadd.tile.s32 @!p0 $0x1;
	_ =	shalt  }
.Lfunc_end2:
_tile_overlayer_lowered:
.L_overlay_start_2:
0x44: {  	(tag) =	ssettag $0x2  }
0x45: {  	s0 =	rddreg [dreg:$0x0];
	s2 =	stileid.u32  }
0x46: {  	s1 =	rddreg [dreg:$0x1];
	p0 =	sne.s32 s2, $0x0  }
0x47: {  	s3 =	rddreg [dreg:$0x2];
	[bflag:$0x3] =	sbarrier.arrive $0xFFFF;
	s2 =	simm.s32 @!p0 $0x1C01  }
0x48: {  	[timem:s3], [sflag:s2] =	dma.local @!p0 [hbm:s0], s1  }
0x49: {  	s0 =	simm.s32 @!p0 $0x1  }
0x4a: {  	_ =	swait.ge @!p0 [sflag:s0], s1  }
0x4b: {  	s1 =	ssub.s32 @!p0 $0x0, s1;
	[sflag:s0] =	ssyncset.done @!p0 $0x0  }
0x4c: {  	[sflag:s0] =	ssyncadd.s32 @!p0 s1  }
0x4d: {  	[bflag:$0x3] =	sbarrier.arrive $0xFFFF  }
0x4e: {  	_ =	shalt  }

</sc_bundles>
